<compile_context>
chip_gen: v7x
topology: tpu7x:2x2x1
jax: 0.10.2.dev20260603
libtpu: 0.0.44.dev20260713+nightly
codegen_flags: <defaults>
</compile_context>

<pallas_src>
import functools

import jax
import jax.numpy as jnp
from jax import lax
from jax.experimental import pallas as pl
from jax.experimental.pallas import tpu as pltpu
from jax.experimental.pallas import tpu_sc as plsc

_BATCH = 16384
_FEAT = 32
_LANES = 16

_NC = 2
_NS = 16
_NW = _NC * _NS
_BPW = _BATCH // _NW
_CHUNK = 128
_NQ = _BPW // _CHUNK
_ROWS = _FEAT * _NQ
_SUB = _CHUNK // _LANES

_NCLASS = 1000000
_LTILES = (_NCLASS + 127) // 128
_NSLAB = _FEAT // 8
_NTILES = _NSLAB * _LTILES
_FLAT = _NTILES * 1024

_TB = 32
_WPS = _NW // _NSLAB
_TPW = 977
_NB = -(-_TPW // _TB)
_RSMAX = _LTILES - 1 - _TB


@functools.cache
def _build_retile():
    mesh = plsc.VectorSubcoreMesh(core_axis_name="c", subcore_axis_name="s")

    @functools.partial(
        pl.kernel,
        mesh=mesh,
        out_type=jax.ShapeDtypeStruct((_NTILES, 8, 128), jnp.float32),
        scratch_types=[
            pltpu.VMEM((2, _TB, 8, 128), jnp.float32),
            pltpu.VMEM((_FEAT, 128), jnp.float32),
            pltpu.SemaphoreType.DMA,
            pltpu.SemaphoreType.DMA,
        ],
        compiler_params=pltpu.CompilerParams(needs_layout_passes=False),
    )
    def retile(ctrT_hbm, hi_hbm, out_hbm, buf_v, pbuf_v, rsem, wsem):
        wid = lax.axis_index("s") * _NC + lax.axis_index("c")
        slab = wid // _WPS
        ww = wid % _WPS
        srow = pl.multiple_of(slab * 8, 8)

        def rstart(b):
            return jnp.minimum(ww * _TPW + b * _TB, _RSMAX)

        def fire_reads(b, buf):
            rs = rstart(b)
            for i in range(_TB):
                col = pl.multiple_of((rs + i) * 128, 128)
                pltpu.async_copy(
                    ctrT_hbm.at[0, pl.ds(srow, 8), pl.ds(col, 128)],
                    buf.at[i], rsem)

        fire_reads(0, buf_v.at[0])

        def wdst(b):
            return out_hbm.at[pl.ds(slab * _LTILES + rstart(b), _TB)]

        def batch(b, carry):
            cur = b & 1
            pltpu.make_async_copy(
                out_hbm.at[pl.ds(0, _TB)], buf_v.at[cur], rsem).wait()

            @pl.when(b >= 1)
            def _():
                pltpu.make_async_copy(
                    buf_v.at[1 - cur], wdst(b - 1), wsem).wait()

            @pl.when(b + 1 < _NB)
            def _():
                fire_reads(b + 1, buf_v.at[1 - cur])

            pltpu.async_copy(buf_v.at[cur], wdst(b), wsem)
            return carry

        lax.fori_loop(0, _NB, batch, 0)
        pltpu.make_async_copy(
            buf_v.at[(_NB - 1) & 1], wdst(_NB - 1), wsem).wait()

        pltpu.sync_copy(hi_hbm, pbuf_v)
        pltpu.sync_copy(
            pbuf_v.at[pl.ds(srow, 8), :],
            out_hbm.at[slab * _LTILES + _LTILES - 1])

    return retile


@functools.cache
def _build_gather():
    mesh = plsc.VectorSubcoreMesh(core_axis_name="c", subcore_axis_name="s")

    @functools.partial(
        pl.kernel,
        mesh=mesh,
        out_type=jax.ShapeDtypeStruct((_NW, _LANES), jnp.float32),
        scratch_types=[
            pltpu.VMEM((_ROWS, _CHUNK), jnp.int32),
            pltpu.VMEM((_ROWS, _CHUNK), jnp.float32),
            pltpu.VMEM((_ROWS, _CHUNK), jnp.float32),
            pltpu.VMEM((_LANES,), jnp.float32),
            pltpu.SemaphoreType.DMA,
            pltpu.SemaphoreType.DMA,
        ],
        compiler_params=pltpu.CompilerParams(needs_layout_passes=False),
    )
    def center_loss_partials(featf_hbm, pidx_hbm, ctr_hbm, out_hbm,
                             idx_v, ctr_v, feat_v, acc_v, gsem, fsem):
        wid = lax.axis_index("s") * _NC + lax.axis_index("c")

        pltpu.sync_copy(pidx_hbm.at[wid], idx_v)
        fcopy = pltpu.async_copy(featf_hbm.at[wid], feat_v, fsem)

        def fire(j, carry):
            pltpu.async_copy(ctr_hbm.at[idx_v.at[j]], ctr_v.at[j], gsem)
            return carry

        lax.fori_loop(0, _ROWS, fire, 0)

        def drain(j, carry):
            pltpu.make_async_copy(
                ctr_hbm.at[idx_v.at[j]], ctr_v.at[j], gsem).wait()
            return carry

        lax.fori_loop(0, _ROWS, drain, 0)
        fcopy.wait()

        zeros = jnp.zeros((_LANES,), jnp.float32)

        def step(j, acc):
            for h in range(_SUB):
                cv = ctr_v[j, pl.ds(h * _LANES, _LANES)]
                fv = feat_v[j, pl.ds(h * _LANES, _LANES)]
                d = fv - cv
                acc = acc + d * d
            return acc

        acc = lax.fori_loop(0, _ROWS, step, zeros)
        acc_v[...] = acc
        pltpu.sync_copy(acc_v, out_hbm.at[wid])

    return center_loss_partials


def kernel(features, labels, centers):
    labels = labels.astype(jnp.int32)
    lab3 = labels.reshape(_NW, 1, _NQ, _CHUNK)
    c = jnp.arange(_FEAT, dtype=jnp.int32).reshape(1, _FEAT, 1, 1)
    base = (c // 8) * (_LTILES * 1024) + (c % 8) * 128
    pidx = (base + (lab3 >> 7) * 1024 + (lab3 & 127)).reshape(
        _NW, _ROWS, _CHUNK)
    featf = (features.reshape(_NW, _NQ, _CHUNK, _FEAT)
             .transpose(0, 3, 1, 2).reshape(_NW, _ROWS, _CHUNK))
    ctrT = centers.T[None]
    hi = jnp.pad(centers[(_LTILES - 1) * 128:].T, ((0, 0), (0, 64)))
    tiles = _build_retile()(ctrT, hi)
    ctr_flat = tiles.reshape(_FLAT)
    partials = _build_gather()(featf, pidx, ctr_flat)
    return jnp.sum(partials) * (0.5 / _BATCH)

# --- scband reference (transcript-rebuilt; emitter-appended) ---
"""Pipeline reference for scband-center-loss-71055938945181 (READ-ONLY COPY).

The authoritative reference and input builder live on the scoring server;
editing this copy changes nothing except your own understanding.
"""

import jax, jax.numpy as jnp
import numpy as np

NUM_CLASSES = 1000000
FEAT_DIM = 32
BATCH = 16384


def setup_inputs(seed: int = 0) -> dict:
    key = jax.random.key(seed)
    k1, k2, k3 = jax.random.split(key, 3)
    features = jax.random.normal(k1, (BATCH, FEAT_DIM), dtype=jnp.float32)
    labels = jax.random.randint(k2, (BATCH,), 0, NUM_CLASSES, dtype=jnp.int64)
    centers = jax.random.normal(k3, (NUM_CLASSES, FEAT_DIM), dtype=jnp.float32)
    return {"features": features, "labels": labels, "centers": centers}


def reference(features, labels, centers):
    labels = labels.astype(jnp.int64)
    batch_centers = jnp.take(centers, labels, axis=0)
    diff = features - batch_centers
    per_sample = 0.5 * jnp.sum(diff * diff, axis=1)
    return jnp.mean(per_sample)

if __name__ == "__main__":
    import jax
    _d = setup_inputs()
    print(jax.jit(kernel)(*tuple(_d.values())))

</pallas_src>

<mosaic_0001>
#map = affine_map<(d0, d1) -> (0, 0, 0)>
#map1 = affine_map<(d0, d1) -> (0, 0)>
module attributes {stable_mosaic.version = 14 : i64} {
  func.func @retile(%arg0: i32, %arg1: i32, %arg2: memref<1x32x1000000xf32, #tpu.memory_space<hbm>>, %arg3: memref<32x128xf32, #tpu.memory_space<hbm>>, %arg4: memref<31252x8x128xf32, #tpu.memory_space<hbm>>, %arg5: memref<2x32x8x128xf32, #tpu.memory_space<vmem>>, %arg6: memref<32x128xf32, #tpu.memory_space<vmem>>, %arg7: memref<!tpu.dma_semaphore, #tpu.memory_space<semaphore_mem>>, %arg8: memref<!tpu.dma_semaphore, #tpu.memory_space<semaphore_mem>>) attributes {dimension_semantics = [#tpu.dimension_semantics<core_parallel>, #tpu.dimension_semantics<subcore_parallel>], iteration_bounds = array<i64: 2, 16>, scalar_prefetch = 0 : i64, scratch_operands = 4 : i64, tpu.core_type = #tpu.core_type<sc_vector_subcore>, window_params = [{transform_indices = #map}, {transform_indices = #map1}, {transform_indices = #map}]} {
    %mul3A = arith.constant 2 : i32
    %mul3A_0 = arith.muli %arg1, %mul3A : i32
    %add3A = arith.addi %mul3A_0, %arg0 : i32
    %jit3A = arith.constant 8 : i32
    %div3A = arith.divsi %add3A, %jit3A : i32
    %sign3A = arith.constant 0 : i32
    %sign3A_1 = arith.cmpi sgt, %add3A, %sign3A : i32
    %sign3A_2 = arith.extui %sign3A_1 : i1 to i32
    %sign3A_3 = arith.constant 0 : i32
    %sign3A_4 = arith.cmpi slt, %add3A, %sign3A_3 : i32
    %sign3A_5 = arith.extui %sign3A_4 : i1 to i32
    %sign3A_6 = arith.subi %sign3A_2, %sign3A_5 : i32
    %sign3A_7 = arith.constant 0 : i32
    %sign3A_8 = arith.cmpi sgt, %jit3A, %sign3A_7 : i32
    %sign3A_9 = arith.extui %sign3A_8 : i1 to i32
    %sign3A_10 = arith.constant 0 : i32
    %sign3A_11 = arith.cmpi slt, %jit3A, %sign3A_10 : i32
    %sign3A_12 = arith.extui %sign3A_11 : i1 to i32
    %sign3A_13 = arith.subi %sign3A_9, %sign3A_12 : i32
    %ne3A = arith.cmpi ne, %sign3A_6, %sign3A_13 : i32
    %rem3A = arith.remsi %add3A, %jit3A : i32
    %ne3A_14 = arith.constant 0 : i32
    %ne3A_15 = arith.cmpi ne, %rem3A, %ne3A_14 : i32
    %and3A = arith.andi %ne3A, %ne3A_15 : i1
    %sub3A = arith.constant 1 : i32
    %sub3A_16 = arith.subi %div3A, %sub3A : i32
    %select_n3A = arith.select %and3A, %sub3A_16, %div3A : i32
    %jit3A_17 = arith.constant 8 : i32
    %eq3A = arith.constant 0 : i32
    %eq3A_18 = arith.cmpi eq, %jit3A_17, %eq3A : i32
    %jit3A_19 = arith.constant 1 : i32
    %select_n3A_20 = arith.select %eq3A_18, %jit3A_19, %jit3A_17 : i32
    %rem3A_21 = arith.remsi %add3A, %select_n3A_20 : i32
    %ne3A_22 = arith.constant 0 : i32
    %ne3A_23 = arith.cmpi ne, %rem3A_21, %ne3A_22 : i32
    %lt3A = arith.constant 0 : i32
    %lt3A_24 = arith.cmpi slt, %rem3A_21, %lt3A : i32
    %lt3A_25 = arith.constant 0 : i32
    %lt3A_26 = arith.cmpi slt, %select_n3A_20, %lt3A_25 : i32
    %ne3A_27 = arith.xori %lt3A_24, %lt3A_26 : i1
    %and3A_28 = arith.andi %ne3A_27, %ne3A_23 : i1
    %add3A_29 = arith.addi %rem3A_21, %select_n3A_20 : i32
    %select_n3A_30 = arith.select %and3A_28, %add3A_29, %rem3A_21 : i32
    %mul3A_31 = arith.constant 8 : i32
    %mul3A_32 = arith.muli %select_n3A, %mul3A_31 : i32
    %multiple_of3A = tpu.assume_multiple %mul3A_32, 8 : i32
    %mul3A_33 = arith.constant 977 : i32
    %mul3A_34 = arith.muli %select_n3A_30, %mul3A_33 : i32
    %add3A_35 = arith.constant 0 : i32
    %add3A_36 = arith.addi %mul3A_34, %add3A_35 : i32
    %min3A = arith.constant 7780 : i32
    %min3A_37 = arith.minsi %add3A_36, %min3A : i32
    %add3A_38 = arith.constant 0 : i32
    %add3A_39 = arith.addi %min3A_37, %add3A_38 : i32
    %mul3A_40 = arith.constant 128 : i32
    %mul3A_41 = arith.muli %add3A_39, %mul3A_40 : i32
    %multiple_of3A_42 = tpu.assume_multiple %mul3A_41, 128 : i32
    %dma_start3A = arith.constant 0 : i32
    %dma_start3A_43 = arith.constant 0 : i32
    %dma_start3A_44 = arith.constant 0 : i32
    %dma_start3A_45 = arith.constant 0 : i32
    %dma_start3A_46 = arith.constant 0 : i32
    %dma_start3A_47 = arith.constant 0 : i32
    %dma_start3A_48 = tpu.memref_slice %arg5[%dma_start3A_43, %dma_start3A_45, %dma_start3A_46, %dma_start3A_47] : memref<2x32x8x128xf32, #tpu.memory_space<vmem>> -> memref<1x32x8x128xf32, #tpu.memory_space<vmem>>
    %dma_start3A_49 = tpu.memref_squeeze %dma_start3A_48 : memref<1x32x8x128xf32, #tpu.memory_space<vmem>> -> memref<32x8x128xf32, #tpu.memory_space<vmem>>
    %dma_start3A_50 = arith.constant 0 : i32
    %dma_start3A_51 = arith.constant 0 : i32
    %dma_start3A_52 = tpu.memref_slice %dma_start3A_49[%dma_start3A_44, %dma_start3A_50, %dma_start3A_51] : memref<32x8x128xf32, #tpu.memory_space<vmem>> -> memref<1x8x128xf32, #tpu.memory_space<vmem>>
    %dma_start3A_53 = tpu.memref_squeeze %dma_start3A_52 : memref<1x8x128xf32, #tpu.memory_space<vmem>> -> memref<8x128xf32, #tpu.memory_space<vmem>>
    %dma_start3A_54 = tpu.memref_slice %arg2[%dma_start3A, %multiple_of3A, %multiple_of3A_42] : memref<1x32x1000000xf32, #tpu.memory_space<hbm>> -> memref<1x8x128xf32, #tpu.memory_space<hbm>>
    %dma_start3A_55 = tpu.memref_squeeze %dma_start3A_54 : memref<1x8x128xf32, #tpu.memory_space<hbm>> -> memref<8x128xf32, #tpu.memory_space<hbm>>
    %dma_start3A_56 = arith.constant 0 : i32
    %dma_start3A_57 = arith.constant 0 : i32
    %dma_start3A_58 = arith.constant 0 : i32
    %dma_start3A_59 = tpu.memref_slice %arg5[%dma_start3A_43, %dma_start3A_56, %dma_start3A_57, %dma_start3A_58] : memref<2x32x8x128xf32, #tpu.memory_space<vmem>> -> memref<1x32x8x128xf32, #tpu.memory_space<vmem>>
    %dma_start3A_60 = tpu.memref_squeeze %dma_start3A_59 : memref<1x32x8x128xf32, #tpu.memory_space<vmem>> -> memref<32x8x128xf32, #tpu.memory_space<vmem>>
    %dma_start3A_61 = arith.constant 0 : i32
    %dma_start3A_62 = arith.constant 0 : i32
    %dma_start3A_63 = tpu.memref_slice %dma_start3A_60[%dma_start3A_44, %dma_start3A_61, %dma_start3A_62] : memref<32x8x128xf32, #tpu.memory_space<vmem>> -> memref<1x8x128xf32, #tpu.memory_space<vmem>>
    %dma_start3A_64 = tpu.memref_squeeze %dma_start3A_63 : memref<1x8x128xf32, #tpu.memory_space<vmem>> -> memref<8x128xf32, #tpu.memory_space<vmem>>
    %dma_start3A_65 = tpu.memref_slice %arg2[%dma_start3A, %multiple_of3A, %multiple_of3A_42] : memref<1x32x1000000xf32, #tpu.memory_space<hbm>> -> memref<1x8x128xf32, #tpu.memory_space<hbm>>
    %dma_start3A_66 = tpu.memref_squeeze %dma_start3A_65 : memref<1x8x128xf32, #tpu.memory_space<hbm>> -> memref<8x128xf32, #tpu.memory_space<hbm>>
    tpu.enqueue_dma source(%dma_start3A_66 : memref<8x128xf32, #tpu.memory_space<hbm>>) target(%dma_start3A_64 : memref<8x128xf32, #tpu.memory_space<vmem>>) target_semaphore(%arg7 : memref<!tpu.dma_semaphore, #tpu.memory_space<semaphore_mem>>)
    %add3A_67 = arith.constant 1 : i32
    %add3A_68 = arith.addi %min3A_37, %add3A_67 : i32
    %mul3A_69 = arith.constant 128 : i32
    %mul3A_70 = arith.muli %add3A_68, %mul3A_69 : i32
    %multiple_of3A_71 = tpu.assume_multiple %mul3A_70, 128 : i32
    %dma_start3A_72 = arith.constant 0 : i32
    %dma_start3A_73 = arith.constant 0 : i32
    %dma_start3A_74 = arith.constant 1 : i32
    %dma_start3A_75 = arith.constant 0 : i32
    %dma_start3A_76 = arith.constant 0 : i32
    %dma_start3A_77 = arith.constant 0 : i32
    %dma_start3A_78 = tpu.memref_slice %arg5[%dma_start3A_73, %dma_start3A_75, %dma_start3A_76, %dma_start3A_77] : memref<2x32x8x128xf32, #tpu.memory_space<vmem>> -> memref<1x32x8x128xf32, #tpu.memory_space<vmem>>
    %dma_start3A_79 = tpu.memref_squeeze %dma_start3A_78 : memref<1x32x8x128xf32, #tpu.memory_space<vmem>> -> memref<32x8x128xf32, #tpu.memory_space<vmem>>
    %dma_start3A_80 = arith.constant 0 : i32
    %dma_start3A_81 = arith.constant 0 : i32
    %dma_start3A_82 = tpu.memref_slice %dma_start3A_79[%dma_start3A_74, %dma_start3A_80, %dma_start3A_81] : memref<32x8x128xf32, #tpu.memory_space<vmem>> -> memref<1x8x128xf32, #tpu.memory_space<vmem>>
    %dma_start3A_83 = tpu.memref_squeeze %dma_start3A_82 : memref<1x8x128xf32, #tpu.memory_space<vmem>> -> memref<8x128xf32, #tpu.memory_space<vmem>>
    %dma_start3A_84 = tpu.memref_slice %arg2[%dma_start3A_72, %multiple_of3A, %multiple_of3A_71] : memref<1x32x1000000xf32, #tpu.memory_space<hbm>> -> memref<1x8x128xf32, #tpu.memory_space<hbm>>
    %dma_start3A_85 = tpu.memref_squeeze %dma_start3A_84 : memref<1x8x128xf32, #tpu.memory_space<hbm>> -> memref<8x128xf32, #tpu.memory_space<hbm>>
    %dma_start3A_86 = arith.constant 0 : i32
    %dma_start3A_87 = arith.constant 0 : i32
    %dma_start3A_88 = arith.constant 0 : i32
    %dma_start3A_89 = tpu.memref_slice %arg5[%dma_start3A_73, %dma_start3A_86, %dma_start3A_87, %dma_start3A_88] : memref<2x32x8x128xf32, #tpu.memory_space<vmem>> -> memref<1x32x8x128xf32, #tpu.memory_space<vmem>>
    %dma_start3A_90 = tpu.memref_squeeze %dma_start3A_89 : memref<1x32x8x128xf32, #tpu.memory_space<vmem>> -> memref<32x8x128xf32, #tpu.memory_space<vmem>>
    %dma_start3A_91 = arith.constant 0 : i32
    %dma_start3A_92 = arith.constant 0 : i32
    %dma_start3A_93 = tpu.memref_slice %dma_start3A_90[%dma_start3A_74, %dma_start3A_91, %dma_start3A_92] : memref<32x8x128xf32, #tpu.memory_space<vmem>> -> memref<1x8x128xf32, #tpu.memory_space<vmem>>
    %dma_start3A_94 = tpu.memref_squeeze %dma_start3A_93 : memref<1x8x128xf32, #tpu.memory_space<vmem>> -> memref<8x128xf32, #tpu.memory_space<vmem>>
    %dma_start3A_95 = tpu.memref_slice %arg2[%dma_start3A_72, %multiple_of3A, %multiple_of3A_71] : memref<1x32x1000000xf32, #tpu.memory_space<hbm>> -> memref<1x8x128xf32, #tpu.memory_space<hbm>>
    %dma_start3A_96 = tpu.memref_squeeze %dma_start3A_95 : memref<1x8x128xf32, #tpu.memory_space<hbm>> -> memref<8x128xf32, #tpu.memory_space<hbm>>
    tpu.enqueue_dma source(%dma_start3A_96 : memref<8x128xf32, #tpu.memory_space<hbm>>) target(%dma_start3A_94 : memref<8x128xf32, #tpu.memory_space<vmem>>) target_semaphore(%arg7 : memref<!tpu.dma_semaphore, #tpu.memory_space<semaphore_mem>>)
    %add3A_97 = arith.constant 2 : i32
    %add3A_98 = arith.addi %min3A_37, %add3A_97 : i32
    %mul3A_99 = arith.constant 128 : i32
    %mul3A_100 = arith.muli %add3A_98, %mul3A_99 : i32
    %multiple_of3A_101 = tpu.assume_multiple %mul3A_100, 128 : i32
    %dma_start3A_102 = arith.constant 0 : i32
    %dma_start3A_103 = arith.constant 0 : i32
    %dma_start3A_104 = arith.constant 2 : i32
    %dma_start3A_105 = arith.constant 0 : i32
    %dma_start3A_106 = arith.constant 0 : i32
    %dma_start3A_107 = arith.constant 0 : i32
    %dma_start3A_108 = tpu.memref_slice %arg5[%dma_start3A_103, %dma_start3A_105, %dma_start3A_106, %dma_start3A_107] : memref<2x32x8x128xf32, #tpu.memory_space<vmem>> -> memref<1x32x8x128xf32, #tpu.memory_space<vmem>>
    %dma_start3A_109 = tpu.memref_squeeze %dma_start3A_108 : memref<1x32x8x128xf32, #tpu.memory_space<vmem>> -> memref<32x8x128xf32, #tpu.memory_space<vmem>>
    %dma_start3A_110 = arith.constant 0 : i32
    %dma_start3A_111 = arith.constant 0 : i32
    %dma_start3A_112 = tpu.memref_slice %dma_start3A_109[%dma_start3A_104, %dma_start3A_110, %dma_start3A_111] : memref<32x8x128xf32, #tpu.memory_space<vmem>> -> memref<1x8x128xf32, #tpu.memory_space<vmem>>
    %dma_start3A_113 = tpu.memref_squeeze %dma_start3A_112 : memref<1x8x128xf32, #tpu.memory_space<vmem>> -> memref<8x128xf32, #tpu.memory_space<vmem>>
    %dma_start3A_114 = tpu.memref_slice %arg2[%dma_start3A_102, %multiple_of3A, %multiple_of3A_101] : memref<1x32x1000000xf32, #tpu.memory_space<hbm>> -> memref<1x8x128xf32, #tpu.memory_space<hbm>>
    %dma_start3A_115 = tpu.memref_squeeze %dma_start3A_114 : memref<1x8x128xf32, #tpu.memory_space<hbm>> -> memref<8x128xf32, #tpu.memory_space<hbm>>
    %dma_start3A_116 = arith.constant 0 : i32
    %dma_start3A_117 = arith.constant 0 : i32
    %dma_start3A_118 = arith.constant 0 : i32
    %dma_start3A_119 = tpu.memref_slice %arg5[%dma_start3A_103, %dma_start3A_116, %dma_start3A_117, %dma_start3A_118] : memref<2x32x8x128xf32, #tpu.memory_space<vmem>> -> memref<1x32x8x128xf32, #tpu.memory_space<vmem>>
    %dma_start3A_120 = tpu.memref_squeeze %dma_start3A_119 : memref<1x32x8x128xf32, #tpu.memory_space<vmem>> -> memref<32x8x128xf32, #tpu.memory_space<vmem>>
    %dma_start3A_121 = arith.constant 0 : i32
    %dma_start3A_122 = arith.constant 0 : i32
    %dma_start3A_123 = tpu.memref_slice %dma_start3A_120[%dma_start3A_104, %dma_start3A_121, %dma_start3A_122] : memref<32x8x128xf32, #tpu.memory_space<vmem>> -> memref<1x8x128xf32, #tpu.memory_space<vmem>>
    %dma_start3A_124 = tpu.memref_squeeze %dma_start3A_123 : memref<1x8x128xf32, #tpu.memory_space<vmem>> -> memref<8x128xf32, #tpu.memory_space<vmem>>
    %dma_start3A_125 = tpu.memref_slice %arg2[%dma_start3A_102, %multiple_of3A, %multiple_of3A_101] : memref<1x32x1000000xf32, #tpu.memory_space<hbm>> -> memref<1x8x128xf32, #tpu.memory_space<hbm>>
    %dma_start3A_126 = tpu.memref_squeeze %dma_start3A_125 : memref<1x8x128xf32, #tpu.memory_space<hbm>> -> memref<8x128xf32, #tpu.memory_space<hbm>>
    tpu.enqueue_dma source(%dma_start3A_126 : memref<8x128xf32, #tpu.memory_space<hbm>>) target(%dma_start3A_124 : memref<8x128xf32, #tpu.memory_space<vmem>>) target_semaphore(%arg7 : memref<!tpu.dma_semaphore, #tpu.memory_space<semaphore_mem>>)
    %add3A_127 = arith.constant 3 : i32
    %add3A_128 = arith.addi %min3A_37, %add3A_127 : i32
    %mul3A_129 = arith.constant 128 : i32
    %mul3A_130 = arith.muli %add3A_128, %mul3A_129 : i32
    %multiple_of3A_131 = tpu.assume_multiple %mul3A_130, 128 : i32
    %dma_start3A_132 = arith.constant 0 : i32
    %dma_start3A_133 = arith.constant 0 : i32
    %dma_start3A_134 = arith.constant 3 : i32
    %dma_start3A_135 = arith.constant 0 : i32
    %dma_start3A_136 = arith.constant 0 : i32
    %dma_start3A_137 = arith.constant 0 : i32
    %dma_start3A_138 = tpu.memref_slice %arg5[%dma_start3A_133, %dma_start3A_135, %dma_start3A_136, %dma_start3A_137] : memref<2x32x8x128xf32, #tpu.memory_space<vmem>> -> memref<1x32x8x128xf32, #tpu.memory_space<vmem>>
    %dma_start3A_139 = tpu.memref_squeeze %dma_start3A_138 : memref<1x32x8x128xf32, #tpu.memory_space<vmem>> -> memref<32x8x128xf32, #tpu.memory_space<vmem>>
    %dma_start3A_140 = arith.constant 0 : i32
    %dma_start3A_141 = arith.constant 0 : i32
    %dma_start3A_142 = tpu.memref_slice %dma_start3A_139[%dma_start3A_134, %dma_start3A_140, %dma_start3A_141] : memref<32x8x128xf32, #tpu.memory_space<vmem>> -> memref<1x8x128xf32, #tpu.memory_space<vmem>>
    %dma_start3A_143 = tpu.memref_squeeze %dma_start3A_142 : memref<1x8x128xf32, #tpu.memory_space<vmem>> -> memref<8x128xf32, #tpu.memory_space<vmem>>
    %dma_start3A_144 = tpu.memref_slice %arg2[%dma_start3A_132, %multiple_of3A, %multiple_of3A_131] : memref<1x32x1000000xf32, #tpu.memory_space<hbm>> -> memref<1x8x128xf32, #tpu.memory_space<hbm>>
    %dma_start3A_145 = tpu.memref_squeeze %dma_start3A_144 : memref<1x8x128xf32, #tpu.memory_space<hbm>> -> memref<8x128xf32, #tpu.memory_space<hbm>>
    %dma_start3A_146 = arith.constant 0 : i32
    %dma_start3A_147 = arith.constant 0 : i32
    %dma_start3A_148 = arith.constant 0 : i32
    %dma_start3A_149 = tpu.memref_slice %arg5[%dma_start3A_133, %dma_start3A_146, %dma_start3A_147, %dma_start3A_148] : memref<2x32x8x128xf32, #tpu.memory_space<vmem>> -> memref<1x32x8x128xf32, #tpu.memory_space<vmem>>
    %dma_start3A_150 = tpu.memref_squeeze %dma_start3A_149 : memref<1x32x8x128xf32, #tpu.memory_space<vmem>> -> memref<32x8x128xf32, #tpu.memory_space<vmem>>
    %dma_start3A_151 = arith.constant 0 : i32
    %dma_start3A_152 = arith.constant 0 : i32
    %dma_start3A_153 = tpu.memref_slice %dma_start3A_150[%dma_start3A_134, %dma_start3A_151, %dma_start3A_152] : memref<32x8x128xf32, #tpu.memory_space<vmem>> -> memref<1x8x128xf32, #tpu.memory_space<vmem>>
    %dma_start3A_154 = tpu.memref_squeeze %dma_start3A_153 : memref<1x8x128xf32, #tpu.memory_space<vmem>> -> memref<8x128xf32, #tpu.memory_space<vmem>>
    %dma_start3A_155 = tpu.memref_slice %arg2[%dma_start3A_132, %multiple_of3A, %multiple_of3A_131] : memref<1x32x1000000xf32, #tpu.memory_space<hbm>> -> memref<1x8x128xf32, #tpu.memory_space<hbm>>
    %dma_start3A_156 = tpu.memref_squeeze %dma_start3A_155 : memref<1x8x128xf32, #tpu.memory_space<hbm>> -> memref<8x128xf32, #tpu.memory_space<hbm>>
    tpu.enqueue_dma source(%dma_start3A_156 : memref<8x128xf32, #tpu.memory_space<hbm>>) target(%dma_start3A_154 : memref<8x128xf32, #tpu.memory_space<vmem>>) target_semaphore(%arg7 : memref<!tpu.dma_semaphore, #tpu.memory_space<semaphore_mem>>)
    %add3A_157 = arith.constant 4 : i32
    %add3A_158 = arith.addi %min3A_37, %add3A_157 : i32
    %mul3A_159 = arith.constant 128 : i32
    %mul3A_160 = arith.muli %add3A_158, %mul3A_159 : i32
    %multiple_of3A_161 = tpu.assume_multiple %mul3A_160, 128 : i32
    %dma_start3A_162 = arith.constant 0 : i32
    %dma_start3A_163 = arith.constant 0 : i32
    %dma_start3A_164 = arith.constant 4 : i32
    %dma_start3A_165 = arith.constant 0 : i32
    %dma_start3A_166 = arith.constant 0 : i32
    %dma_start3A_167 = arith.constant 0 : i32
    %dma_start3A_168 = tpu.memref_slice %arg5[%dma_start3A_163, %dma_start3A_165, %dma_start3A_166, %dma_start3A_167] : memref<2x32x8x128xf32, #tpu.memory_space<vmem>> -> memref<1x32x8x128xf32, #tpu.memory_space<vmem>>
    %dma_start3A_169 = tpu.memref_squeeze %dma_start3A_168 : memref<1x32x8x128xf32, #tpu.memory_space<vmem>> -> memref<32x8x128xf32, #tpu.memory_space<vmem>>
    %dma_start3A_170 = arith.constant 0 : i32
    %dma_start3A_171 = arith.constant 0 : i32
    %dma_start3A_172 = tpu.memref_slice %dma_start3A_169[%dma_start3A_164, %dma_start3A_170, %dma_start3A_171] : memref<32x8x128xf32, #tpu.memory_space<vmem>> -> memref<1x8x128xf32, #tpu.memory_space<vmem>>
    %dma_start3A_173 = tpu.memref_squeeze %dma_start3A_172 : memref<1x8x128xf32, #tpu.memory_space<vmem>> -> memref<8x128xf32, #tpu.memory_space<vmem>>
    %dma_start3A_174 = tpu.memref_slice %arg2[%dma_start3A_162, %multiple_of3A, %multiple_of3A_161] : memref<1x32x1000000xf32, #tpu.memory_space<hbm>> -> memref<1x8x128xf32, #tpu.memory_space<hbm>>
    %dma_start3A_175 = tpu.memref_squeeze %dma_start3A_174 : memref<1x8x128xf32, #tpu.memory_space<hbm>> -> memref<8x128xf32, #tpu.memory_space<hbm>>
    %dma_start3A_176 = arith.constant 0 : i32
    %dma_start3A_177 = arith.constant 0 : i32
    %dma_start3A_178 = arith.constant 0 : i32
    %dma_start3A_179 = tpu.memref_slice %arg5[%dma_start3A_163, %dma_start3A_176, %dma_start3A_177, %dma_start3A_178] : memref<2x32x8x128xf32, #tpu.memory_space<vmem>> -> memref<1x32x8x128xf32, #tpu.memory_space<vmem>>
    %dma_start3A_180 = tpu.memref_squeeze %dma_start3A_179 : memref<1x32x8x128xf32, #tpu.memory_space<vmem>> -> memref<32x8x128xf32, #tpu.memory_space<vmem>>
    %dma_start3A_181 = arith.constant 0 : i32
    %dma_start3A_182 = arith.constant 0 : i32
    %dma_start3A_183 = tpu.memref_slice %dma_start3A_180[%dma_start3A_164, %dma_start3A_181, %dma_start3A_182] : memref<32x8x128xf32, #tpu.memory_space<vmem>> -> memref<1x8x128xf32, #tpu.memory_space<vmem>>
    %dma_start3A_184 = tpu.memref_squeeze %dma_start3A_183 : memref<1x8x128xf32, #tpu.memory_space<vmem>> -> memref<8x128xf32, #tpu.memory_space<vmem>>
    %dma_start3A_185 = tpu.memref_slice %arg2[%dma_start3A_162, %multiple_of3A, %multiple_of3A_161] : memref<1x32x1000000xf32, #tpu.memory_space<hbm>> -> memref<1x8x128xf32, #tpu.memory_space<hbm>>
    %dma_start3A_186 = tpu.memref_squeeze %dma_start3A_185 : memref<1x8x128xf32, #tpu.memory_space<hbm>> -> memref<8x128xf32, #tpu.memory_space<hbm>>
    tpu.enqueue_dma source(%dma_start3A_186 : memref<8x128xf32, #tpu.memory_space<hbm>>) target(%dma_start3A_184 : memref<8x128xf32, #tpu.memory_space<vmem>>) target_semaphore(%arg7 : memref<!tpu.dma_semaphore, #tpu.memory_space<semaphore_mem>>)
    %add3A_187 = arith.constant 5 : i32
    %add3A_188 = arith.addi %min3A_37, %add3A_187 : i32
    %mul3A_189 = arith.constant 128 : i32
    %mul3A_190 = arith.muli %add3A_188, %mul3A_189 : i32
    %multiple_of3A_191 = tpu.assume_multiple %mul3A_190, 128 : i32
    %dma_start3A_192 = arith.constant 0 : i32
    %dma_start3A_193 = arith.constant 0 : i32
    %dma_start3A_194 = arith.constant 5 : i32
    %dma_start3A_195 = arith.constant 0 : i32
    %dma_start3A_196 = arith.constant 0 : i32
    %dma_start3A_197 = arith.constant 0 : i32
    %dma_start3A_198 = tpu.memref_slice %arg5[%dma_start3A_193, %dma_start3A_195, %dma_start3A_196, %dma_start3A_197] : memref<2x32x8x128xf32, #tpu.memory_space<vmem>> -> memref<1x32x8x128xf32, #tpu.memory_space<vmem>>
    %dma_start3A_199 = tpu.memref_squeeze %dma_start3A_198 : memref<1x32x8x128xf32, #tpu.memory_space<vmem>> -> memref<32x8x128xf32, #tpu.memory_space<vmem>>
    %dma_start3A_200 = arith.constant 0 : i32
    %dma_start3A_201 = arith.constant 0 : i32
    %dma_start3A_202 = tpu.memref_slice %dma_start3A_199[%dma_start3A_194, %dma_start3A_200, %dma_start3A_201] : memref<32x8x128xf32, #tpu.memory_space<vmem>> -> memref<1x8x128xf32, #tpu.memory_space<vmem>>
    %dma_start3A_203 = tpu.memref_squeeze %dma_start3A_202 : memref<1x8x128xf32, #tpu.memory_space<vmem>> -> memref<8x128xf32, #tpu.memory_space<vmem>>
    %dma_start3A_204 = tpu.memref_slice %arg2[%dma_start3A_192, %multiple_of3A, %multiple_of3A_191] : memref<1x32x1000000xf32, #tpu.memory_space<hbm>> -> memref<1x8x128xf32, #tpu.memory_space<hbm>>
    %dma_start3A_205 = tpu.memref_squeeze %dma_start3A_204 : memref<1x8x128xf32, #tpu.memory_space<hbm>> -> memref<8x128xf32, #tpu.memory_space<hbm>>
    %dma_start3A_206 = arith.constant 0 : i32
    %dma_start3A_207 = arith.constant 0 : i32
    %dma_start3A_208 = arith.constant 0 : i32
    %dma_start3A_209 = tpu.memref_slice %arg5[%dma_start3A_193, %dma_start3A_206, %dma_start3A_207, %dma_start3A_208] : memref<2x32x8x128xf32, #tpu.memory_space<vmem>> -> memref<1x32x8x128xf32, #tpu.memory_space<vmem>>
    %dma_start3A_210 = tpu.memref_squeeze %dma_start3A_209 : memref<1x32x8x128xf32, #tpu.memory_space<vmem>> -> memref<32x8x128xf32, #tpu.memory_space<vmem>>
    %dma_start3A_211 = arith.constant 0 : i32
    %dma_start3A_212 = arith.constant 0 : i32
    %dma_start3A_213 = tpu.memref_slice %dma_start3A_210[%dma_start3A_194, %dma_start3A_211, %dma_start3A_212] : memref<32x8x128xf32, #tpu.memory_space<vmem>> -> memref<1x8x128xf32, #tpu.memory_space<vmem>>
    %dma_start3A_214 = tpu.memref_squeeze %dma_start3A_213 : memref<1x8x128xf32, #tpu.memory_space<vmem>> -> memref<8x128xf32, #tpu.memory_space<vmem>>
    %dma_start3A_215 = tpu.memref_slice %arg2[%dma_start3A_192, %multiple_of3A, %multiple_of3A_191] : memref<1x32x1000000xf32, #tpu.memory_space<hbm>> -> memref<1x8x128xf32, #tpu.memory_space<hbm>>
    %dma_start3A_216 = tpu.memref_squeeze %dma_start3A_215 : memref<1x8x128xf32, #tpu.memory_space<hbm>> -> memref<8x128xf32, #tpu.memory_space<hbm>>
    tpu.enqueue_dma source(%dma_start3A_216 : memref<8x128xf32, #tpu.memory_space<hbm>>) target(%dma_start3A_214 : memref<8x128xf32, #tpu.memory_space<vmem>>) target_semaphore(%arg7 : memref<!tpu.dma_semaphore, #tpu.memory_space<semaphore_mem>>)
    %add3A_217 = arith.constant 6 : i32
    %add3A_218 = arith.addi %min3A_37, %add3A_217 : i32
    %mul3A_219 = arith.constant 128 : i32
    %mul3A_220 = arith.muli %add3A_218, %mul3A_219 : i32
    %multiple_of3A_221 = tpu.assume_multiple %mul3A_220, 128 : i32
    %dma_start3A_222 = arith.constant 0 : i32
    %dma_start3A_223 = arith.constant 0 : i32
    %dma_start3A_224 = arith.constant 6 : i32
    %dma_start3A_225 = arith.constant 0 : i32
    %dma_start3A_226 = arith.constant 0 : i32
    %dma_start3A_227 = arith.constant 0 : i32
    %dma_start3A_228 = tpu.memref_slice %arg5[%dma_start3A_223, %dma_start3A_225, %dma_start3A_226, %dma_start3A_227] : memref<2x32x8x128xf32, #tpu.memory_space<vmem>> -> memref<1x32x8x128xf32, #tpu.memory_space<vmem>>
    %dma_start3A_229 = tpu.memref_squeeze %dma_start3A_228 : memref<1x32x8x128xf32, #tpu.memory_space<vmem>> -> memref<32x8x128xf32, #tpu.memory_space<vmem>>
    %dma_start3A_230 = arith.constant 0 : i32
    %dma_start3A_231 = arith.constant 0 : i32
    %dma_start3A_232 = tpu.memref_slice %dma_start3A_229[%dma_start3A_224, %dma_start3A_230, %dma_start3A_231] : memref<32x8x128xf32, #tpu.memory_space<vmem>> -> memref<1x8x128xf32, #tpu.memory_space<vmem>>
    %dma_start3A_233 = tpu.memref_squeeze %dma_start3A_232 : memref<1x8x128xf32, #tpu.memory_space<vmem>> -> memref<8x128xf32, #tpu.memory_space<vmem>>
    %dma_start3A_234 = tpu.memref_slice %arg2[%dma_start3A_222, %multiple_of3A, %multiple_of3A_221] : memref<1x32x1000000xf32, #tpu.memory_space<hbm>> -> memref<1x8x128xf32, #tpu.memory_space<hbm>>
    %dma_start3A_235 = tpu.memref_squeeze %dma_start3A_234 : memref<1x8x128xf32, #tpu.memory_space<hbm>> -> memref<8x128xf32, #tpu.memory_space<hbm>>
    %dma_start3A_236 = arith.constant 0 : i32
    %dma_start3A_237 = arith.constant 0 : i32
    %dma_start3A_238 = arith.constant 0 : i32
    %dma_start3A_239 = tpu.memref_slice %arg5[%dma_start3A_223, %dma_start3A_236, %dma_start3A_237, %dma_start3A_238] : memref<2x32x8x128xf32, #tpu.memory_space<vmem>> -> memref<1x32x8x128xf32, #tpu.memory_space<vmem>>
    %dma_start3A_240 = tpu.memref_squeeze %dma_start3A_239 : memref<1x32x8x128xf32, #tpu.memory_space<vmem>> -> memref<32x8x128xf32, #tpu.memory_space<vmem>>
    %dma_start3A_241 = arith.constant 0 : i32
    %dma_start3A_242 = arith.constant 0 : i32
    %dma_start3A_243 = tpu.memref_slice %dma_start3A_240[%dma_start3A_224, %dma_start3A_241, %dma_start3A_242] : memref<32x8x128xf32, #tpu.memory_space<vmem>> -> memref<1x8x128xf32, #tpu.memory_space<vmem>>
    %dma_start3A_244 = tpu.memref_squeeze %dma_start3A_243 : memref<1x8x128xf32, #tpu.memory_space<vmem>> -> memref<8x128xf32, #tpu.memory_space<vmem>>
    %dma_start3A_245 = tpu.memref_slice %arg2[%dma_start3A_222, %multiple_of3A, %multiple_of3A_221] : memref<1x32x1000000xf32, #tpu.memory_space<hbm>> -> memref<1x8x128xf32, #tpu.memory_space<hbm>>
    %dma_start3A_246 = tpu.memref_squeeze %dma_start3A_245 : memref<1x8x128xf32, #tpu.memory_space<hbm>> -> memref<8x128xf32, #tpu.memory_space<hbm>>
    tpu.enqueue_dma source(%dma_start3A_246 : memref<8x128xf32, #tpu.memory_space<hbm>>) target(%dma_start3A_244 : memref<8x128xf32, #tpu.memory_space<vmem>>) target_semaphore(%arg7 : memref<!tpu.dma_semaphore, #tpu.memory_space<semaphore_mem>>)
    %add3A_247 = arith.constant 7 : i32
    %add3A_248 = arith.addi %min3A_37, %add3A_247 : i32
    %mul3A_249 = arith.constant 128 : i32
    %mul3A_250 = arith.muli %add3A_248, %mul3A_249 : i32
    %multiple_of3A_251 = tpu.assume_multiple %mul3A_250, 128 : i32
    %dma_start3A_252 = arith.constant 0 : i32
    %dma_start3A_253 = arith.constant 0 : i32
    %dma_start3A_254 = arith.constant 7 : i32
    %dma_start3A_255 = arith.constant 0 : i32
    %dma_start3A_256 = arith.constant 0 : i32
    %dma_start3A_257 = arith.constant 0 : i32
    %dma_start3A_258 = tpu.memref_slice %arg5[%dma_start3A_253, %dma_start3A_255, %dma_start3A_256, %dma_start3A_257] : memref<2x32x8x128xf32, #tpu.memory_space<vmem>> -> memref<1x32x8x128xf32, #tpu.memory_space<vmem>>
    %dma_start3A_259 = tpu.memref_squeeze %dma_start3A_258 : memref<1x32x8x128xf32, #tpu.memory_space<vmem>> -> memref<32x8x128xf32, #tpu.memory_space<vmem>>
    %dma_start3A_260 = arith.constant 0 : i32
    %dma_start3A_261 = arith.constant 0 : i32
    %dma_start3A_262 = tpu.memref_slice %dma_start3A_259[%dma_start3A_254, %dma_start3A_260, %dma_start3A_261] : memref<32x8x128xf32, #tpu.memory_space<vmem>> -> memref<1x8x128xf32, #tpu.memory_space<vmem>>
    %dma_start3A_263 = tpu.memref_squeeze %dma_start3A_262 : memref<1x8x128xf32, #tpu.memory_space<vmem>> -> memref<8x128xf32, #tpu.memory_space<vmem>>
    %dma_start3A_264 = tpu.memref_slice %arg2[%dma_start3A_252, %multiple_of3A, %multiple_of3A_251] : memref<1x32x1000000xf32, #tpu.memory_space<hbm>> -> memref<1x8x128xf32, #tpu.memory_space<hbm>>
    %dma_start3A_265 = tpu.memref_squeeze %dma_start3A_264 : memref<1x8x128xf32, #tpu.memory_space<hbm>> -> memref<8x128xf32, #tpu.memory_space<hbm>>
    %dma_start3A_266 = arith.constant 0 : i32
    %dma_start3A_267 = arith.constant 0 : i32
    %dma_start3A_268 = arith.constant 0 : i32
    %dma_start3A_269 = tpu.memref_slice %arg5[%dma_start3A_253, %dma_start3A_266, %dma_start3A_267, %dma_start3A_268] : memref<2x32x8x128xf32, #tpu.memory_space<vmem>> -> memref<1x32x8x128xf32, #tpu.memory_space<vmem>>
    %dma_start3A_270 = tpu.memref_squeeze %dma_start3A_269 : memref<1x32x8x128xf32, #tpu.memory_space<vmem>> -> memref<32x8x128xf32, #tpu.memory_space<vmem>>
    %dma_start3A_271 = arith.constant 0 : i32
    %dma_start3A_272 = arith.constant 0 : i32
    %dma_start3A_273 = tpu.memref_slice %dma_start3A_270[%dma_start3A_254, %dma_start3A_271, %dma_start3A_272] : memref<32x8x128xf32, #tpu.memory_space<vmem>> -> memref<1x8x128xf32, #tpu.memory_space<vmem>>
    %dma_start3A_274 = tpu.memref_squeeze %dma_start3A_273 : memref<1x8x128xf32, #tpu.memory_space<vmem>> -> memref<8x128xf32, #tpu.memory_space<vmem>>
    %dma_start3A_275 = tpu.memref_slice %arg2[%dma_start3A_252, %multiple_of3A, %multiple_of3A_251] : memref<1x32x1000000xf32, #tpu.memory_space<hbm>> -> memref<1x8x128xf32, #tpu.memory_space<hbm>>
    %dma_start3A_276 = tpu.memref_squeeze %dma_start3A_275 : memref<1x8x128xf32, #tpu.memory_space<hbm>> -> memref<8x128xf32, #tpu.memory_space<hbm>>
    tpu.enqueue_dma source(%dma_start3A_276 : memref<8x128xf32, #tpu.memory_space<hbm>>) target(%dma_start3A_274 : memref<8x128xf32, #tpu.memory_space<vmem>>) target_semaphore(%arg7 : memref<!tpu.dma_semaphore, #tpu.memory_space<semaphore_mem>>)
    %add3A_277 = arith.constant 8 : i32
    %add3A_278 = arith.addi %min3A_37, %add3A_277 : i32
    %mul3A_279 = arith.constant 128 : i32
    %mul3A_280 = arith.muli %add3A_278, %mul3A_279 : i32
    %multiple_of3A_281 = tpu.assume_multiple %mul3A_280, 128 : i32
    %dma_start3A_282 = arith.constant 0 : i32
    %dma_start3A_283 = arith.constant 0 : i32
    %dma_start3A_284 = arith.constant 8 : i32
    %dma_start3A_285 = arith.constant 0 : i32
    %dma_start3A_286 = arith.constant 0 : i32
    %dma_start3A_287 = arith.constant 0 : i32
    %dma_start3A_288 = tpu.memref_slice %arg5[%dma_start3A_283, %dma_start3A_285, %dma_start3A_286, %dma_start3A_287] : memref<2x32x8x128xf32, #tpu.memory_space<vmem>> -> memref<1x32x8x128xf32, #tpu.memory_space<vmem>>
    %dma_start3A_289 = tpu.memref_squeeze %dma_start3A_288 : memref<1x32x8x128xf32, #tpu.memory_space<vmem>> -> memref<32x8x128xf32, #tpu.memory_space<vmem>>
    %dma_start3A_290 = arith.constant 0 : i32
    %dma_start3A_291 = arith.constant 0 : i32
    %dma_start3A_292 = tpu.memref_slice %dma_start3A_289[%dma_start3A_284, %dma_start3A_290, %dma_start3A_291] : memref<32x8x128xf32, #tpu.memory_space<vmem>> -> memref<1x8x128xf32, #tpu.memory_space<vmem>>
    %dma_start3A_293 = tpu.memref_squeeze %dma_start3A_292 : memref<1x8x128xf32, #tpu.memory_space<vmem>> -> memref<8x128xf32, #tpu.memory_space<vmem>>
    %dma_start3A_294 = tpu.memref_slice %arg2[%dma_start3A_282, %multiple_of3A, %multiple_of3A_281] : memref<1x32x1000000xf32, #tpu.memory_space<hbm>> -> memref<1x8x128xf32, #tpu.memory_space<hbm>>
    %dma_start3A_295 = tpu.memref_squeeze %dma_start3A_294 : memref<1x8x128xf32, #tpu.memory_space<hbm>> -> memref<8x128xf32, #tpu.memory_space<hbm>>
    %dma_start3A_296 = arith.constant 0 : i32
    %dma_start3A_297 = arith.constant 0 : i32
    %dma_start3A_298 = arith.constant 0 : i32
    %dma_start3A_299 = tpu.memref_slice %arg5[%dma_start3A_283, %dma_start3A_296, %dma_start3A_297, %dma_start3A_298] : memref<2x32x8x128xf32, #tpu.memory_space<vmem>> -> memref<1x32x8x128xf32, #tpu.memory_space<vmem>>
    %dma_start3A_300 = tpu.memref_squeeze %dma_start3A_299 : memref<1x32x8x128xf32, #tpu.memory_space<vmem>> -> memref<32x8x128xf32, #tpu.memory_space<vmem>>
    %dma_start3A_301 = arith.constant 0 : i32
    %dma_start3A_302 = arith.constant 0 : i32
    %dma_start3A_303 = tpu.memref_slice %dma_start3A_300[%dma_start3A_284, %dma_start3A_301, %dma_start3A_302] : memref<32x8x128xf32, #tpu.memory_space<vmem>> -> memref<1x8x128xf32, #tpu.memory_space<vmem>>
    %dma_start3A_304 = tpu.memref_squeeze %dma_start3A_303 : memref<1x8x128xf32, #tpu.memory_space<vmem>> -> memref<8x128xf32, #tpu.memory_space<vmem>>
    %dma_start3A_305 = tpu.memref_slice %arg2[%dma_start3A_282, %multiple_of3A, %multiple_of3A_281] : memref<1x32x1000000xf32, #tpu.memory_space<hbm>> -> memref<1x8x128xf32, #tpu.memory_space<hbm>>
    %dma_start3A_306 = tpu.memref_squeeze %dma_start3A_305 : memref<1x8x128xf32, #tpu.memory_space<hbm>> -> memref<8x128xf32, #tpu.memory_space<hbm>>
    tpu.enqueue_dma source(%dma_start3A_306 : memref<8x128xf32, #tpu.memory_space<hbm>>) target(%dma_start3A_304 : memref<8x128xf32, #tpu.memory_space<vmem>>) target_semaphore(%arg7 : memref<!tpu.dma_semaphore, #tpu.memory_space<semaphore_mem>>)
    %add3A_307 = arith.constant 9 : i32
    %add3A_308 = arith.addi %min3A_37, %add3A_307 : i32
    %mul3A_309 = arith.constant 128 : i32
    %mul3A_310 = arith.muli %add3A_308, %mul3A_309 : i32
    %multiple_of3A_311 = tpu.assume_multiple %mul3A_310, 128 : i32
    %dma_start3A_312 = arith.constant 0 : i32
    %dma_start3A_313 = arith.constant 0 : i32
    %dma_start3A_314 = arith.constant 9 : i32
    %dma_start3A_315 = arith.constant 0 : i32
    %dma_start3A_316 = arith.constant 0 : i32
    %dma_start3A_317 = arith.constant 0 : i32
    %dma_start3A_318 = tpu.memref_slice %arg5[%dma_start3A_313, %dma_start3A_315, %dma_start3A_316, %dma_start3A_317] : memref<2x32x8x128xf32, #tpu.memory_space<vmem>> -> memref<1x32x8x128xf32, #tpu.memory_space<vmem>>
    %dma_start3A_319 = tpu.memref_squeeze %dma_start3A_318 : memref<1x32x8x128xf32, #tpu.memory_space<vmem>> -> memref<32x8x128xf32, #tpu.memory_space<vmem>>
    %dma_start3A_320 = arith.constant 0 : i32
    %dma_start3A_321 = arith.constant 0 : i32
    %dma_start3A_322 = tpu.memref_slice %dma_start3A_319[%dma_start3A_314, %dma_start3A_320, %dma_start3A_321] : memref<32x8x128xf32, #tpu.memory_space<vmem>> -> memref<1x8x128xf32, #tpu.memory_space<vmem>>
    %dma_start3A_323 = tpu.memref_squeeze %dma_start3A_322 : memref<1x8x128xf32, #tpu.memory_space<vmem>> -> memref<8x128xf32, #tpu.memory_space<vmem>>
    %dma_start3A_324 = tpu.memref_slice %arg2[%dma_start3A_312, %multiple_of3A, %multiple_of3A_311] : memref<1x32x1000000xf32, #tpu.memory_space<hbm>> -> memref<1x8x128xf32, #tpu.memory_space<hbm>>
    %dma_start3A_325 = tpu.memref_squeeze %dma_start3A_324 : memref<1x8x128xf32, #tpu.memory_space<hbm>> -> memref<8x128xf32, #tpu.memory_space<hbm>>
    %dma_start3A_326 = arith.constant 0 : i32
    %dma_start3A_327 = arith.constant 0 : i32
    %dma_start3A_328 = arith.constant 0 : i32
    %dma_start3A_329 = tpu.memref_slice %arg5[%dma_start3A_313, %dma_start3A_326, %dma_start3A_327, %dma_start3A_328] : memref<2x32x8x128xf32, #tpu.memory_space<vmem>> -> memref<1x32x8x128xf32, #tpu.memory_space<vmem>>
    %dma_start3A_330 = tpu.memref_squeeze %dma_start3A_329 : memref<1x32x8x128xf32, #tpu.memory_space<vmem>> -> memref<32x8x128xf32, #tpu.memory_space<vmem>>
    %dma_start3A_331 = arith.constant 0 : i32
    %dma_start3A_332 = arith.constant 0 : i32
    %dma_start3A_333 = tpu.memref_slice %dma_start3A_330[%dma_start3A_314, %dma_start3A_331, %dma_start3A_332] : memref<32x8x128xf32, #tpu.memory_space<vmem>> -> memref<1x8x128xf32, #tpu.memory_space<vmem>>
    %dma_start3A_334 = tpu.memref_squeeze %dma_start3A_333 : memref<1x8x128xf32, #tpu.memory_space<vmem>> -> memref<8x128xf32, #tpu.memory_space<vmem>>
    %dma_start3A_335 = tpu.memref_slice %arg2[%dma_start3A_312, %multiple_of3A, %multiple_of3A_311] : memref<1x32x1000000xf32, #tpu.memory_space<hbm>> -> memref<1x8x128xf32, #tpu.memory_space<hbm>>
    %dma_start3A_336 = tpu.memref_squeeze %dma_start3A_335 : memref<1x8x128xf32, #tpu.memory_space<hbm>> -> memref<8x128xf32, #tpu.memory_space<hbm>>
    tpu.enqueue_dma source(%dma_start3A_336 : memref<8x128xf32, #tpu.memory_space<hbm>>) target(%dma_start3A_334 : memref<8x128xf32, #tpu.memory_space<vmem>>) target_semaphore(%arg7 : memref<!tpu.dma_semaphore, #tpu.memory_space<semaphore_mem>>)
    %add3A_337 = arith.constant 10 : i32
    %add3A_338 = arith.addi %min3A_37, %add3A_337 : i32
    %mul3A_339 = arith.constant 128 : i32
    %mul3A_340 = arith.muli %add3A_338, %mul3A_339 : i32
    %multiple_of3A_341 = tpu.assume_multiple %mul3A_340, 128 : i32
    %dma_start3A_342 = arith.constant 0 : i32
    %dma_start3A_343 = arith.constant 0 : i32
    %dma_start3A_344 = arith.constant 10 : i32
    %dma_start3A_345 = arith.constant 0 : i32
    %dma_start3A_346 = arith.constant 0 : i32
    %dma_start3A_347 = arith.constant 0 : i32
    %dma_start3A_348 = tpu.memref_slice %arg5[%dma_start3A_343, %dma_start3A_345, %dma_start3A_346, %dma_start3A_347] : memref<2x32x8x128xf32, #tpu.memory_space<vmem>> -> memref<1x32x8x128xf32, #tpu.memory_space<vmem>>
    %dma_start3A_349 = tpu.memref_squeeze %dma_start3A_348 : memref<1x32x8x128xf32, #tpu.memory_space<vmem>> -> memref<32x8x128xf32, #tpu.memory_space<vmem>>
    %dma_start3A_350 = arith.constant 0 : i32
    %dma_start3A_351 = arith.constant 0 : i32
    %dma_start3A_352 = tpu.memref_slice %dma_start3A_349[%dma_start3A_344, %dma_start3A_350, %dma_start3A_351] : memref<32x8x128xf32, #tpu.memory_space<vmem>> -> memref<1x8x128xf32, #tpu.memory_space<vmem>>
    %dma_start3A_353 = tpu.memref_squeeze %dma_start3A_352 : memref<1x8x128xf32, #tpu.memory_space<vmem>> -> memref<8x128xf32, #tpu.memory_space<vmem>>
    %dma_start3A_354 = tpu.memref_slice %arg2[%dma_start3A_342, %multiple_of3A, %multiple_of3A_341] : memref<1x32x1000000xf32, #tpu.memory_space<hbm>> -> memref<1x8x128xf32, #tpu.memory_space<hbm>>
    %dma_start3A_355 = tpu.memref_squeeze %dma_start3A_354 : memref<1x8x128xf32, #tpu.memory_space<hbm>> -> memref<8x128xf32, #tpu.memory_space<hbm>>
    %dma_start3A_356 = arith.constant 0 : i32
    %dma_start3A_357 = arith.constant 0 : i32
    %dma_start3A_358 = arith.constant 0 : i32
    %dma_start3A_359 = tpu.memref_slice %arg5[%dma_start3A_343, %dma_start3A_356, %dma_start3A_357, %dma_start3A_358] : memref<2x32x8x128xf32, #tpu.memory_space<vmem>> -> memref<1x32x8x128xf32, #tpu.memory_space<vmem>>
    %dma_start3A_360 = tpu.memref_squeeze %dma_start3A_359 : memref<1x32x8x128xf32, #tpu.memory_space<vmem>> -> memref<32x8x128xf32, #tpu.memory_space<vmem>>
    %dma_start3A_361 = arith.constant 0 : i32
    %dma_start3A_362 = arith.constant 0 : i32
    %dma_start3A_363 = tpu.memref_slice %dma_start3A_360[%dma_start3A_344, %dma_start3A_361, %dma_start3A_362] : memref<32x8x128xf32, #tpu.memory_space<vmem>> -> memref<1x8x128xf32, #tpu.memory_space<vmem>>
    %dma_start3A_364 = tpu.memref_squeeze %dma_start3A_363 : memref<1x8x128xf32, #tpu.memory_space<vmem>> -> memref<8x128xf32, #tpu.memory_space<vmem>>
    %dma_start3A_365 = tpu.memref_slice %arg2[%dma_start3A_342, %multiple_of3A, %multiple_of3A_341] : memref<1x32x1000000xf32, #tpu.memory_space<hbm>> -> memref<1x8x128xf32, #tpu.memory_space<hbm>>
    %dma_start3A_366 = tpu.memref_squeeze %dma_start3A_365 : memref<1x8x128xf32, #tpu.memory_space<hbm>> -> memref<8x128xf32, #tpu.memory_space<hbm>>
    tpu.enqueue_dma source(%dma_start3A_366 : memref<8x128xf32, #tpu.memory_space<hbm>>) target(%dma_start3A_364 : memref<8x128xf32, #tpu.memory_space<vmem>>) target_semaphore(%arg7 : memref<!tpu.dma_semaphore, #tpu.memory_space<semaphore_mem>>)
    %add3A_367 = arith.constant 11 : i32
    %add3A_368 = arith.addi %min3A_37, %add3A_367 : i32
    %mul3A_369 = arith.constant 128 : i32
    %mul3A_370 = arith.muli %add3A_368, %mul3A_369 : i32
    %multiple_of3A_371 = tpu.assume_multiple %mul3A_370, 128 : i32
    %dma_start3A_372 = arith.constant 0 : i32
    %dma_start3A_373 = arith.constant 0 : i32
    %dma_start3A_374 = arith.constant 11 : i32
    %dma_start3A_375 = arith.constant 0 : i32
    %dma_start3A_376 = arith.constant 0 : i32
    %dma_start3A_377 = arith.constant 0 : i32
    %dma_start3A_378 = tpu.memref_slice %arg5[%dma_start3A_373, %dma_start3A_375, %dma_start3A_376, %dma_start3A_377] : memref<2x32x8x128xf32, #tpu.memory_space<vmem>> -> memref<1x32x8x128xf32, #tpu.memory_space<vmem>>
    %dma_start3A_379 = tpu.memref_squeeze %dma_start3A_378 : memref<1x32x8x128xf32, #tpu.memory_space<vmem>> -> memref<32x8x128xf32, #tpu.memory_space<vmem>>
    %dma_start3A_380 = arith.constant 0 : i32
    %dma_start3A_381 = arith.constant 0 : i32
    %dma_start3A_382 = tpu.memref_slice %dma_start3A_379[%dma_start3A_374, %dma_start3A_380, %dma_start3A_381] : memref<32x8x128xf32, #tpu.memory_space<vmem>> -> memref<1x8x128xf32, #tpu.memory_space<vmem>>
    %dma_start3A_383 = tpu.memref_squeeze %dma_start3A_382 : memref<1x8x128xf32, #tpu.memory_space<vmem>> -> memref<8x128xf32, #tpu.memory_space<vmem>>
    %dma_start3A_384 = tpu.memref_slice %arg2[%dma_start3A_372, %multiple_of3A, %multiple_of3A_371] : memref<1x32x1000000xf32, #tpu.memory_space<hbm>> -> memref<1x8x128xf32, #tpu.memory_space<hbm>>
    %dma_start3A_385 = tpu.memref_squeeze %dma_start3A_384 : memref<1x8x128xf32, #tpu.memory_space<hbm>> -> memref<8x128xf32, #tpu.memory_space<hbm>>
    %dma_start3A_386 = arith.constant 0 : i32
    %dma_start3A_387 = arith.constant 0 : i32
    %dma_start3A_388 = arith.constant 0 : i32
    %dma_start3A_389 = tpu.memref_slice %arg5[%dma_start3A_373, %dma_start3A_386, %dma_start3A_387, %dma_start3A_388] : memref<2x32x8x128xf32, #tpu.memory_space<vmem>> -> memref<1x32x8x128xf32, #tpu.memory_space<vmem>>
    %dma_start3A_390 = tpu.memref_squeeze %dma_start3A_389 : memref<1x32x8x128xf32, #tpu.memory_space<vmem>> -> memref<32x8x128xf32, #tpu.memory_space<vmem>>
    %dma_start3A_391 = arith.constant 0 : i32
    %dma_start3A_392 = arith.constant 0 : i32
    %dma_start3A_393 = tpu.memref_slice %dma_start3A_390[%dma_start3A_374, %dma_start3A_391, %dma_start3A_392] : memref<32x8x128xf32, #tpu.memory_space<vmem>> -> memref<1x8x128xf32, #tpu.memory_space<vmem>>
    %dma_start3A_394 = tpu.memref_squeeze %dma_start3A_393 : memref<1x8x128xf32, #tpu.memory_space<vmem>> -> memref<8x128xf32, #tpu.memory_space<vmem>>
    %dma_start3A_395 = tpu.memref_slice %arg2[%dma_start3A_372, %multiple_of3A, %multiple_of3A_371] : memref<1x32x1000000xf32, #tpu.memory_space<hbm>> -> memref<1x8x128xf32, #tpu.memory_space<hbm>>
    %dma_start3A_396 = tpu.memref_squeeze %dma_start3A_395 : memref<1x8x128xf32, #tpu.memory_space<hbm>> -> memref<8x128xf32, #tpu.memory_space<hbm>>
    tpu.enqueue_dma source(%dma_start3A_396 : memref<8x128xf32, #tpu.memory_space<hbm>>) target(%dma_start3A_394 : memref<8x128xf32, #tpu.memory_space<vmem>>) target_semaphore(%arg7 : memref<!tpu.dma_semaphore, #tpu.memory_space<semaphore_mem>>)
    %add3A_397 = arith.constant 12 : i32
    %add3A_398 = arith.addi %min3A_37, %add3A_397 : i32
    %mul3A_399 = arith.constant 128 : i32
    %mul3A_400 = arith.muli %add3A_398, %mul3A_399 : i32
    %multiple_of3A_401 = tpu.assume_multiple %mul3A_400, 128 : i32
    %dma_start3A_402 = arith.constant 0 : i32
    %dma_start3A_403 = arith.constant 0 : i32
    %dma_start3A_404 = arith.constant 12 : i32
    %dma_start3A_405 = arith.constant 0 : i32
    %dma_start3A_406 = arith.constant 0 : i32
    %dma_start3A_407 = arith.constant 0 : i32
    %dma_start3A_408 = tpu.memref_slice %arg5[%dma_start3A_403, %dma_start3A_405, %dma_start3A_406, %dma_start3A_407] : memref<2x32x8x128xf32, #tpu.memory_space<vmem>> -> memref<1x32x8x128xf32, #tpu.memory_space<vmem>>
    %dma_start3A_409 = tpu.memref_squeeze %dma_start3A_408 : memref<1x32x8x128xf32, #tpu.memory_space<vmem>> -> memref<32x8x128xf32, #tpu.memory_space<vmem>>
    %dma_start3A_410 = arith.constant 0 : i32
    %dma_start3A_411 = arith.constant 0 : i32
    %dma_start3A_412 = tpu.memref_slice %dma_start3A_409[%dma_start3A_404, %dma_start3A_410, %dma_start3A_411] : memref<32x8x128xf32, #tpu.memory_space<vmem>> -> memref<1x8x128xf32, #tpu.memory_space<vmem>>
    %dma_start3A_413 = tpu.memref_squeeze %dma_start3A_412 : memref<1x8x128xf32, #tpu.memory_space<vmem>> -> memref<8x128xf32, #tpu.memory_space<vmem>>
    %dma_start3A_414 = tpu.memref_slice %arg2[%dma_start3A_402, %multiple_of3A, %multiple_of3A_401] : memref<1x32x1000000xf32, #tpu.memory_space<hbm>> -> memref<1x8x128xf32, #tpu.memory_space<hbm>>
    %dma_start3A_415 = tpu.memref_squeeze %dma_start3A_414 : memref<1x8x128xf32, #tpu.memory_space<hbm>> -> memref<8x128xf32, #tpu.memory_space<hbm>>
    %dma_start3A_416 = arith.constant 0 : i32
    %dma_start3A_417 = arith.constant 0 : i32
    %dma_start3A_418 = arith.constant 0 : i32
    %dma_start3A_419 = tpu.memref_slice %arg5[%dma_start3A_403, %dma_start3A_416, %dma_start3A_417, %dma_start3A_418] : memref<2x32x8x128xf32, #tpu.memory_space<vmem>> -> memref<1x32x8x128xf32, #tpu.memory_space<vmem>>
    %dma_start3A_420 = tpu.memref_squeeze %dma_start3A_419 : memref<1x32x8x128xf32, #tpu.memory_space<vmem>> -> memref<32x8x128xf32, #tpu.memory_space<vmem>>
    %dma_start3A_421 = arith.constant 0 : i32
    %dma_start3A_422 = arith.constant 0 : i32
    %dma_start3A_423 = tpu.memref_slice %dma_start3A_420[%dma_start3A_404, %dma_start3A_421, %dma_start3A_422] : memref<32x8x128xf32, #tpu.memory_space<vmem>> -> memref<1x8x128xf32, #tpu.memory_space<vmem>>
    %dma_start3A_424 = tpu.memref_squeeze %dma_start3A_423 : memref<1x8x128xf32, #tpu.memory_space<vmem>> -> memref<8x128xf32, #tpu.memory_space<vmem>>
    %dma_start3A_425 = tpu.memref_slice %arg2[%dma_start3A_402, %multiple_of3A, %multiple_of3A_401] : memref<1x32x1000000xf32, #tpu.memory_space<hbm>> -> memref<1x8x128xf32, #tpu.memory_space<hbm>>
    %dma_start3A_426 = tpu.memref_squeeze %dma_start3A_425 : memref<1x8x128xf32, #tpu.memory_space<hbm>> -> memref<8x128xf32, #tpu.memory_space<hbm>>
    tpu.enqueue_dma source(%dma_start3A_426 : memref<8x128xf32, #tpu.memory_space<hbm>>) target(%dma_start3A_424 : memref<8x128xf32, #tpu.memory_space<vmem>>) target_semaphore(%arg7 : memref<!tpu.dma_semaphore, #tpu.memory_space<semaphore_mem>>)
    %add3A_427 = arith.constant 13 : i32
    %add3A_428 = arith.addi %min3A_37, %add3A_427 : i32
    %mul3A_429 = arith.constant 128 : i32
    %mul3A_430 = arith.muli %add3A_428, %mul3A_429 : i32
    %multiple_of3A_431 = tpu.assume_multiple %mul3A_430, 128 : i32
    %dma_start3A_432 = arith.constant 0 : i32
    %dma_start3A_433 = arith.constant 0 : i32
    %dma_start3A_434 = arith.constant 13 : i32
    %dma_start3A_435 = arith.constant 0 : i32
    %dma_start3A_436 = arith.constant 0 : i32
    %dma_start3A_437 = arith.constant 0 : i32
    %dma_start3A_438 = tpu.memref_slice %arg5[%dma_start3A_433, %dma_start3A_435, %dma_start3A_436, %dma_start3A_437] : memref<2x32x8x128xf32, #tpu.memory_space<vmem>> -> memref<1x32x8x128xf32, #tpu.memory_space<vmem>>
    %dma_start3A_439 = tpu.memref_squeeze %dma_start3A_438 : memref<1x32x8x128xf32, #tpu.memory_space<vmem>> -> memref<32x8x128xf32, #tpu.memory_space<vmem>>
    %dma_start3A_440 = arith.constant 0 : i32
    %dma_start3A_441 = arith.constant 0 : i32
    %dma_start3A_442 = tpu.memref_slice %dma_start3A_439[%dma_start3A_434, %dma_start3A_440, %dma_start3A_441] : memref<32x8x128xf32, #tpu.memory_space<vmem>> -> memref<1x8x128xf32, #tpu.memory_space<vmem>>
    %dma_start3A_443 = tpu.memref_squeeze %dma_start3A_442 : memref<1x8x128xf32, #tpu.memory_space<vmem>> -> memref<8x128xf32, #tpu.memory_space<vmem>>
    %dma_start3A_444 = tpu.memref_slice %arg2[%dma_start3A_432, %multiple_of3A, %multiple_of3A_431] : memref<1x32x1000000xf32, #tpu.memory_space<hbm>> -> memref<1x8x128xf32, #tpu.memory_space<hbm>>
    %dma_start3A_445 = tpu.memref_squeeze %dma_start3A_444 : memref<1x8x128xf32, #tpu.memory_space<hbm>> -> memref<8x128xf32, #tpu.memory_space<hbm>>
    %dma_start3A_446 = arith.constant 0 : i32
    %dma_start3A_447 = arith.constant 0 : i32
    %dma_start3A_448 = arith.constant 0 : i32
    %dma_start3A_449 = tpu.memref_slice %arg5[%dma_start3A_433, %dma_start3A_446, %dma_start3A_447, %dma_start3A_448] : memref<2x32x8x128xf32, #tpu.memory_space<vmem>> -> memref<1x32x8x128xf32, #tpu.memory_space<vmem>>
    %dma_start3A_450 = tpu.memref_squeeze %dma_start3A_449 : memref<1x32x8x128xf32, #tpu.memory_space<vmem>> -> memref<32x8x128xf32, #tpu.memory_space<vmem>>
    %dma_start3A_451 = arith.constant 0 : i32
    %dma_start3A_452 = arith.constant 0 : i32
    %dma_start3A_453 = tpu.memref_slice %dma_start3A_450[%dma_start3A_434, %dma_start3A_451, %dma_start3A_452] : memref<32x8x128xf32, #tpu.memory_space<vmem>> -> memref<1x8x128xf32, #tpu.memory_space<vmem>>
    %dma_start3A_454 = tpu.memref_squeeze %dma_start3A_453 : memref<1x8x128xf32, #tpu.memory_space<vmem>> -> memref<8x128xf32, #tpu.memory_space<vmem>>
    %dma_start3A_455 = tpu.memref_slice %arg2[%dma_start3A_432, %multiple_of3A, %multiple_of3A_431] : memref<1x32x1000000xf32, #tpu.memory_space<hbm>> -> memref<1x8x128xf32, #tpu.memory_space<hbm>>
    %dma_start3A_456 = tpu.memref_squeeze %dma_start3A_455 : memref<1x8x128xf32, #tpu.memory_space<hbm>> -> memref<8x128xf32, #tpu.memory_space<hbm>>
    tpu.enqueue_dma source(%dma_start3A_456 : memref<8x128xf32, #tpu.memory_space<hbm>>) target(%dma_start3A_454 : memref<8x128xf32, #tpu.memory_space<vmem>>) target_semaphore(%arg7 : memref<!tpu.dma_semaphore, #tpu.memory_space<semaphore_mem>>)
    %add3A_457 = arith.constant 14 : i32
    %add3A_458 = arith.addi %min3A_37, %add3A_457 : i32
    %mul3A_459 = arith.constant 128 : i32
    %mul3A_460 = arith.muli %add3A_458, %mul3A_459 : i32
    %multiple_of3A_461 = tpu.assume_multiple %mul3A_460, 128 : i32
    %dma_start3A_462 = arith.constant 0 : i32
    %dma_start3A_463 = arith.constant 0 : i32
    %dma_start3A_464 = arith.constant 14 : i32
    %dma_start3A_465 = arith.constant 0 : i32
    %dma_start3A_466 = arith.constant 0 : i32
    %dma_start3A_467 = arith.constant 0 : i32
    %dma_start3A_468 = tpu.memref_slice %arg5[%dma_start3A_463, %dma_start3A_465, %dma_start3A_466, %dma_start3A_467] : memref<2x32x8x128xf32, #tpu.memory_space<vmem>> -> memref<1x32x8x128xf32, #tpu.memory_space<vmem>>
    %dma_start3A_469 = tpu.memref_squeeze %dma_start3A_468 : memref<1x32x8x128xf32, #tpu.memory_space<vmem>> -> memref<32x8x128xf32, #tpu.memory_space<vmem>>
    %dma_start3A_470 = arith.constant 0 : i32
    %dma_start3A_471 = arith.constant 0 : i32
    %dma_start3A_472 = tpu.memref_slice %dma_start3A_469[%dma_start3A_464, %dma_start3A_470, %dma_start3A_471] : memref<32x8x128xf32, #tpu.memory_space<vmem>> -> memref<1x8x128xf32, #tpu.memory_space<vmem>>
    %dma_start3A_473 = tpu.memref_squeeze %dma_start3A_472 : memref<1x8x128xf32, #tpu.memory_space<vmem>> -> memref<8x128xf32, #tpu.memory_space<vmem>>
    %dma_start3A_474 = tpu.memref_slice %arg2[%dma_start3A_462, %multiple_of3A, %multiple_of3A_461] : memref<1x32x1000000xf32, #tpu.memory_space<hbm>> -> memref<1x8x128xf32, #tpu.memory_space<hbm>>
    %dma_start3A_475 = tpu.memref_squeeze %dma_start3A_474 : memref<1x8x128xf32, #tpu.memory_space<hbm>> -> memref<8x128xf32, #tpu.memory_space<hbm>>
    %dma_start3A_476 = arith.constant 0 : i32
    %dma_start3A_477 = arith.constant 0 : i32
    %dma_start3A_478 = arith.constant 0 : i32
    %dma_start3A_479 = tpu.memref_slice %arg5[%dma_start3A_463, %dma_start3A_476, %dma_start3A_477, %dma_start3A_478] : memref<2x32x8x128xf32, #tpu.memory_space<vmem>> -> memref<1x32x8x128xf32, #tpu.memory_space<vmem>>
    %dma_start3A_480 = tpu.memref_squeeze %dma_start3A_479 : memref<1x32x8x128xf32, #tpu.memory_space<vmem>> -> memref<32x8x128xf32, #tpu.memory_space<vmem>>
    %dma_start3A_481 = arith.constant 0 : i32
    %dma_start3A_482 = arith.constant 0 : i32
    %dma_start3A_483 = tpu.memref_slice %dma_start3A_480[%dma_start3A_464, %dma_start3A_481, %dma_start3A_482] : memref<32x8x128xf32, #tpu.memory_space<vmem>> -> memref<1x8x128xf32, #tpu.memory_space<vmem>>
    %dma_start3A_484 = tpu.memref_squeeze %dma_start3A_483 : memref<1x8x128xf32, #tpu.memory_space<vmem>> -> memref<8x128xf32, #tpu.memory_space<vmem>>
    %dma_start3A_485 = tpu.memref_slice %arg2[%dma_start3A_462, %multiple_of3A, %multiple_of3A_461] : memref<1x32x1000000xf32, #tpu.memory_space<hbm>> -> memref<1x8x128xf32, #tpu.memory_space<hbm>>
    %dma_start3A_486 = tpu.memref_squeeze %dma_start3A_485 : memref<1x8x128xf32, #tpu.memory_space<hbm>> -> memref<8x128xf32, #tpu.memory_space<hbm>>
    tpu.enqueue_dma source(%dma_start3A_486 : memref<8x128xf32, #tpu.memory_space<hbm>>) target(%dma_start3A_484 : memref<8x128xf32, #tpu.memory_space<vmem>>) target_semaphore(%arg7 : memref<!tpu.dma_semaphore, #tpu.memory_space<semaphore_mem>>)
    %add3A_487 = arith.constant 15 : i32
    %add3A_488 = arith.addi %min3A_37, %add3A_487 : i32
    %mul3A_489 = arith.constant 128 : i32
    %mul3A_490 = arith.muli %add3A_488, %mul3A_489 : i32
    %multiple_of3A_491 = tpu.assume_multiple %mul3A_490, 128 : i32
    %dma_start3A_492 = arith.constant 0 : i32
    %dma_start3A_493 = arith.constant 0 : i32
    %dma_start3A_494 = arith.constant 15 : i32
    %dma_start3A_495 = arith.constant 0 : i32
    %dma_start3A_496 = arith.constant 0 : i32
    %dma_start3A_497 = arith.constant 0 : i32
    %dma_start3A_498 = tpu.memref_slice %arg5[%dma_start3A_493, %dma_start3A_495, %dma_start3A_496, %dma_start3A_497] : memref<2x32x8x128xf32, #tpu.memory_space<vmem>> -> memref<1x32x8x128xf32, #tpu.memory_space<vmem>>
    %dma_start3A_499 = tpu.memref_squeeze %dma_start3A_498 : memref<1x32x8x128xf32, #tpu.memory_space<vmem>> -> memref<32x8x128xf32, #tpu.memory_space<vmem>>
    %dma_start3A_500 = arith.constant 0 : i32
    %dma_start3A_501 = arith.constant 0 : i32
    %dma_start3A_502 = tpu.memref_slice %dma_start3A_499[%dma_start3A_494, %dma_start3A_500, %dma_start3A_501] : memref<32x8x128xf32, #tpu.memory_space<vmem>> -> memref<1x8x128xf32, #tpu.memory_space<vmem>>
    %dma_start3A_503 = tpu.memref_squeeze %dma_start3A_502 : memref<1x8x128xf32, #tpu.memory_space<vmem>> -> memref<8x128xf32, #tpu.memory_space<vmem>>
    %dma_start3A_504 = tpu.memref_slice %arg2[%dma_start3A_492, %multiple_of3A, %multiple_of3A_491] : memref<1x32x1000000xf32, #tpu.memory_space<hbm>> -> memref<1x8x128xf32, #tpu.memory_space<hbm>>
    %dma_start3A_505 = tpu.memref_squeeze %dma_start3A_504 : memref<1x8x128xf32, #tpu.memory_space<hbm>> -> memref<8x128xf32, #tpu.memory_space<hbm>>
    %dma_start3A_506 = arith.constant 0 : i32
    %dma_start3A_507 = arith.constant 0 : i32
    %dma_start3A_508 = arith.constant 0 : i32
    %dma_start3A_509 = tpu.memref_slice %arg5[%dma_start3A_493, %dma_start3A_506, %dma_start3A_507, %dma_start3A_508] : memref<2x32x8x128xf32, #tpu.memory_space<vmem>> -> memref<1x32x8x128xf32, #tpu.memory_space<vmem>>
    %dma_start3A_510 = tpu.memref_squeeze %dma_start3A_509 : memref<1x32x8x128xf32, #tpu.memory_space<vmem>> -> memref<32x8x128xf32, #tpu.memory_space<vmem>>
    %dma_start3A_511 = arith.constant 0 : i32
    %dma_start3A_512 = arith.constant 0 : i32
    %dma_start3A_513 = tpu.memref_slice %dma_start3A_510[%dma_start3A_494, %dma_start3A_511, %dma_start3A_512] : memref<32x8x128xf32, #tpu.memory_space<vmem>> -> memref<1x8x128xf32, #tpu.memory_space<vmem>>
    %dma_start3A_514 = tpu.memref_squeeze %dma_start3A_513 : memref<1x8x128xf32, #tpu.memory_space<vmem>> -> memref<8x128xf32, #tpu.memory_space<vmem>>
    %dma_start3A_515 = tpu.memref_slice %arg2[%dma_start3A_492, %multiple_of3A, %multiple_of3A_491] : memref<1x32x1000000xf32, #tpu.memory_space<hbm>> -> memref<1x8x128xf32, #tpu.memory_space<hbm>>
    %dma_start3A_516 = tpu.memref_squeeze %dma_start3A_515 : memref<1x8x128xf32, #tpu.memory_space<hbm>> -> memref<8x128xf32, #tpu.memory_space<hbm>>
    tpu.enqueue_dma source(%dma_start3A_516 : memref<8x128xf32, #tpu.memory_space<hbm>>) target(%dma_start3A_514 : memref<8x128xf32, #tpu.memory_space<vmem>>) target_semaphore(%arg7 : memref<!tpu.dma_semaphore, #tpu.memory_space<semaphore_mem>>)
    %add3A_517 = arith.constant 16 : i32
    %add3A_518 = arith.addi %min3A_37, %add3A_517 : i32
    %mul3A_519 = arith.constant 128 : i32
    %mul3A_520 = arith.muli %add3A_518, %mul3A_519 : i32
    %multiple_of3A_521 = tpu.assume_multiple %mul3A_520, 128 : i32
    %dma_start3A_522 = arith.constant 0 : i32
    %dma_start3A_523 = arith.constant 0 : i32
    %dma_start3A_524 = arith.constant 16 : i32
    %dma_start3A_525 = arith.constant 0 : i32
    %dma_start3A_526 = arith.constant 0 : i32
    %dma_start3A_527 = arith.constant 0 : i32
    %dma_start3A_528 = tpu.memref_slice %arg5[%dma_start3A_523, %dma_start3A_525, %dma_start3A_526, %dma_start3A_527] : memref<2x32x8x128xf32, #tpu.memory_space<vmem>> -> memref<1x32x8x128xf32, #tpu.memory_space<vmem>>
    %dma_start3A_529 = tpu.memref_squeeze %dma_start3A_528 : memref<1x32x8x128xf32, #tpu.memory_space<vmem>> -> memref<32x8x128xf32, #tpu.memory_space<vmem>>
    %dma_start3A_530 = arith.constant 0 : i32
    %dma_start3A_531 = arith.constant 0 : i32
    %dma_start3A_532 = tpu.memref_slice %dma_start3A_529[%dma_start3A_524, %dma_start3A_530, %dma_start3A_531] : memref<32x8x128xf32, #tpu.memory_space<vmem>> -> memref<1x8x128xf32, #tpu.memory_space<vmem>>
    %dma_start3A_533 = tpu.memref_squeeze %dma_start3A_532 : memref<1x8x128xf32, #tpu.memory_space<vmem>> -> memref<8x128xf32, #tpu.memory_space<vmem>>
    %dma_start3A_534 = tpu.memref_slice %arg2[%dma_start3A_522, %multiple_of3A, %multiple_of3A_521] : memref<1x32x1000000xf32, #tpu.memory_space<hbm>> -> memref<1x8x128xf32, #tpu.memory_space<hbm>>
    %dma_start3A_535 = tpu.memref_squeeze %dma_start3A_534 : memref<1x8x128xf32, #tpu.memory_space<hbm>> -> memref<8x128xf32, #tpu.memory_space<hbm>>
    %dma_start3A_536 = arith.constant 0 : i32
    %dma_start3A_537 = arith.constant 0 : i32
    %dma_start3A_538 = arith.constant 0 : i32
    %dma_start3A_539 = tpu.memref_slice %arg5[%dma_start3A_523, %dma_start3A_536, %dma_start3A_537, %dma_start3A_538] : memref<2x32x8x128xf32, #tpu.memory_space<vmem>> -> memref<1x32x8x128xf32, #tpu.memory_space<vmem>>
    %dma_start3A_540 = tpu.memref_squeeze %dma_start3A_539 : memref<1x32x8x128xf32, #tpu.memory_space<vmem>> -> memref<32x8x128xf32, #tpu.memory_space<vmem>>
    %dma_start3A_541 = arith.constant 0 : i32
    %dma_start3A_542 = arith.constant 0 : i32
    %dma_start3A_543 = tpu.memref_slice %dma_start3A_540[%dma_start3A_524, %dma_start3A_541, %dma_start3A_542] : memref<32x8x128xf32, #tpu.memory_space<vmem>> -> memref<1x8x128xf32, #tpu.memory_space<vmem>>
    %dma_start3A_544 = tpu.memref_squeeze %dma_start3A_543 : memref<1x8x128xf32, #tpu.memory_space<vmem>> -> memref<8x128xf32, #tpu.memory_space<vmem>>
    %dma_start3A_545 = tpu.memref_slice %arg2[%dma_start3A_522, %multiple_of3A, %multiple_of3A_521] : memref<1x32x1000000xf32, #tpu.memory_space<hbm>> -> memref<1x8x128xf32, #tpu.memory_space<hbm>>
    %dma_start3A_546 = tpu.memref_squeeze %dma_start3A_545 : memref<1x8x128xf32, #tpu.memory_space<hbm>> -> memref<8x128xf32, #tpu.memory_space<hbm>>
    tpu.enqueue_dma source(%dma_start3A_546 : memref<8x128xf32, #tpu.memory_space<hbm>>) target(%dma_start3A_544 : memref<8x128xf32, #tpu.memory_space<vmem>>) target_semaphore(%arg7 : memref<!tpu.dma_semaphore, #tpu.memory_space<semaphore_mem>>)
    %add3A_547 = arith.constant 17 : i32
    %add3A_548 = arith.addi %min3A_37, %add3A_547 : i32
    %mul3A_549 = arith.constant 128 : i32
    %mul3A_550 = arith.muli %add3A_548, %mul3A_549 : i32
    %multiple_of3A_551 = tpu.assume_multiple %mul3A_550, 128 : i32
    %dma_start3A_552 = arith.constant 0 : i32
    %dma_start3A_553 = arith.constant 0 : i32
    %dma_start3A_554 = arith.constant 17 : i32
    %dma_start3A_555 = arith.constant 0 : i32
    %dma_start3A_556 = arith.constant 0 : i32
    %dma_start3A_557 = arith.constant 0 : i32
    %dma_start3A_558 = tpu.memref_slice %arg5[%dma_start3A_553, %dma_start3A_555, %dma_start3A_556, %dma_start3A_557] : memref<2x32x8x128xf32, #tpu.memory_space<vmem>> -> memref<1x32x8x128xf32, #tpu.memory_space<vmem>>
    %dma_start3A_559 = tpu.memref_squeeze %dma_start3A_558 : memref<1x32x8x128xf32, #tpu.memory_space<vmem>> -> memref<32x8x128xf32, #tpu.memory_space<vmem>>
    %dma_start3A_560 = arith.constant 0 : i32
    %dma_start3A_561 = arith.constant 0 : i32
    %dma_start3A_562 = tpu.memref_slice %dma_start3A_559[%dma_start3A_554, %dma_start3A_560, %dma_start3A_561] : memref<32x8x128xf32, #tpu.memory_space<vmem>> -> memref<1x8x128xf32, #tpu.memory_space<vmem>>
    %dma_start3A_563 = tpu.memref_squeeze %dma_start3A_562 : memref<1x8x128xf32, #tpu.memory_space<vmem>> -> memref<8x128xf32, #tpu.memory_space<vmem>>
    %dma_start3A_564 = tpu.memref_slice %arg2[%dma_start3A_552, %multiple_of3A, %multiple_of3A_551] : memref<1x32x1000000xf32, #tpu.memory_space<hbm>> -> memref<1x8x128xf32, #tpu.memory_space<hbm>>
    %dma_start3A_565 = tpu.memref_squeeze %dma_start3A_564 : memref<1x8x128xf32, #tpu.memory_space<hbm>> -> memref<8x128xf32, #tpu.memory_space<hbm>>
    %dma_start3A_566 = arith.constant 0 : i32
    %dma_start3A_567 = arith.constant 0 : i32
    %dma_start3A_568 = arith.constant 0 : i32
    %dma_start3A_569 = tpu.memref_slice %arg5[%dma_start3A_553, %dma_start3A_566, %dma_start3A_567, %dma_start3A_568] : memref<2x32x8x128xf32, #tpu.memory_space<vmem>> -> memref<1x32x8x128xf32, #tpu.memory_space<vmem>>
    %dma_start3A_570 = tpu.memref_squeeze %dma_start3A_569 : memref<1x32x8x128xf32, #tpu.memory_space<vmem>> -> memref<32x8x128xf32, #tpu.memory_space<vmem>>
    %dma_start3A_571 = arith.constant 0 : i32
    %dma_start3A_572 = arith.constant 0 : i32
    %dma_start3A_573 = tpu.memref_slice %dma_start3A_570[%dma_start3A_554, %dma_start3A_571, %dma_start3A_572] : memref<32x8x128xf32, #tpu.memory_space<vmem>> -> memref<1x8x128xf32, #tpu.memory_space<vmem>>
    %dma_start3A_574 = tpu.memref_squeeze %dma_start3A_573 : memref<1x8x128xf32, #tpu.memory_space<vmem>> -> memref<8x128xf32, #tpu.memory_space<vmem>>
    %dma_start3A_575 = tpu.memref_slice %arg2[%dma_start3A_552, %multiple_of3A, %multiple_of3A_551] : memref<1x32x1000000xf32, #tpu.memory_space<hbm>> -> memref<1x8x128xf32, #tpu.memory_space<hbm>>
    %dma_start3A_576 = tpu.memref_squeeze %dma_start3A_575 : memref<1x8x128xf32, #tpu.memory_space<hbm>> -> memref<8x128xf32, #tpu.memory_space<hbm>>
    tpu.enqueue_dma source(%dma_start3A_576 : memref<8x128xf32, #tpu.memory_space<hbm>>) target(%dma_start3A_574 : memref<8x128xf32, #tpu.memory_space<vmem>>) target_semaphore(%arg7 : memref<!tpu.dma_semaphore, #tpu.memory_space<semaphore_mem>>)
    %add3A_577 = arith.constant 18 : i32
    %add3A_578 = arith.addi %min3A_37, %add3A_577 : i32
    %mul3A_579 = arith.constant 128 : i32
    %mul3A_580 = arith.muli %add3A_578, %mul3A_579 : i32
    %multiple_of3A_581 = tpu.assume_multiple %mul3A_580, 128 : i32
    %dma_start3A_582 = arith.constant 0 : i32
    %dma_start3A_583 = arith.constant 0 : i32
    %dma_start3A_584 = arith.constant 18 : i32
    %dma_start3A_585 = arith.constant 0 : i32
    %dma_start3A_586 = arith.constant 0 : i32
    %dma_start3A_587 = arith.constant 0 : i32
    %dma_start3A_588 = tpu.memref_slice %arg5[%dma_start3A_583, %dma_start3A_585, %dma_start3A_586, %dma_start3A_587] : memref<2x32x8x128xf32, #tpu.memory_space<vmem>> -> memref<1x32x8x128xf32, #tpu.memory_space<vmem>>
    %dma_start3A_589 = tpu.memref_squeeze %dma_start3A_588 : memref<1x32x8x128xf32, #tpu.memory_space<vmem>> -> memref<32x8x128xf32, #tpu.memory_space<vmem>>
    %dma_start3A_590 = arith.constant 0 : i32
    %dma_start3A_591 = arith.constant 0 : i32
    %dma_start3A_592 = tpu.memref_slice %dma_start3A_589[%dma_start3A_584, %dma_start3A_590, %dma_start3A_591] : memref<32x8x128xf32, #tpu.memory_space<vmem>> -> memref<1x8x128xf32, #tpu.memory_space<vmem>>
    %dma_start3A_593 = tpu.memref_squeeze %dma_start3A_592 : memref<1x8x128xf32, #tpu.memory_space<vmem>> -> memref<8x128xf32, #tpu.memory_space<vmem>>
    %dma_start3A_594 = tpu.memref_slice %arg2[%dma_start3A_582, %multiple_of3A, %multiple_of3A_581] : memref<1x32x1000000xf32, #tpu.memory_space<hbm>> -> memref<1x8x128xf32, #tpu.memory_space<hbm>>
    %dma_start3A_595 = tpu.memref_squeeze %dma_start3A_594 : memref<1x8x128xf32, #tpu.memory_space<hbm>> -> memref<8x128xf32, #tpu.memory_space<hbm>>
    %dma_start3A_596 = arith.constant 0 : i32
    %dma_start3A_597 = arith.constant 0 : i32
    %dma_start3A_598 = arith.constant 0 : i32
    %dma_start3A_599 = tpu.memref_slice %arg5[%dma_start3A_583, %dma_start3A_596, %dma_start3A_597, %dma_start3A_598] : memref<2x32x8x128xf32, #tpu.memory_space<vmem>> -> memref<1x32x8x128xf32, #tpu.memory_space<vmem>>
    %dma_start3A_600 = tpu.memref_squeeze %dma_start3A_599 : memref<1x32x8x128xf32, #tpu.memory_space<vmem>> -> memref<32x8x128xf32, #tpu.memory_space<vmem>>
    %dma_start3A_601 = arith.constant 0 : i32
    %dma_start3A_602 = arith.constant 0 : i32
    %dma_start3A_603 = tpu.memref_slice %dma_start3A_600[%dma_start3A_584, %dma_start3A_601, %dma_start3A_602] : memref<32x8x128xf32, #tpu.memory_space<vmem>> -> memref<1x8x128xf32, #tpu.memory_space<vmem>>
    %dma_start3A_604 = tpu.memref_squeeze %dma_start3A_603 : memref<1x8x128xf32, #tpu.memory_space<vmem>> -> memref<8x128xf32, #tpu.memory_space<vmem>>
    %dma_start3A_605 = tpu.memref_slice %arg2[%dma_start3A_582, %multiple_of3A, %multiple_of3A_581] : memref<1x32x1000000xf32, #tpu.memory_space<hbm>> -> memref<1x8x128xf32, #tpu.memory_space<hbm>>
    %dma_start3A_606 = tpu.memref_squeeze %dma_start3A_605 : memref<1x8x128xf32, #tpu.memory_space<hbm>> -> memref<8x128xf32, #tpu.memory_space<hbm>>
    tpu.enqueue_dma source(%dma_start3A_606 : memref<8x128xf32, #tpu.memory_space<hbm>>) target(%dma_start3A_604 : memref<8x128xf32, #tpu.memory_space<vmem>>) target_semaphore(%arg7 : memref<!tpu.dma_semaphore, #tpu.memory_space<semaphore_mem>>)
    %add3A_607 = arith.constant 19 : i32
    %add3A_608 = arith.addi %min3A_37, %add3A_607 : i32
    %mul3A_609 = arith.constant 128 : i32
    %mul3A_610 = arith.muli %add3A_608, %mul3A_609 : i32
    %multiple_of3A_611 = tpu.assume_multiple %mul3A_610, 128 : i32
    %dma_start3A_612 = arith.constant 0 : i32
    %dma_start3A_613 = arith.constant 0 : i32
    %dma_start3A_614 = arith.constant 19 : i32
    %dma_start3A_615 = arith.constant 0 : i32
    %dma_start3A_616 = arith.constant 0 : i32
    %dma_start3A_617 = arith.constant 0 : i32
    %dma_start3A_618 = tpu.memref_slice %arg5[%dma_start3A_613, %dma_start3A_615, %dma_start3A_616, %dma_start3A_617] : memref<2x32x8x128xf32, #tpu.memory_space<vmem>> -> memref<1x32x8x128xf32, #tpu.memory_space<vmem>>
    %dma_start3A_619 = tpu.memref_squeeze %dma_start3A_618 : memref<1x32x8x128xf32, #tpu.memory_space<vmem>> -> memref<32x8x128xf32, #tpu.memory_space<vmem>>
    %dma_start3A_620 = arith.constant 0 : i32
    %dma_start3A_621 = arith.constant 0 : i32
    %dma_start3A_622 = tpu.memref_slice %dma_start3A_619[%dma_start3A_614, %dma_start3A_620, %dma_start3A_621] : memref<32x8x128xf32, #tpu.memory_space<vmem>> -> memref<1x8x128xf32, #tpu.memory_space<vmem>>
    %dma_start3A_623 = tpu.memref_squeeze %dma_start3A_622 : memref<1x8x128xf32, #tpu.memory_space<vmem>> -> memref<8x128xf32, #tpu.memory_space<vmem>>
    %dma_start3A_624 = tpu.memref_slice %arg2[%dma_start3A_612, %multiple_of3A, %multiple_of3A_611] : memref<1x32x1000000xf32, #tpu.memory_space<hbm>> -> memref<1x8x128xf32, #tpu.memory_space<hbm>>
    %dma_start3A_625 = tpu.memref_squeeze %dma_start3A_624 : memref<1x8x128xf32, #tpu.memory_space<hbm>> -> memref<8x128xf32, #tpu.memory_space<hbm>>
    %dma_start3A_626 = arith.constant 0 : i32
    %dma_start3A_627 = arith.constant 0 : i32
    %dma_start3A_628 = arith.constant 0 : i32
    %dma_start3A_629 = tpu.memref_slice %arg5[%dma_start3A_613, %dma_start3A_626, %dma_start3A_627, %dma_start3A_628] : memref<2x32x8x128xf32, #tpu.memory_space<vmem>> -> memref<1x32x8x128xf32, #tpu.memory_space<vmem>>
    %dma_start3A_630 = tpu.memref_squeeze %dma_start3A_629 : memref<1x32x8x128xf32, #tpu.memory_space<vmem>> -> memref<32x8x128xf32, #tpu.memory_space<vmem>>
    %dma_start3A_631 = arith.constant 0 : i32
    %dma_start3A_632 = arith.constant 0 : i32
    %dma_start3A_633 = tpu.memref_slice %dma_start3A_630[%dma_start3A_614, %dma_start3A_631, %dma_start3A_632] : memref<32x8x128xf32, #tpu.memory_space<vmem>> -> memref<1x8x128xf32, #tpu.memory_space<vmem>>
    %dma_start3A_634 = tpu.memref_squeeze %dma_start3A_633 : memref<1x8x128xf32, #tpu.memory_space<vmem>> -> memref<8x128xf32, #tpu.memory_space<vmem>>
    %dma_start3A_635 = tpu.memref_slice %arg2[%dma_start3A_612, %multiple_of3A, %multiple_of3A_611] : memref<1x32x1000000xf32, #tpu.memory_space<hbm>> -> memref<1x8x128xf32, #tpu.memory_space<hbm>>
    %dma_start3A_636 = tpu.memref_squeeze %dma_start3A_635 : memref<1x8x128xf32, #tpu.memory_space<hbm>> -> memref<8x128xf32, #tpu.memory_space<hbm>>
    tpu.enqueue_dma source(%dma_start3A_636 : memref<8x128xf32, #tpu.memory_space<hbm>>) target(%dma_start3A_634 : memref<8x128xf32, #tpu.memory_space<vmem>>) target_semaphore(%arg7 : memref<!tpu.dma_semaphore, #tpu.memory_space<semaphore_mem>>)
    %add3A_637 = arith.constant 20 : i32
    %add3A_638 = arith.addi %min3A_37, %add3A_637 : i32
    %mul3A_639 = arith.constant 128 : i32
    %mul3A_640 = arith.muli %add3A_638, %mul3A_639 : i32
    %multiple_of3A_641 = tpu.assume_multiple %mul3A_640, 128 : i32
    %dma_start3A_642 = arith.constant 0 : i32
    %dma_start3A_643 = arith.constant 0 : i32
    %dma_start3A_644 = arith.constant 20 : i32
    %dma_start3A_645 = arith.constant 0 : i32
    %dma_start3A_646 = arith.constant 0 : i32
    %dma_start3A_647 = arith.constant 0 : i32
    %dma_start3A_648 = tpu.memref_slice %arg5[%dma_start3A_643, %dma_start3A_645, %dma_start3A_646, %dma_start3A_647] : memref<2x32x8x128xf32, #tpu.memory_space<vmem>> -> memref<1x32x8x128xf32, #tpu.memory_space<vmem>>
    %dma_start3A_649 = tpu.memref_squeeze %dma_start3A_648 : memref<1x32x8x128xf32, #tpu.memory_space<vmem>> -> memref<32x8x128xf32, #tpu.memory_space<vmem>>
    %dma_start3A_650 = arith.constant 0 : i32
    %dma_start3A_651 = arith.constant 0 : i32
    %dma_start3A_652 = tpu.memref_slice %dma_start3A_649[%dma_start3A_644, %dma_start3A_650, %dma_start3A_651] : memref<32x8x128xf32, #tpu.memory_space<vmem>> -> memref<1x8x128xf32, #tpu.memory_space<vmem>>
    %dma_start3A_653 = tpu.memref_squeeze %dma_start3A_652 : memref<1x8x128xf32, #tpu.memory_space<vmem>> -> memref<8x128xf32, #tpu.memory_space<vmem>>
    %dma_start3A_654 = tpu.memref_slice %arg2[%dma_start3A_642, %multiple_of3A, %multiple_of3A_641] : memref<1x32x1000000xf32, #tpu.memory_space<hbm>> -> memref<1x8x128xf32, #tpu.memory_space<hbm>>
    %dma_start3A_655 = tpu.memref_squeeze %dma_start3A_654 : memref<1x8x128xf32, #tpu.memory_space<hbm>> -> memref<8x128xf32, #tpu.memory_space<hbm>>
    %dma_start3A_656 = arith.constant 0 : i32
    %dma_start3A_657 = arith.constant 0 : i32
    %dma_start3A_658 = arith.constant 0 : i32
    %dma_start3A_659 = tpu.memref_slice %arg5[%dma_start3A_643, %dma_start3A_656, %dma_start3A_657, %dma_start3A_658] : memref<2x32x8x128xf32, #tpu.memory_space<vmem>> -> memref<1x32x8x128xf32, #tpu.memory_space<vmem>>
    %dma_start3A_660 = tpu.memref_squeeze %dma_start3A_659 : memref<1x32x8x128xf32, #tpu.memory_space<vmem>> -> memref<32x8x128xf32, #tpu.memory_space<vmem>>
    %dma_start3A_661 = arith.constant 0 : i32
    %dma_start3A_662 = arith.constant 0 : i32
    %dma_start3A_663 = tpu.memref_slice %dma_start3A_660[%dma_start3A_644, %dma_start3A_661, %dma_start3A_662] : memref<32x8x128xf32, #tpu.memory_space<vmem>> -> memref<1x8x128xf32, #tpu.memory_space<vmem>>
    %dma_start3A_664 = tpu.memref_squeeze %dma_start3A_663 : memref<1x8x128xf32, #tpu.memory_space<vmem>> -> memref<8x128xf32, #tpu.memory_space<vmem>>
    %dma_start3A_665 = tpu.memref_slice %arg2[%dma_start3A_642, %multiple_of3A, %multiple_of3A_641] : memref<1x32x1000000xf32, #tpu.memory_space<hbm>> -> memref<1x8x128xf32, #tpu.memory_space<hbm>>
    %dma_start3A_666 = tpu.memref_squeeze %dma_start3A_665 : memref<1x8x128xf32, #tpu.memory_space<hbm>> -> memref<8x128xf32, #tpu.memory_space<hbm>>
    tpu.enqueue_dma source(%dma_start3A_666 : memref<8x128xf32, #tpu.memory_space<hbm>>) target(%dma_start3A_664 : memref<8x128xf32, #tpu.memory_space<vmem>>) target_semaphore(%arg7 : memref<!tpu.dma_semaphore, #tpu.memory_space<semaphore_mem>>)
    %add3A_667 = arith.constant 21 : i32
    %add3A_668 = arith.addi %min3A_37, %add3A_667 : i32
    %mul3A_669 = arith.constant 128 : i32
    %mul3A_670 = arith.muli %add3A_668, %mul3A_669 : i32
    %multiple_of3A_671 = tpu.assume_multiple %mul3A_670, 128 : i32
    %dma_start3A_672 = arith.constant 0 : i32
    %dma_start3A_673 = arith.constant 0 : i32
    %dma_start3A_674 = arith.constant 21 : i32
    %dma_start3A_675 = arith.constant 0 : i32
    %dma_start3A_676 = arith.constant 0 : i32
    %dma_start3A_677 = arith.constant 0 : i32
    %dma_start3A_678 = tpu.memref_slice %arg5[%dma_start3A_673, %dma_start3A_675, %dma_start3A_676, %dma_start3A_677] : memref<2x32x8x128xf32, #tpu.memory_space<vmem>> -> memref<1x32x8x128xf32, #tpu.memory_space<vmem>>
    %dma_start3A_679 = tpu.memref_squeeze %dma_start3A_678 : memref<1x32x8x128xf32, #tpu.memory_space<vmem>> -> memref<32x8x128xf32, #tpu.memory_space<vmem>>
    %dma_start3A_680 = arith.constant 0 : i32
    %dma_start3A_681 = arith.constant 0 : i32
    %dma_start3A_682 = tpu.memref_slice %dma_start3A_679[%dma_start3A_674, %dma_start3A_680, %dma_start3A_681] : memref<32x8x128xf32, #tpu.memory_space<vmem>> -> memref<1x8x128xf32, #tpu.memory_space<vmem>>
    %dma_start3A_683 = tpu.memref_squeeze %dma_start3A_682 : memref<1x8x128xf32, #tpu.memory_space<vmem>> -> memref<8x128xf32, #tpu.memory_space<vmem>>
    %dma_start3A_684 = tpu.memref_slice %arg2[%dma_start3A_672, %multiple_of3A, %multiple_of3A_671] : memref<1x32x1000000xf32, #tpu.memory_space<hbm>> -> memref<1x8x128xf32, #tpu.memory_space<hbm>>
    %dma_start3A_685 = tpu.memref_squeeze %dma_start3A_684 : memref<1x8x128xf32, #tpu.memory_space<hbm>> -> memref<8x128xf32, #tpu.memory_space<hbm>>
    %dma_start3A_686 = arith.constant 0 : i32
    %dma_start3A_687 = arith.constant 0 : i32
    %dma_start3A_688 = arith.constant 0 : i32
    %dma_start3A_689 = tpu.memref_slice %arg5[%dma_start3A_673, %dma_start3A_686, %dma_start3A_687, %dma_start3A_688] : memref<2x32x8x128xf32, #tpu.memory_space<vmem>> -> memref<1x32x8x128xf32, #tpu.memory_space<vmem>>
    %dma_start3A_690 = tpu.memref_squeeze %dma_start3A_689 : memref<1x32x8x128xf32, #tpu.memory_space<vmem>> -> memref<32x8x128xf32, #tpu.memory_space<vmem>>
    %dma_start3A_691 = arith.constant 0 : i32
    %dma_start3A_692 = arith.constant 0 : i32
    %dma_start3A_693 = tpu.memref_slice %dma_start3A_690[%dma_start3A_674, %dma_start3A_691, %dma_start3A_692] : memref<32x8x128xf32, #tpu.memory_space<vmem>> -> memref<1x8x128xf32, #tpu.memory_space<vmem>>
    %dma_start3A_694 = tpu.memref_squeeze %dma_start3A_693 : memref<1x8x128xf32, #tpu.memory_space<vmem>> -> memref<8x128xf32, #tpu.memory_space<vmem>>
    %dma_start3A_695 = tpu.memref_slice %arg2[%dma_start3A_672, %multiple_of3A, %multiple_of3A_671] : memref<1x32x1000000xf32, #tpu.memory_space<hbm>> -> memref<1x8x128xf32, #tpu.memory_space<hbm>>
    %dma_start3A_696 = tpu.memref_squeeze %dma_start3A_695 : memref<1x8x128xf32, #tpu.memory_space<hbm>> -> memref<8x128xf32, #tpu.memory_space<hbm>>
    tpu.enqueue_dma source(%dma_start3A_696 : memref<8x128xf32, #tpu.memory_space<hbm>>) target(%dma_start3A_694 : memref<8x128xf32, #tpu.memory_space<vmem>>) target_semaphore(%arg7 : memref<!tpu.dma_semaphore, #tpu.memory_space<semaphore_mem>>)
    %add3A_697 = arith.constant 22 : i32
    %add3A_698 = arith.addi %min3A_37, %add3A_697 : i32
    %mul3A_699 = arith.constant 128 : i32
    %mul3A_700 = arith.muli %add3A_698, %mul3A_699 : i32
    %multiple_of3A_701 = tpu.assume_multiple %mul3A_700, 128 : i32
    %dma_start3A_702 = arith.constant 0 : i32
    %dma_start3A_703 = arith.constant 0 : i32
    %dma_start3A_704 = arith.constant 22 : i32
    %dma_start3A_705 = arith.constant 0 : i32
    %dma_start3A_706 = arith.constant 0 : i32
    %dma_start3A_707 = arith.constant 0 : i32
    %dma_start3A_708 = tpu.memref_slice %arg5[%dma_start3A_703, %dma_start3A_705, %dma_start3A_706, %dma_start3A_707] : memref<2x32x8x128xf32, #tpu.memory_space<vmem>> -> memref<1x32x8x128xf32, #tpu.memory_space<vmem>>
    %dma_start3A_709 = tpu.memref_squeeze %dma_start3A_708 : memref<1x32x8x128xf32, #tpu.memory_space<vmem>> -> memref<32x8x128xf32, #tpu.memory_space<vmem>>
    %dma_start3A_710 = arith.constant 0 : i32
    %dma_start3A_711 = arith.constant 0 : i32
    %dma_start3A_712 = tpu.memref_slice %dma_start3A_709[%dma_start3A_704, %dma_start3A_710, %dma_start3A_711] : memref<32x8x128xf32, #tpu.memory_space<vmem>> -> memref<1x8x128xf32, #tpu.memory_space<vmem>>
    %dma_start3A_713 = tpu.memref_squeeze %dma_start3A_712 : memref<1x8x128xf32, #tpu.memory_space<vmem>> -> memref<8x128xf32, #tpu.memory_space<vmem>>
    %dma_start3A_714 = tpu.memref_slice %arg2[%dma_start3A_702, %multiple_of3A, %multiple_of3A_701] : memref<1x32x1000000xf32, #tpu.memory_space<hbm>> -> memref<1x8x128xf32, #tpu.memory_space<hbm>>
    %dma_start3A_715 = tpu.memref_squeeze %dma_start3A_714 : memref<1x8x128xf32, #tpu.memory_space<hbm>> -> memref<8x128xf32, #tpu.memory_space<hbm>>
    %dma_start3A_716 = arith.constant 0 : i32
    %dma_start3A_717 = arith.constant 0 : i32
    %dma_start3A_718 = arith.constant 0 : i32
    %dma_start3A_719 = tpu.memref_slice %arg5[%dma_start3A_703, %dma_start3A_716, %dma_start3A_717, %dma_start3A_718] : memref<2x32x8x128xf32, #tpu.memory_space<vmem>> -> memref<1x32x8x128xf32, #tpu.memory_space<vmem>>
    %dma_start3A_720 = tpu.memref_squeeze %dma_start3A_719 : memref<1x32x8x128xf32, #tpu.memory_space<vmem>> -> memref<32x8x128xf32, #tpu.memory_space<vmem>>
    %dma_start3A_721 = arith.constant 0 : i32
    %dma_start3A_722 = arith.constant 0 : i32
    %dma_start3A_723 = tpu.memref_slice %dma_start3A_720[%dma_start3A_704, %dma_start3A_721, %dma_start3A_722] : memref<32x8x128xf32, #tpu.memory_space<vmem>> -> memref<1x8x128xf32, #tpu.memory_space<vmem>>
    %dma_start3A_724 = tpu.memref_squeeze %dma_start3A_723 : memref<1x8x128xf32, #tpu.memory_space<vmem>> -> memref<8x128xf32, #tpu.memory_space<vmem>>
    %dma_start3A_725 = tpu.memref_slice %arg2[%dma_start3A_702, %multiple_of3A, %multiple_of3A_701] : memref<1x32x1000000xf32, #tpu.memory_space<hbm>> -> memref<1x8x128xf32, #tpu.memory_space<hbm>>
    %dma_start3A_726 = tpu.memref_squeeze %dma_start3A_725 : memref<1x8x128xf32, #tpu.memory_space<hbm>> -> memref<8x128xf32, #tpu.memory_space<hbm>>
    tpu.enqueue_dma source(%dma_start3A_726 : memref<8x128xf32, #tpu.memory_space<hbm>>) target(%dma_start3A_724 : memref<8x128xf32, #tpu.memory_space<vmem>>) target_semaphore(%arg7 : memref<!tpu.dma_semaphore, #tpu.memory_space<semaphore_mem>>)
    %add3A_727 = arith.constant 23 : i32
    %add3A_728 = arith.addi %min3A_37, %add3A_727 : i32
    %mul3A_729 = arith.constant 128 : i32
    %mul3A_730 = arith.muli %add3A_728, %mul3A_729 : i32
    %multiple_of3A_731 = tpu.assume_multiple %mul3A_730, 128 : i32
    %dma_start3A_732 = arith.constant 0 : i32
    %dma_start3A_733 = arith.constant 0 : i32
    %dma_start3A_734 = arith.constant 23 : i32
    %dma_start3A_735 = arith.constant 0 : i32
    %dma_start3A_736 = arith.constant 0 : i32
    %dma_start3A_737 = arith.constant 0 : i32
    %dma_start3A_738 = tpu.memref_slice %arg5[%dma_start3A_733, %dma_start3A_735, %dma_start3A_736, %dma_start3A_737] : memref<2x32x8x128xf32, #tpu.memory_space<vmem>> -> memref<1x32x8x128xf32, #tpu.memory_space<vmem>>
    %dma_start3A_739 = tpu.memref_squeeze %dma_start3A_738 : memref<1x32x8x128xf32, #tpu.memory_space<vmem>> -> memref<32x8x128xf32, #tpu.memory_space<vmem>>
    %dma_start3A_740 = arith.constant 0 : i32
    %dma_start3A_741 = arith.constant 0 : i32
    %dma_start3A_742 = tpu.memref_slice %dma_start3A_739[%dma_start3A_734, %dma_start3A_740, %dma_start3A_741] : memref<32x8x128xf32, #tpu.memory_space<vmem>> -> memref<1x8x128xf32, #tpu.memory_space<vmem>>
    %dma_start3A_743 = tpu.memref_squeeze %dma_start3A_742 : memref<1x8x128xf32, #tpu.memory_space<vmem>> -> memref<8x128xf32, #tpu.memory_space<vmem>>
    %dma_start3A_744 = tpu.memref_slice %arg2[%dma_start3A_732, %multiple_of3A, %multiple_of3A_731] : memref<1x32x1000000xf32, #tpu.memory_space<hbm>> -> memref<1x8x128xf32, #tpu.memory_space<hbm>>
    %dma_start3A_745 = tpu.memref_squeeze %dma_start3A_744 : memref<1x8x128xf32, #tpu.memory_space<hbm>> -> memref<8x128xf32, #tpu.memory_space<hbm>>
    %dma_start3A_746 = arith.constant 0 : i32
    %dma_start3A_747 = arith.constant 0 : i32
    %dma_start3A_748 = arith.constant 0 : i32
    %dma_start3A_749 = tpu.memref_slice %arg5[%dma_start3A_733, %dma_start3A_746, %dma_start3A_747, %dma_start3A_748] : memref<2x32x8x128xf32, #tpu.memory_space<vmem>> -> memref<1x32x8x128xf32, #tpu.memory_space<vmem>>
    %dma_start3A_750 = tpu.memref_squeeze %dma_start3A_749 : memref<1x32x8x128xf32, #tpu.memory_space<vmem>> -> memref<32x8x128xf32, #tpu.memory_space<vmem>>
    %dma_start3A_751 = arith.constant 0 : i32
    %dma_start3A_752 = arith.constant 0 : i32
    %dma_start3A_753 = tpu.memref_slice %dma_start3A_750[%dma_start3A_734, %dma_start3A_751, %dma_start3A_752] : memref<32x8x128xf32, #tpu.memory_space<vmem>> -> memref<1x8x128xf32, #tpu.memory_space<vmem>>
    %dma_start3A_754 = tpu.memref_squeeze %dma_start3A_753 : memref<1x8x128xf32, #tpu.memory_space<vmem>> -> memref<8x128xf32, #tpu.memory_space<vmem>>
    %dma_start3A_755 = tpu.memref_slice %arg2[%dma_start3A_732, %multiple_of3A, %multiple_of3A_731] : memref<1x32x1000000xf32, #tpu.memory_space<hbm>> -> memref<1x8x128xf32, #tpu.memory_space<hbm>>
    %dma_start3A_756 = tpu.memref_squeeze %dma_start3A_755 : memref<1x8x128xf32, #tpu.memory_space<hbm>> -> memref<8x128xf32, #tpu.memory_space<hbm>>
    tpu.enqueue_dma source(%dma_start3A_756 : memref<8x128xf32, #tpu.memory_space<hbm>>) target(%dma_start3A_754 : memref<8x128xf32, #tpu.memory_space<vmem>>) target_semaphore(%arg7 : memref<!tpu.dma_semaphore, #tpu.memory_space<semaphore_mem>>)
    %add3A_757 = arith.constant 24 : i32
    %add3A_758 = arith.addi %min3A_37, %add3A_757 : i32
    %mul3A_759 = arith.constant 128 : i32
    %mul3A_760 = arith.muli %add3A_758, %mul3A_759 : i32
    %multiple_of3A_761 = tpu.assume_multiple %mul3A_760, 128 : i32
    %dma_start3A_762 = arith.constant 0 : i32
    %dma_start3A_763 = arith.constant 0 : i32
    %dma_start3A_764 = arith.constant 24 : i32
    %dma_start3A_765 = arith.constant 0 : i32
    %dma_start3A_766 = arith.constant 0 : i32
    %dma_start3A_767 = arith.constant 0 : i32
    %dma_start3A_768 = tpu.memref_slice %arg5[%dma_start3A_763, %dma_start3A_765, %dma_start3A_766, %dma_start3A_767] : memref<2x32x8x128xf32, #tpu.memory_space<vmem>> -> memref<1x32x8x128xf32, #tpu.memory_space<vmem>>
    %dma_start3A_769 = tpu.memref_squeeze %dma_start3A_768 : memref<1x32x8x128xf32, #tpu.memory_space<vmem>> -> memref<32x8x128xf32, #tpu.memory_space<vmem>>
    %dma_start3A_770 = arith.constant 0 : i32
    %dma_start3A_771 = arith.constant 0 : i32
    %dma_start3A_772 = tpu.memref_slice %dma_start3A_769[%dma_start3A_764, %dma_start3A_770, %dma_start3A_771] : memref<32x8x128xf32, #tpu.memory_space<vmem>> -> memref<1x8x128xf32, #tpu.memory_space<vmem>>
    %dma_start3A_773 = tpu.memref_squeeze %dma_start3A_772 : memref<1x8x128xf32, #tpu.memory_space<vmem>> -> memref<8x128xf32, #tpu.memory_space<vmem>>
    %dma_start3A_774 = tpu.memref_slice %arg2[%dma_start3A_762, %multiple_of3A, %multiple_of3A_761] : memref<1x32x1000000xf32, #tpu.memory_space<hbm>> -> memref<1x8x128xf32, #tpu.memory_space<hbm>>
    %dma_start3A_775 = tpu.memref_squeeze %dma_start3A_774 : memref<1x8x128xf32, #tpu.memory_space<hbm>> -> memref<8x128xf32, #tpu.memory_space<hbm>>
    %dma_start3A_776 = arith.constant 0 : i32
    %dma_start3A_777 = arith.constant 0 : i32
    %dma_start3A_778 = arith.constant 0 : i32
    %dma_start3A_779 = tpu.memref_slice %arg5[%dma_start3A_763, %dma_start3A_776, %dma_start3A_777, %dma_start3A_778] : memref<2x32x8x128xf32, #tpu.memory_space<vmem>> -> memref<1x32x8x128xf32, #tpu.memory_space<vmem>>
    %dma_start3A_780 = tpu.memref_squeeze %dma_start3A_779 : memref<1x32x8x128xf32, #tpu.memory_space<vmem>> -> memref<32x8x128xf32, #tpu.memory_space<vmem>>
    %dma_start3A_781 = arith.constant 0 : i32
    %dma_start3A_782 = arith.constant 0 : i32
    %dma_start3A_783 = tpu.memref_slice %dma_start3A_780[%dma_start3A_764, %dma_start3A_781, %dma_start3A_782] : memref<32x8x128xf32, #tpu.memory_space<vmem>> -> memref<1x8x128xf32, #tpu.memory_space<vmem>>
    %dma_start3A_784 = tpu.memref_squeeze %dma_start3A_783 : memref<1x8x128xf32, #tpu.memory_space<vmem>> -> memref<8x128xf32, #tpu.memory_space<vmem>>
    %dma_start3A_785 = tpu.memref_slice %arg2[%dma_start3A_762, %multiple_of3A, %multiple_of3A_761] : memref<1x32x1000000xf32, #tpu.memory_space<hbm>> -> memref<1x8x128xf32, #tpu.memory_space<hbm>>
    %dma_start3A_786 = tpu.memref_squeeze %dma_start3A_785 : memref<1x8x128xf32, #tpu.memory_space<hbm>> -> memref<8x128xf32, #tpu.memory_space<hbm>>
    tpu.enqueue_dma source(%dma_start3A_786 : memref<8x128xf32, #tpu.memory_space<hbm>>) target(%dma_start3A_784 : memref<8x128xf32, #tpu.memory_space<vmem>>) target_semaphore(%arg7 : memref<!tpu.dma_semaphore, #tpu.memory_space<semaphore_mem>>)
    %add3A_787 = arith.constant 25 : i32
    %add3A_788 = arith.addi %min3A_37, %add3A_787 : i32
    %mul3A_789 = arith.constant 128 : i32
    %mul3A_790 = arith.muli %add3A_788, %mul3A_789 : i32
    %multiple_of3A_791 = tpu.assume_multiple %mul3A_790, 128 : i32
    %dma_start3A_792 = arith.constant 0 : i32
    %dma_start3A_793 = arith.constant 0 : i32
    %dma_start3A_794 = arith.constant 25 : i32
    %dma_start3A_795 = arith.constant 0 : i32
    %dma_start3A_796 = arith.constant 0 : i32
    %dma_start3A_797 = arith.constant 0 : i32
    %dma_start3A_798 = tpu.memref_slice %arg5[%dma_start3A_793, %dma_start3A_795, %dma_start3A_796, %dma_start3A_797] : memref<2x32x8x128xf32, #tpu.memory_space<vmem>> -> memref<1x32x8x128xf32, #tpu.memory_space<vmem>>
    %dma_start3A_799 = tpu.memref_squeeze %dma_start3A_798 : memref<1x32x8x128xf32, #tpu.memory_space<vmem>> -> memref<32x8x128xf32, #tpu.memory_space<vmem>>
    %dma_start3A_800 = arith.constant 0 : i32
    %dma_start3A_801 = arith.constant 0 : i32
    %dma_start3A_802 = tpu.memref_slice %dma_start3A_799[%dma_start3A_794, %dma_start3A_800, %dma_start3A_801] : memref<32x8x128xf32, #tpu.memory_space<vmem>> -> memref<1x8x128xf32, #tpu.memory_space<vmem>>
    %dma_start3A_803 = tpu.memref_squeeze %dma_start3A_802 : memref<1x8x128xf32, #tpu.memory_space<vmem>> -> memref<8x128xf32, #tpu.memory_space<vmem>>
    %dma_start3A_804 = tpu.memref_slice %arg2[%dma_start3A_792, %multiple_of3A, %multiple_of3A_791] : memref<1x32x1000000xf32, #tpu.memory_space<hbm>> -> memref<1x8x128xf32, #tpu.memory_space<hbm>>
    %dma_start3A_805 = tpu.memref_squeeze %dma_start3A_804 : memref<1x8x128xf32, #tpu.memory_space<hbm>> -> memref<8x128xf32, #tpu.memory_space<hbm>>
    %dma_start3A_806 = arith.constant 0 : i32
    %dma_start3A_807 = arith.constant 0 : i32
    %dma_start3A_808 = arith.constant 0 : i32
    %dma_start3A_809 = tpu.memref_slice %arg5[%dma_start3A_793, %dma_start3A_806, %dma_start3A_807, %dma_start3A_808] : memref<2x32x8x128xf32, #tpu.memory_space<vmem>> -> memref<1x32x8x128xf32, #tpu.memory_space<vmem>>
    %dma_start3A_810 = tpu.memref_squeeze %dma_start3A_809 : memref<1x32x8x128xf32, #tpu.memory_space<vmem>> -> memref<32x8x128xf32, #tpu.memory_space<vmem>>
    %dma_start3A_811 = arith.constant 0 : i32
    %dma_start3A_812 = arith.constant 0 : i32
    %dma_start3A_813 = tpu.memref_slice %dma_start3A_810[%dma_start3A_794, %dma_start3A_811, %dma_start3A_812] : memref<32x8x128xf32, #tpu.memory_space<vmem>> -> memref<1x8x128xf32, #tpu.memory_space<vmem>>
    %dma_start3A_814 = tpu.memref_squeeze %dma_start3A_813 : memref<1x8x128xf32, #tpu.memory_space<vmem>> -> memref<8x128xf32, #tpu.memory_space<vmem>>
    %dma_start3A_815 = tpu.memref_slice %arg2[%dma_start3A_792, %multiple_of3A, %multiple_of3A_791] : memref<1x32x1000000xf32, #tpu.memory_space<hbm>> -> memref<1x8x128xf32, #tpu.memory_space<hbm>>
    %dma_start3A_816 = tpu.memref_squeeze %dma_start3A_815 : memref<1x8x128xf32, #tpu.memory_space<hbm>> -> memref<8x128xf32, #tpu.memory_space<hbm>>
    tpu.enqueue_dma source(%dma_start3A_816 : memref<8x128xf32, #tpu.memory_space<hbm>>) target(%dma_start3A_814 : memref<8x128xf32, #tpu.memory_space<vmem>>) target_semaphore(%arg7 : memref<!tpu.dma_semaphore, #tpu.memory_space<semaphore_mem>>)
    %add3A_817 = arith.constant 26 : i32
    %add3A_818 = arith.addi %min3A_37, %add3A_817 : i32
    %mul3A_819 = arith.constant 128 : i32
    %mul3A_820 = arith.muli %add3A_818, %mul3A_819 : i32
    %multiple_of3A_821 = tpu.assume_multiple %mul3A_820, 128 : i32
    %dma_start3A_822 = arith.constant 0 : i32
    %dma_start3A_823 = arith.constant 0 : i32
    %dma_start3A_824 = arith.constant 26 : i32
    %dma_start3A_825 = arith.constant 0 : i32
    %dma_start3A_826 = arith.constant 0 : i32
    %dma_start3A_827 = arith.constant 0 : i32
    %dma_start3A_828 = tpu.memref_slice %arg5[%dma_start3A_823, %dma_start3A_825, %dma_start3A_826, %dma_start3A_827] : memref<2x32x8x128xf32, #tpu.memory_space<vmem>> -> memref<1x32x8x128xf32, #tpu.memory_space<vmem>>
    %dma_start3A_829 = tpu.memref_squeeze %dma_start3A_828 : memref<1x32x8x128xf32, #tpu.memory_space<vmem>> -> memref<32x8x128xf32, #tpu.memory_space<vmem>>
    %dma_start3A_830 = arith.constant 0 : i32
    %dma_start3A_831 = arith.constant 0 : i32
    %dma_start3A_832 = tpu.memref_slice %dma_start3A_829[%dma_start3A_824, %dma_start3A_830, %dma_start3A_831] : memref<32x8x128xf32, #tpu.memory_space<vmem>> -> memref<1x8x128xf32, #tpu.memory_space<vmem>>
    %dma_start3A_833 = tpu.memref_squeeze %dma_start3A_832 : memref<1x8x128xf32, #tpu.memory_space<vmem>> -> memref<8x128xf32, #tpu.memory_space<vmem>>
    %dma_start3A_834 = tpu.memref_slice %arg2[%dma_start3A_822, %multiple_of3A, %multiple_of3A_821] : memref<1x32x1000000xf32, #tpu.memory_space<hbm>> -> memref<1x8x128xf32, #tpu.memory_space<hbm>>
    %dma_start3A_835 = tpu.memref_squeeze %dma_start3A_834 : memref<1x8x128xf32, #tpu.memory_space<hbm>> -> memref<8x128xf32, #tpu.memory_space<hbm>>
    %dma_start3A_836 = arith.constant 0 : i32
    %dma_start3A_837 = arith.constant 0 : i32
    %dma_start3A_838 = arith.constant 0 : i32
    %dma_start3A_839 = tpu.memref_slice %arg5[%dma_start3A_823, %dma_start3A_836, %dma_start3A_837, %dma_start3A_838] : memref<2x32x8x128xf32, #tpu.memory_space<vmem>> -> memref<1x32x8x128xf32, #tpu.memory_space<vmem>>
    %dma_start3A_840 = tpu.memref_squeeze %dma_start3A_839 : memref<1x32x8x128xf32, #tpu.memory_space<vmem>> -> memref<32x8x128xf32, #tpu.memory_space<vmem>>
    %dma_start3A_841 = arith.constant 0 : i32
    %dma_start3A_842 = arith.constant 0 : i32
    %dma_start3A_843 = tpu.memref_slice %dma_start3A_840[%dma_start3A_824, %dma_start3A_841, %dma_start3A_842] : memref<32x8x128xf32, #tpu.memory_space<vmem>> -> memref<1x8x128xf32, #tpu.memory_space<vmem>>
    %dma_start3A_844 = tpu.memref_squeeze %dma_start3A_843 : memref<1x8x128xf32, #tpu.memory_space<vmem>> -> memref<8x128xf32, #tpu.memory_space<vmem>>
    %dma_start3A_845 = tpu.memref_slice %arg2[%dma_start3A_822, %multiple_of3A, %multiple_of3A_821] : memref<1x32x1000000xf32, #tpu.memory_space<hbm>> -> memref<1x8x128xf32, #tpu.memory_space<hbm>>
    %dma_start3A_846 = tpu.memref_squeeze %dma_start3A_845 : memref<1x8x128xf32, #tpu.memory_space<hbm>> -> memref<8x128xf32, #tpu.memory_space<hbm>>
    tpu.enqueue_dma source(%dma_start3A_846 : memref<8x128xf32, #tpu.memory_space<hbm>>) target(%dma_start3A_844 : memref<8x128xf32, #tpu.memory_space<vmem>>) target_semaphore(%arg7 : memref<!tpu.dma_semaphore, #tpu.memory_space<semaphore_mem>>)
    %add3A_847 = arith.constant 27 : i32
    %add3A_848 = arith.addi %min3A_37, %add3A_847 : i32
    %mul3A_849 = arith.constant 128 : i32
    %mul3A_850 = arith.muli %add3A_848, %mul3A_849 : i32
    %multiple_of3A_851 = tpu.assume_multiple %mul3A_850, 128 : i32
    %dma_start3A_852 = arith.constant 0 : i32
    %dma_start3A_853 = arith.constant 0 : i32
    %dma_start3A_854 = arith.constant 27 : i32
    %dma_start3A_855 = arith.constant 0 : i32
    %dma_start3A_856 = arith.constant 0 : i32
    %dma_start3A_857 = arith.constant 0 : i32
    %dma_start3A_858 = tpu.memref_slice %arg5[%dma_start3A_853, %dma_start3A_855, %dma_start3A_856, %dma_start3A_857] : memref<2x32x8x128xf32, #tpu.memory_space<vmem>> -> memref<1x32x8x128xf32, #tpu.memory_space<vmem>>
    %dma_start3A_859 = tpu.memref_squeeze %dma_start3A_858 : memref<1x32x8x128xf32, #tpu.memory_space<vmem>> -> memref<32x8x128xf32, #tpu.memory_space<vmem>>
    %dma_start3A_860 = arith.constant 0 : i32
    %dma_start3A_861 = arith.constant 0 : i32
    %dma_start3A_862 = tpu.memref_slice %dma_start3A_859[%dma_start3A_854, %dma_start3A_860, %dma_start3A_861] : memref<32x8x128xf32, #tpu.memory_space<vmem>> -> memref<1x8x128xf32, #tpu.memory_space<vmem>>
    %dma_start3A_863 = tpu.memref_squeeze %dma_start3A_862 : memref<1x8x128xf32, #tpu.memory_space<vmem>> -> memref<8x128xf32, #tpu.memory_space<vmem>>
    %dma_start3A_864 = tpu.memref_slice %arg2[%dma_start3A_852, %multiple_of3A, %multiple_of3A_851] : memref<1x32x1000000xf32, #tpu.memory_space<hbm>> -> memref<1x8x128xf32, #tpu.memory_space<hbm>>
    %dma_start3A_865 = tpu.memref_squeeze %dma_start3A_864 : memref<1x8x128xf32, #tpu.memory_space<hbm>> -> memref<8x128xf32, #tpu.memory_space<hbm>>
    %dma_start3A_866 = arith.constant 0 : i32
    %dma_start3A_867 = arith.constant 0 : i32
    %dma_start3A_868 = arith.constant 0 : i32
    %dma_start3A_869 = tpu.memref_slice %arg5[%dma_start3A_853, %dma_start3A_866, %dma_start3A_867, %dma_start3A_868] : memref<2x32x8x128xf32, #tpu.memory_space<vmem>> -> memref<1x32x8x128xf32, #tpu.memory_space<vmem>>
    %dma_start3A_870 = tpu.memref_squeeze %dma_start3A_869 : memref<1x32x8x128xf32, #tpu.memory_space<vmem>> -> memref<32x8x128xf32, #tpu.memory_space<vmem>>
    %dma_start3A_871 = arith.constant 0 : i32
    %dma_start3A_872 = arith.constant 0 : i32
    %dma_start3A_873 = tpu.memref_slice %dma_start3A_870[%dma_start3A_854, %dma_start3A_871, %dma_start3A_872] : memref<32x8x128xf32, #tpu.memory_space<vmem>> -> memref<1x8x128xf32, #tpu.memory_space<vmem>>
    %dma_start3A_874 = tpu.memref_squeeze %dma_start3A_873 : memref<1x8x128xf32, #tpu.memory_space<vmem>> -> memref<8x128xf32, #tpu.memory_space<vmem>>
    %dma_start3A_875 = tpu.memref_slice %arg2[%dma_start3A_852, %multiple_of3A, %multiple_of3A_851] : memref<1x32x1000000xf32, #tpu.memory_space<hbm>> -> memref<1x8x128xf32, #tpu.memory_space<hbm>>
    %dma_start3A_876 = tpu.memref_squeeze %dma_start3A_875 : memref<1x8x128xf32, #tpu.memory_space<hbm>> -> memref<8x128xf32, #tpu.memory_space<hbm>>
    tpu.enqueue_dma source(%dma_start3A_876 : memref<8x128xf32, #tpu.memory_space<hbm>>) target(%dma_start3A_874 : memref<8x128xf32, #tpu.memory_space<vmem>>) target_semaphore(%arg7 : memref<!tpu.dma_semaphore, #tpu.memory_space<semaphore_mem>>)
    %add3A_877 = arith.constant 28 : i32
    %add3A_878 = arith.addi %min3A_37, %add3A_877 : i32
    %mul3A_879 = arith.constant 128 : i32
    %mul3A_880 = arith.muli %add3A_878, %mul3A_879 : i32
    %multiple_of3A_881 = tpu.assume_multiple %mul3A_880, 128 : i32
    %dma_start3A_882 = arith.constant 0 : i32
    %dma_start3A_883 = arith.constant 0 : i32
    %dma_start3A_884 = arith.constant 28 : i32
    %dma_start3A_885 = arith.constant 0 : i32
    %dma_start3A_886 = arith.constant 0 : i32
    %dma_start3A_887 = arith.constant 0 : i32
    %dma_start3A_888 = tpu.memref_slice %arg5[%dma_start3A_883, %dma_start3A_885, %dma_start3A_886, %dma_start3A_887] : memref<2x32x8x128xf32, #tpu.memory_space<vmem>> -> memref<1x32x8x128xf32, #tpu.memory_space<vmem>>
    %dma_start3A_889 = tpu.memref_squeeze %dma_start3A_888 : memref<1x32x8x128xf32, #tpu.memory_space<vmem>> -> memref<32x8x128xf32, #tpu.memory_space<vmem>>
    %dma_start3A_890 = arith.constant 0 : i32
    %dma_start3A_891 = arith.constant 0 : i32
    %dma_start3A_892 = tpu.memref_slice %dma_start3A_889[%dma_start3A_884, %dma_start3A_890, %dma_start3A_891] : memref<32x8x128xf32, #tpu.memory_space<vmem>> -> memref<1x8x128xf32, #tpu.memory_space<vmem>>
    %dma_start3A_893 = tpu.memref_squeeze %dma_start3A_892 : memref<1x8x128xf32, #tpu.memory_space<vmem>> -> memref<8x128xf32, #tpu.memory_space<vmem>>
    %dma_start3A_894 = tpu.memref_slice %arg2[%dma_start3A_882, %multiple_of3A, %multiple_of3A_881] : memref<1x32x1000000xf32, #tpu.memory_space<hbm>> -> memref<1x8x128xf32, #tpu.memory_space<hbm>>
    %dma_start3A_895 = tpu.memref_squeeze %dma_start3A_894 : memref<1x8x128xf32, #tpu.memory_space<hbm>> -> memref<8x128xf32, #tpu.memory_space<hbm>>
    %dma_start3A_896 = arith.constant 0 : i32
    %dma_start3A_897 = arith.constant 0 : i32
    %dma_start3A_898 = arith.constant 0 : i32
    %dma_start3A_899 = tpu.memref_slice %arg5[%dma_start3A_883, %dma_start3A_896, %dma_start3A_897, %dma_start3A_898] : memref<2x32x8x128xf32, #tpu.memory_space<vmem>> -> memref<1x32x8x128xf32, #tpu.memory_space<vmem>>
    %dma_start3A_900 = tpu.memref_squeeze %dma_start3A_899 : memref<1x32x8x128xf32, #tpu.memory_space<vmem>> -> memref<32x8x128xf32, #tpu.memory_space<vmem>>
    %dma_start3A_901 = arith.constant 0 : i32
    %dma_start3A_902 = arith.constant 0 : i32
    %dma_start3A_903 = tpu.memref_slice %dma_start3A_900[%dma_start3A_884, %dma_start3A_901, %dma_start3A_902] : memref<32x8x128xf32, #tpu.memory_space<vmem>> -> memref<1x8x128xf32, #tpu.memory_space<vmem>>
    %dma_start3A_904 = tpu.memref_squeeze %dma_start3A_903 : memref<1x8x128xf32, #tpu.memory_space<vmem>> -> memref<8x128xf32, #tpu.memory_space<vmem>>
    %dma_start3A_905 = tpu.memref_slice %arg2[%dma_start3A_882, %multiple_of3A, %multiple_of3A_881] : memref<1x32x1000000xf32, #tpu.memory_space<hbm>> -> memref<1x8x128xf32, #tpu.memory_space<hbm>>
    %dma_start3A_906 = tpu.memref_squeeze %dma_start3A_905 : memref<1x8x128xf32, #tpu.memory_space<hbm>> -> memref<8x128xf32, #tpu.memory_space<hbm>>
    tpu.enqueue_dma source(%dma_start3A_906 : memref<8x128xf32, #tpu.memory_space<hbm>>) target(%dma_start3A_904 : memref<8x128xf32, #tpu.memory_space<vmem>>) target_semaphore(%arg7 : memref<!tpu.dma_semaphore, #tpu.memory_space<semaphore_mem>>)
    %add3A_907 = arith.constant 29 : i32
    %add3A_908 = arith.addi %min3A_37, %add3A_907 : i32
    %mul3A_909 = arith.constant 128 : i32
    %mul3A_910 = arith.muli %add3A_908, %mul3A_909 : i32
    %multiple_of3A_911 = tpu.assume_multiple %mul3A_910, 128 : i32
    %dma_start3A_912 = arith.constant 0 : i32
    %dma_start3A_913 = arith.constant 0 : i32
    %dma_start3A_914 = arith.constant 29 : i32
    %dma_start3A_915 = arith.constant 0 : i32
    %dma_start3A_916 = arith.constant 0 : i32
    %dma_start3A_917 = arith.constant 0 : i32
    %dma_start3A_918 = tpu.memref_slice %arg5[%dma_start3A_913, %dma_start3A_915, %dma_start3A_916, %dma_start3A_917] : memref<2x32x8x128xf32, #tpu.memory_space<vmem>> -> memref<1x32x8x128xf32, #tpu.memory_space<vmem>>
    %dma_start3A_919 = tpu.memref_squeeze %dma_start3A_918 : memref<1x32x8x128xf32, #tpu.memory_space<vmem>> -> memref<32x8x128xf32, #tpu.memory_space<vmem>>
    %dma_start3A_920 = arith.constant 0 : i32
    %dma_start3A_921 = arith.constant 0 : i32
    %dma_start3A_922 = tpu.memref_slice %dma_start3A_919[%dma_start3A_914, %dma_start3A_920, %dma_start3A_921] : memref<32x8x128xf32, #tpu.memory_space<vmem>> -> memref<1x8x128xf32, #tpu.memory_space<vmem>>
    %dma_start3A_923 = tpu.memref_squeeze %dma_start3A_922 : memref<1x8x128xf32, #tpu.memory_space<vmem>> -> memref<8x128xf32, #tpu.memory_space<vmem>>
    %dma_start3A_924 = tpu.memref_slice %arg2[%dma_start3A_912, %multiple_of3A, %multiple_of3A_911] : memref<1x32x1000000xf32, #tpu.memory_space<hbm>> -> memref<1x8x128xf32, #tpu.memory_space<hbm>>
    %dma_start3A_925 = tpu.memref_squeeze %dma_start3A_924 : memref<1x8x128xf32, #tpu.memory_space<hbm>> -> memref<8x128xf32, #tpu.memory_space<hbm>>
    %dma_start3A_926 = arith.constant 0 : i32
    %dma_start3A_927 = arith.constant 0 : i32
    %dma_start3A_928 = arith.constant 0 : i32
    %dma_start3A_929 = tpu.memref_slice %arg5[%dma_start3A_913, %dma_start3A_926, %dma_start3A_927, %dma_start3A_928] : memref<2x32x8x128xf32, #tpu.memory_space<vmem>> -> memref<1x32x8x128xf32, #tpu.memory_space<vmem>>
    %dma_start3A_930 = tpu.memref_squeeze %dma_start3A_929 : memref<1x32x8x128xf32, #tpu.memory_space<vmem>> -> memref<32x8x128xf32, #tpu.memory_space<vmem>>
    %dma_start3A_931 = arith.constant 0 : i32
    %dma_start3A_932 = arith.constant 0 : i32
    %dma_start3A_933 = tpu.memref_slice %dma_start3A_930[%dma_start3A_914, %dma_start3A_931, %dma_start3A_932] : memref<32x8x128xf32, #tpu.memory_space<vmem>> -> memref<1x8x128xf32, #tpu.memory_space<vmem>>
    %dma_start3A_934 = tpu.memref_squeeze %dma_start3A_933 : memref<1x8x128xf32, #tpu.memory_space<vmem>> -> memref<8x128xf32, #tpu.memory_space<vmem>>
    %dma_start3A_935 = tpu.memref_slice %arg2[%dma_start3A_912, %multiple_of3A, %multiple_of3A_911] : memref<1x32x1000000xf32, #tpu.memory_space<hbm>> -> memref<1x8x128xf32, #tpu.memory_space<hbm>>
    %dma_start3A_936 = tpu.memref_squeeze %dma_start3A_935 : memref<1x8x128xf32, #tpu.memory_space<hbm>> -> memref<8x128xf32, #tpu.memory_space<hbm>>
    tpu.enqueue_dma source(%dma_start3A_936 : memref<8x128xf32, #tpu.memory_space<hbm>>) target(%dma_start3A_934 : memref<8x128xf32, #tpu.memory_space<vmem>>) target_semaphore(%arg7 : memref<!tpu.dma_semaphore, #tpu.memory_space<semaphore_mem>>)
    %add3A_937 = arith.constant 30 : i32
    %add3A_938 = arith.addi %min3A_37, %add3A_937 : i32
    %mul3A_939 = arith.constant 128 : i32
    %mul3A_940 = arith.muli %add3A_938, %mul3A_939 : i32
    %multiple_of3A_941 = tpu.assume_multiple %mul3A_940, 128 : i32
    %dma_start3A_942 = arith.constant 0 : i32
    %dma_start3A_943 = arith.constant 0 : i32
    %dma_start3A_944 = arith.constant 30 : i32
    %dma_start3A_945 = arith.constant 0 : i32
    %dma_start3A_946 = arith.constant 0 : i32
    %dma_start3A_947 = arith.constant 0 : i32
    %dma_start3A_948 = tpu.memref_slice %arg5[%dma_start3A_943, %dma_start3A_945, %dma_start3A_946, %dma_start3A_947] : memref<2x32x8x128xf32, #tpu.memory_space<vmem>> -> memref<1x32x8x128xf32, #tpu.memory_space<vmem>>
    %dma_start3A_949 = tpu.memref_squeeze %dma_start3A_948 : memref<1x32x8x128xf32, #tpu.memory_space<vmem>> -> memref<32x8x128xf32, #tpu.memory_space<vmem>>
    %dma_start3A_950 = arith.constant 0 : i32
    %dma_start3A_951 = arith.constant 0 : i32
    %dma_start3A_952 = tpu.memref_slice %dma_start3A_949[%dma_start3A_944, %dma_start3A_950, %dma_start3A_951] : memref<32x8x128xf32, #tpu.memory_space<vmem>> -> memref<1x8x128xf32, #tpu.memory_space<vmem>>
    %dma_start3A_953 = tpu.memref_squeeze %dma_start3A_952 : memref<1x8x128xf32, #tpu.memory_space<vmem>> -> memref<8x128xf32, #tpu.memory_space<vmem>>
    %dma_start3A_954 = tpu.memref_slice %arg2[%dma_start3A_942, %multiple_of3A, %multiple_of3A_941] : memref<1x32x1000000xf32, #tpu.memory_space<hbm>> -> memref<1x8x128xf32, #tpu.memory_space<hbm>>
    %dma_start3A_955 = tpu.memref_squeeze %dma_start3A_954 : memref<1x8x128xf32, #tpu.memory_space<hbm>> -> memref<8x128xf32, #tpu.memory_space<hbm>>
    %dma_start3A_956 = arith.constant 0 : i32
    %dma_start3A_957 = arith.constant 0 : i32
    %dma_start3A_958 = arith.constant 0 : i32
    %dma_start3A_959 = tpu.memref_slice %arg5[%dma_start3A_943, %dma_start3A_956, %dma_start3A_957, %dma_start3A_958] : memref<2x32x8x128xf32, #tpu.memory_space<vmem>> -> memref<1x32x8x128xf32, #tpu.memory_space<vmem>>
    %dma_start3A_960 = tpu.memref_squeeze %dma_start3A_959 : memref<1x32x8x128xf32, #tpu.memory_space<vmem>> -> memref<32x8x128xf32, #tpu.memory_space<vmem>>
    %dma_start3A_961 = arith.constant 0 : i32
    %dma_start3A_962 = arith.constant 0 : i32
    %dma_start3A_963 = tpu.memref_slice %dma_start3A_960[%dma_start3A_944, %dma_start3A_961, %dma_start3A_962] : memref<32x8x128xf32, #tpu.memory_space<vmem>> -> memref<1x8x128xf32, #tpu.memory_space<vmem>>
    %dma_start3A_964 = tpu.memref_squeeze %dma_start3A_963 : memref<1x8x128xf32, #tpu.memory_space<vmem>> -> memref<8x128xf32, #tpu.memory_space<vmem>>
    %dma_start3A_965 = tpu.memref_slice %arg2[%dma_start3A_942, %multiple_of3A, %multiple_of3A_941] : memref<1x32x1000000xf32, #tpu.memory_space<hbm>> -> memref<1x8x128xf32, #tpu.memory_space<hbm>>
    %dma_start3A_966 = tpu.memref_squeeze %dma_start3A_965 : memref<1x8x128xf32, #tpu.memory_space<hbm>> -> memref<8x128xf32, #tpu.memory_space<hbm>>
    tpu.enqueue_dma source(%dma_start3A_966 : memref<8x128xf32, #tpu.memory_space<hbm>>) target(%dma_start3A_964 : memref<8x128xf32, #tpu.memory_space<vmem>>) target_semaphore(%arg7 : memref<!tpu.dma_semaphore, #tpu.memory_space<semaphore_mem>>)
    %add3A_967 = arith.constant 31 : i32
    %add3A_968 = arith.addi %min3A_37, %add3A_967 : i32
    %mul3A_969 = arith.constant 128 : i32
    %mul3A_970 = arith.muli %add3A_968, %mul3A_969 : i32
    %multiple_of3A_971 = tpu.assume_multiple %mul3A_970, 128 : i32
    %dma_start3A_972 = arith.constant 0 : i32
    %dma_start3A_973 = arith.constant 0 : i32
    %dma_start3A_974 = arith.constant 31 : i32
    %dma_start3A_975 = arith.constant 0 : i32
    %dma_start3A_976 = arith.constant 0 : i32
    %dma_start3A_977 = arith.constant 0 : i32
    %dma_start3A_978 = tpu.memref_slice %arg5[%dma_start3A_973, %dma_start3A_975, %dma_start3A_976, %dma_start3A_977] : memref<2x32x8x128xf32, #tpu.memory_space<vmem>> -> memref<1x32x8x128xf32, #tpu.memory_space<vmem>>
    %dma_start3A_979 = tpu.memref_squeeze %dma_start3A_978 : memref<1x32x8x128xf32, #tpu.memory_space<vmem>> -> memref<32x8x128xf32, #tpu.memory_space<vmem>>
    %dma_start3A_980 = arith.constant 0 : i32
    %dma_start3A_981 = arith.constant 0 : i32
    %dma_start3A_982 = tpu.memref_slice %dma_start3A_979[%dma_start3A_974, %dma_start3A_980, %dma_start3A_981] : memref<32x8x128xf32, #tpu.memory_space<vmem>> -> memref<1x8x128xf32, #tpu.memory_space<vmem>>
    %dma_start3A_983 = tpu.memref_squeeze %dma_start3A_982 : memref<1x8x128xf32, #tpu.memory_space<vmem>> -> memref<8x128xf32, #tpu.memory_space<vmem>>
    %dma_start3A_984 = tpu.memref_slice %arg2[%dma_start3A_972, %multiple_of3A, %multiple_of3A_971] : memref<1x32x1000000xf32, #tpu.memory_space<hbm>> -> memref<1x8x128xf32, #tpu.memory_space<hbm>>
    %dma_start3A_985 = tpu.memref_squeeze %dma_start3A_984 : memref<1x8x128xf32, #tpu.memory_space<hbm>> -> memref<8x128xf32, #tpu.memory_space<hbm>>
    %dma_start3A_986 = arith.constant 0 : i32
    %dma_start3A_987 = arith.constant 0 : i32
    %dma_start3A_988 = arith.constant 0 : i32
    %dma_start3A_989 = tpu.memref_slice %arg5[%dma_start3A_973, %dma_start3A_986, %dma_start3A_987, %dma_start3A_988] : memref<2x32x8x128xf32, #tpu.memory_space<vmem>> -> memref<1x32x8x128xf32, #tpu.memory_space<vmem>>
    %dma_start3A_990 = tpu.memref_squeeze %dma_start3A_989 : memref<1x32x8x128xf32, #tpu.memory_space<vmem>> -> memref<32x8x128xf32, #tpu.memory_space<vmem>>
    %dma_start3A_991 = arith.constant 0 : i32
    %dma_start3A_992 = arith.constant 0 : i32
    %dma_start3A_993 = tpu.memref_slice %dma_start3A_990[%dma_start3A_974, %dma_start3A_991, %dma_start3A_992] : memref<32x8x128xf32, #tpu.memory_space<vmem>> -> memref<1x8x128xf32, #tpu.memory_space<vmem>>
    %dma_start3A_994 = tpu.memref_squeeze %dma_start3A_993 : memref<1x8x128xf32, #tpu.memory_space<vmem>> -> memref<8x128xf32, #tpu.memory_space<vmem>>
    %dma_start3A_995 = tpu.memref_slice %arg2[%dma_start3A_972, %multiple_of3A, %multiple_of3A_971] : memref<1x32x1000000xf32, #tpu.memory_space<hbm>> -> memref<1x8x128xf32, #tpu.memory_space<hbm>>
    %dma_start3A_996 = tpu.memref_squeeze %dma_start3A_995 : memref<1x8x128xf32, #tpu.memory_space<hbm>> -> memref<8x128xf32, #tpu.memory_space<hbm>>
    tpu.enqueue_dma source(%dma_start3A_996 : memref<8x128xf32, #tpu.memory_space<hbm>>) target(%dma_start3A_994 : memref<8x128xf32, #tpu.memory_space<vmem>>) target_semaphore(%arg7 : memref<!tpu.dma_semaphore, #tpu.memory_space<semaphore_mem>>)
    %scan3A = arith.constant 0 : i32
    %scan3A_997 = arith.constant 0 : i32
    %scan3A_998 = arith.constant 31 : i32
    %scan3A_999 = arith.addi %scan3A_997, %scan3A_998 : i32
    %scan3A_1000 = arith.constant 1 : i32
    scf.for %scan3A_1033 = %scan3A_997 to %scan3A_999 step %scan3A_1000  : i32 {
      %and3A_1034 = arith.constant 1 : i32
      %and3A_1035 = arith.andi %scan3A_1033, %and3A_1034 : i32
      %dma_wait3A_1036 = arith.constant 0 : i32
      %dma_wait3A_1037 = arith.constant 0 : i32
      %dma_wait3A_1038 = arith.constant 0 : i32
      %dma_wait3A_1039 = tpu.memref_slice %arg5[%and3A_1035, %dma_wait3A_1036, %dma_wait3A_1037, %dma_wait3A_1038] : memref<2x32x8x128xf32, #tpu.memory_space<vmem>> -> memref<1x32x8x128xf32, #tpu.memory_space<vmem>>
      %dma_wait3A_1040 = tpu.memref_squeeze %dma_wait3A_1039 : memref<1x32x8x128xf32, #tpu.memory_space<vmem>> -> memref<32x8x128xf32, #tpu.memory_space<vmem>>
      %dma_wait3A_1041 = arith.constant 0 : i32
      %dma_wait3A_1042 = arith.constant 0 : i32
      %dma_wait3A_1043 = arith.constant 0 : i32
      %dma_wait3A_1044 = tpu.memref_slice %arg4[%dma_wait3A_1041, %dma_wait3A_1042, %dma_wait3A_1043] : memref<31252x8x128xf32, #tpu.memory_space<hbm>> -> memref<32x8x128xf32, #tpu.memory_space<hbm>>
      %dma_wait3A_1045 = arith.constant 0 : i32
      %dma_wait3A_1046 = arith.constant 0 : i32
      %dma_wait3A_1047 = arith.constant 0 : i32
      %dma_wait3A_1048 = tpu.memref_slice %arg5[%and3A_1035, %dma_wait3A_1045, %dma_wait3A_1046, %dma_wait3A_1047] : memref<2x32x8x128xf32, #tpu.memory_space<vmem>> -> memref<1x32x8x128xf32, #tpu.memory_space<vmem>>
      %dma_wait3A_1049 = tpu.memref_squeeze %dma_wait3A_1048 : memref<1x32x8x128xf32, #tpu.memory_space<vmem>> -> memref<32x8x128xf32, #tpu.memory_space<vmem>>
      %dma_wait3A_1050 = arith.constant 0 : i32
      %dma_wait3A_1051 = arith.constant 0 : i32
      %dma_wait3A_1052 = arith.constant 0 : i32
      %dma_wait3A_1053 = tpu.memref_slice %arg4[%dma_wait3A_1050, %dma_wait3A_1051, %dma_wait3A_1052] : memref<31252x8x128xf32, #tpu.memory_space<hbm>> -> memref<32x8x128xf32, #tpu.memory_space<hbm>>
      tpu.wait_dma2 semaphore(%arg7 : memref<!tpu.dma_semaphore, #tpu.memory_space<semaphore_mem>>) src(%dma_wait3A_1053 : memref<32x8x128xf32, #tpu.memory_space<hbm>>) dst(%dma_wait3A_1049 : memref<32x8x128xf32, #tpu.memory_space<vmem>>)
      %ge3A = arith.constant 1 : i32
      %ge3A_1054 = arith.cmpi sge, %scan3A_1033, %ge3A : i32
      %convert_element_type3A = arith.extui %ge3A_1054 : i1 to i32
      %cond3A = arith.constant 0 : i32
      %cond3A_1055 = arith.cmpi ne, %convert_element_type3A, %cond3A : i32
      scf.if %cond3A_1055 {
        %sub3A_1089 = arith.constant 1 : i32
        %sub3A_1090 = arith.subi %sub3A_1089, %and3A_1035 : i32
        %sub3A_1091 = arith.constant 1 : i32
        %sub3A_1092 = arith.subi %scan3A_1033, %sub3A_1091 : i32
        %mul3A_1093 = arith.constant 7813 : i32
        %mul3A_1094 = arith.muli %select_n3A, %mul3A_1093 : i32
        %mul3A_1095 = arith.constant 977 : i32
        %mul3A_1096 = arith.muli %select_n3A_30, %mul3A_1095 : i32
        %mul3A_1097 = arith.constant 32 : i32
        %mul3A_1098 = arith.muli %sub3A_1092, %mul3A_1097 : i32
        %add3A_1099 = arith.addi %mul3A_1096, %mul3A_1098 : i32
        %min3A_1100 = arith.constant 7780 : i32
        %min3A_1101 = arith.minsi %add3A_1099, %min3A_1100 : i32
        %add3A_1102 = arith.addi %mul3A_1094, %min3A_1101 : i32
        %dma_wait3A_1103 = arith.constant 0 : i32
        %dma_wait3A_1104 = arith.constant 0 : i32
        %dma_wait3A_1105 = arith.constant 0 : i32
        %dma_wait3A_1106 = tpu.memref_slice %arg5[%sub3A_1090, %dma_wait3A_1103, %dma_wait3A_1104, %dma_wait3A_1105] : memref<2x32x8x128xf32, #tpu.memory_space<vmem>> -> memref<1x32x8x128xf32, #tpu.memory_space<vmem>>
        %dma_wait3A_1107 = tpu.memref_squeeze %dma_wait3A_1106 : memref<1x32x8x128xf32, #tpu.memory_space<vmem>> -> memref<32x8x128xf32, #tpu.memory_space<vmem>>
        %dma_wait3A_1108 = arith.constant 0 : i32
        %dma_wait3A_1109 = arith.constant 0 : i32
        %dma_wait3A_1110 = tpu.memref_slice %arg4[%add3A_1102, %dma_wait3A_1108, %dma_wait3A_1109] : memref<31252x8x128xf32, #tpu.memory_space<hbm>> -> memref<32x8x128xf32, #tpu.memory_space<hbm>>
        %dma_wait3A_1111 = arith.constant 0 : i32
        %dma_wait3A_1112 = arith.constant 0 : i32
        %dma_wait3A_1113 = tpu.memref_slice %arg4[%add3A_1102, %dma_wait3A_1111, %dma_wait3A_1112] : memref<31252x8x128xf32, #tpu.memory_space<hbm>> -> memref<32x8x128xf32, #tpu.memory_space<hbm>>
        %dma_wait3A_1114 = arith.constant 0 : i32
        %dma_wait3A_1115 = arith.constant 0 : i32
        %dma_wait3A_1116 = arith.constant 0 : i32
        %dma_wait3A_1117 = tpu.memref_slice %arg5[%sub3A_1090, %dma_wait3A_1114, %dma_wait3A_1115, %dma_wait3A_1116] : memref<2x32x8x128xf32, #tpu.memory_space<vmem>> -> memref<1x32x8x128xf32, #tpu.memory_space<vmem>>
        %dma_wait3A_1118 = tpu.memref_squeeze %dma_wait3A_1117 : memref<1x32x8x128xf32, #tpu.memory_space<vmem>> -> memref<32x8x128xf32, #tpu.memory_space<vmem>>
        tpu.wait_dma2 semaphore(%arg8 : memref<!tpu.dma_semaphore, #tpu.memory_space<semaphore_mem>>) src(%dma_wait3A_1118 : memref<32x8x128xf32, #tpu.memory_space<vmem>>) dst(%dma_wait3A_1113 : memref<32x8x128xf32, #tpu.memory_space<hbm>>)
      } else {
      }
      %add3A_1056 = arith.constant 1 : i32
      %add3A_1057 = arith.addi %scan3A_1033, %add3A_1056 : i32
      %lt3A_1058 = arith.constant 31 : i32
      %lt3A_1059 = arith.cmpi slt, %add3A_1057, %lt3A_1058 : i32
      %convert_element_type3A_1060 = arith.extui %lt3A_1059 : i1 to i32
      %cond3A_1061 = arith.constant 0 : i32
      %cond3A_1062 = arith.cmpi ne, %convert_element_type3A_1060, %cond3A_1061 : i32
      scf.if %cond3A_1062 {
        %add3A_1089 = arith.constant 1 : i32
        %add3A_1090 = arith.addi %scan3A_1033, %add3A_1089 : i32
        %sub3A_1091 = arith.constant 1 : i32
        %sub3A_1092 = arith.subi %sub3A_1091, %and3A_1035 : i32
        %mul3A_1093 = arith.constant 977 : i32
        %mul3A_1094 = arith.muli %select_n3A_30, %mul3A_1093 : i32
        %mul3A_1095 = arith.constant 32 : i32
        %mul3A_1096 = arith.muli %add3A_1090, %mul3A_1095 : i32
        %add3A_1097 = arith.addi %mul3A_1094, %mul3A_1096 : i32
        %min3A_1098 = arith.constant 7780 : i32
        %min3A_1099 = arith.minsi %add3A_1097, %min3A_1098 : i32
        %add3A_1100 = arith.constant 0 : i32
        %add3A_1101 = arith.addi %min3A_1099, %add3A_1100 : i32
        %mul3A_1102 = arith.constant 128 : i32
        %mul3A_1103 = arith.muli %add3A_1101, %mul3A_1102 : i32
        %multiple_of3A_1104 = tpu.assume_multiple %mul3A_1103, 128 : i32
        %dma_start3A_1105 = arith.constant 0 : i32
        %dma_start3A_1106 = arith.constant 0 : i32
        %dma_start3A_1107 = arith.constant 0 : i32
        %dma_start3A_1108 = arith.constant 0 : i32
        %dma_start3A_1109 = arith.constant 0 : i32
        %dma_start3A_1110 = tpu.memref_slice %arg5[%sub3A_1092, %dma_start3A_1107, %dma_start3A_1108, %dma_start3A_1109] : memref<2x32x8x128xf32, #tpu.memory_space<vmem>> -> memref<1x32x8x128xf32, #tpu.memory_space<vmem>>
        %dma_start3A_1111 = tpu.memref_squeeze %dma_start3A_1110 : memref<1x32x8x128xf32, #tpu.memory_space<vmem>> -> memref<32x8x128xf32, #tpu.memory_space<vmem>>
        %dma_start3A_1112 = arith.constant 0 : i32
        %dma_start3A_1113 = arith.constant 0 : i32
        %dma_start3A_1114 = tpu.memref_slice %dma_start3A_1111[%dma_start3A_1106, %dma_start3A_1112, %dma_start3A_1113] : memref<32x8x128xf32, #tpu.memory_space<vmem>> -> memref<1x8x128xf32, #tpu.memory_space<vmem>>
        %dma_start3A_1115 = tpu.memref_squeeze %dma_start3A_1114 : memref<1x8x128xf32, #tpu.memory_space<vmem>> -> memref<8x128xf32, #tpu.memory_space<vmem>>
        %dma_start3A_1116 = tpu.memref_slice %arg2[%dma_start3A_1105, %multiple_of3A, %multiple_of3A_1104] : memref<1x32x1000000xf32, #tpu.memory_space<hbm>> -> memref<1x8x128xf32, #tpu.memory_space<hbm>>
        %dma_start3A_1117 = tpu.memref_squeeze %dma_start3A_1116 : memref<1x8x128xf32, #tpu.memory_space<hbm>> -> memref<8x128xf32, #tpu.memory_space<hbm>>
        %dma_start3A_1118 = arith.constant 0 : i32
        %dma_start3A_1119 = arith.constant 0 : i32
        %dma_start3A_1120 = arith.constant 0 : i32
        %dma_start3A_1121 = tpu.memref_slice %arg5[%sub3A_1092, %dma_start3A_1118, %dma_start3A_1119, %dma_start3A_1120] : memref<2x32x8x128xf32, #tpu.memory_space<vmem>> -> memref<1x32x8x128xf32, #tpu.memory_space<vmem>>
        %dma_start3A_1122 = tpu.memref_squeeze %dma_start3A_1121 : memref<1x32x8x128xf32, #tpu.memory_space<vmem>> -> memref<32x8x128xf32, #tpu.memory_space<vmem>>
        %dma_start3A_1123 = arith.constant 0 : i32
        %dma_start3A_1124 = arith.constant 0 : i32
        %dma_start3A_1125 = tpu.memref_slice %dma_start3A_1122[%dma_start3A_1106, %dma_start3A_1123, %dma_start3A_1124] : memref<32x8x128xf32, #tpu.memory_space<vmem>> -> memref<1x8x128xf32, #tpu.memory_space<vmem>>
        %dma_start3A_1126 = tpu.memref_squeeze %dma_start3A_1125 : memref<1x8x128xf32, #tpu.memory_space<vmem>> -> memref<8x128xf32, #tpu.memory_space<vmem>>
        %dma_start3A_1127 = tpu.memref_slice %arg2[%dma_start3A_1105, %multiple_of3A, %multiple_of3A_1104] : memref<1x32x1000000xf32, #tpu.memory_space<hbm>> -> memref<1x8x128xf32, #tpu.memory_space<hbm>>
        %dma_start3A_1128 = tpu.memref_squeeze %dma_start3A_1127 : memref<1x8x128xf32, #tpu.memory_space<hbm>> -> memref<8x128xf32, #tpu.memory_space<hbm>>
        tpu.enqueue_dma source(%dma_start3A_1128 : memref<8x128xf32, #tpu.memory_space<hbm>>) target(%dma_start3A_1126 : memref<8x128xf32, #tpu.memory_space<vmem>>) target_semaphore(%arg7 : memref<!tpu.dma_semaphore, #tpu.memory_space<semaphore_mem>>)
        %add3A_1129 = arith.constant 1 : i32
        %add3A_1130 = arith.addi %min3A_1099, %add3A_1129 : i32
        %mul3A_1131 = arith.constant 128 : i32
        %mul3A_1132 = arith.muli %add3A_1130, %mul3A_1131 : i32
        %multiple_of3A_1133 = tpu.assume_multiple %mul3A_1132, 128 : i32
        %dma_start3A_1134 = arith.constant 0 : i32
        %dma_start3A_1135 = arith.constant 1 : i32
        %dma_start3A_1136 = arith.constant 0 : i32
        %dma_start3A_1137 = arith.constant 0 : i32
        %dma_start3A_1138 = arith.constant 0 : i32
        %dma_start3A_1139 = tpu.memref_slice %arg5[%sub3A_1092, %dma_start3A_1136, %dma_start3A_1137, %dma_start3A_1138] : memref<2x32x8x128xf32, #tpu.memory_space<vmem>> -> memref<1x32x8x128xf32, #tpu.memory_space<vmem>>
        %dma_start3A_1140 = tpu.memref_squeeze %dma_start3A_1139 : memref<1x32x8x128xf32, #tpu.memory_space<vmem>> -> memref<32x8x128xf32, #tpu.memory_space<vmem>>
        %dma_start3A_1141 = arith.constant 0 : i32
        %dma_start3A_1142 = arith.constant 0 : i32
        %dma_start3A_1143 = tpu.memref_slice %dma_start3A_1140[%dma_start3A_1135, %dma_start3A_1141, %dma_start3A_1142] : memref<32x8x128xf32, #tpu.memory_space<vmem>> -> memref<1x8x128xf32, #tpu.memory_space<vmem>>
        %dma_start3A_1144 = tpu.memref_squeeze %dma_start3A_1143 : memref<1x8x128xf32, #tpu.memory_space<vmem>> -> memref<8x128xf32, #tpu.memory_space<vmem>>
        %dma_start3A_1145 = tpu.memref_slice %arg2[%dma_start3A_1134, %multiple_of3A, %multiple_of3A_1133] : memref<1x32x1000000xf32, #tpu.memory_space<hbm>> -> memref<1x8x128xf32, #tpu.memory_space<hbm>>
        %dma_start3A_1146 = tpu.memref_squeeze %dma_start3A_1145 : memref<1x8x128xf32, #tpu.memory_space<hbm>> -> memref<8x128xf32, #tpu.memory_space<hbm>>
        %dma_start3A_1147 = arith.constant 0 : i32
        %dma_start3A_1148 = arith.constant 0 : i32
        %dma_start3A_1149 = arith.constant 0 : i32
        %dma_start3A_1150 = tpu.memref_slice %arg5[%sub3A_1092, %dma_start3A_1147, %dma_start3A_1148, %dma_start3A_1149] : memref<2x32x8x128xf32, #tpu.memory_space<vmem>> -> memref<1x32x8x128xf32, #tpu.memory_space<vmem>>
        %dma_start3A_1151 = tpu.memref_squeeze %dma_start3A_1150 : memref<1x32x8x128xf32, #tpu.memory_space<vmem>> -> memref<32x8x128xf32, #tpu.memory_space<vmem>>
        %dma_start3A_1152 = arith.constant 0 : i32
        %dma_start3A_1153 = arith.constant 0 : i32
        %dma_start3A_1154 = tpu.memref_slice %dma_start3A_1151[%dma_start3A_1135, %dma_start3A_1152, %dma_start3A_1153] : memref<32x8x128xf32, #tpu.memory_space<vmem>> -> memref<1x8x128xf32, #tpu.memory_space<vmem>>
        %dma_start3A_1155 = tpu.memref_squeeze %dma_start3A_1154 : memref<1x8x128xf32, #tpu.memory_space<vmem>> -> memref<8x128xf32, #tpu.memory_space<vmem>>
        %dma_start3A_1156 = tpu.memref_slice %arg2[%dma_start3A_1134, %multiple_of3A, %multiple_of3A_1133] : memref<1x32x1000000xf32, #tpu.memory_space<hbm>> -> memref<1x8x128xf32, #tpu.memory_space<hbm>>
        %dma_start3A_1157 = tpu.memref_squeeze %dma_start3A_1156 : memref<1x8x128xf32, #tpu.memory_space<hbm>> -> memref<8x128xf32, #tpu.memory_space<hbm>>
        tpu.enqueue_dma source(%dma_start3A_1157 : memref<8x128xf32, #tpu.memory_space<hbm>>) target(%dma_start3A_1155 : memref<8x128xf32, #tpu.memory_space<vmem>>) target_semaphore(%arg7 : memref<!tpu.dma_semaphore, #tpu.memory_space<semaphore_mem>>)
        %add3A_1158 = arith.constant 2 : i32
        %add3A_1159 = arith.addi %min3A_1099, %add3A_1158 : i32
        %mul3A_1160 = arith.constant 128 : i32
        %mul3A_1161 = arith.muli %add3A_1159, %mul3A_1160 : i32
        %multiple_of3A_1162 = tpu.assume_multiple %mul3A_1161, 128 : i32
        %dma_start3A_1163 = arith.constant 0 : i32
        %dma_start3A_1164 = arith.constant 2 : i32
        %dma_start3A_1165 = arith.constant 0 : i32
        %dma_start3A_1166 = arith.constant 0 : i32
        %dma_start3A_1167 = arith.constant 0 : i32
        %dma_start3A_1168 = tpu.memref_slice %arg5[%sub3A_1092, %dma_start3A_1165, %dma_start3A_1166, %dma_start3A_1167] : memref<2x32x8x128xf32, #tpu.memory_space<vmem>> -> memref<1x32x8x128xf32, #tpu.memory_space<vmem>>
        %dma_start3A_1169 = tpu.memref_squeeze %dma_start3A_1168 : memref<1x32x8x128xf32, #tpu.memory_space<vmem>> -> memref<32x8x128xf32, #tpu.memory_space<vmem>>
        %dma_start3A_1170 = arith.constant 0 : i32
        %dma_start3A_1171 = arith.constant 0 : i32
        %dma_start3A_1172 = tpu.memref_slice %dma_start3A_1169[%dma_start3A_1164, %dma_start3A_1170, %dma_start3A_1171] : memref<32x8x128xf32, #tpu.memory_space<vmem>> -> memref<1x8x128xf32, #tpu.memory_space<vmem>>
        %dma_start3A_1173 = tpu.memref_squeeze %dma_start3A_1172 : memref<1x8x128xf32, #tpu.memory_space<vmem>> -> memref<8x128xf32, #tpu.memory_space<vmem>>
        %dma_start3A_1174 = tpu.memref_slice %arg2[%dma_start3A_1163, %multiple_of3A, %multiple_of3A_1162] : memref<1x32x1000000xf32, #tpu.memory_space<hbm>> -> memref<1x8x128xf32, #tpu.memory_space<hbm>>
        %dma_start3A_1175 = tpu.memref_squeeze %dma_start3A_1174 : memref<1x8x128xf32, #tpu.memory_space<hbm>> -> memref<8x128xf32, #tpu.memory_space<hbm>>
        %dma_start3A_1176 = arith.constant 0 : i32
        %dma_start3A_1177 = arith.constant 0 : i32
        %dma_start3A_1178 = arith.constant 0 : i32
        %dma_start3A_1179 = tpu.memref_slice %arg5[%sub3A_1092, %dma_start3A_1176, %dma_start3A_1177, %dma_start3A_1178] : memref<2x32x8x128xf32, #tpu.memory_space<vmem>> -> memref<1x32x8x128xf32, #tpu.memory_space<vmem>>
        %dma_start3A_1180 = tpu.memref_squeeze %dma_start3A_1179 : memref<1x32x8x128xf32, #tpu.memory_space<vmem>> -> memref<32x8x128xf32, #tpu.memory_space<vmem>>
        %dma_start3A_1181 = arith.constant 0 : i32
        %dma_start3A_1182 = arith.constant 0 : i32
        %dma_start3A_1183 = tpu.memref_slice %dma_start3A_1180[%dma_start3A_1164, %dma_start3A_1181, %dma_start3A_1182] : memref<32x8x128xf32, #tpu.memory_space<vmem>> -> memref<1x8x128xf32, #tpu.memory_space<vmem>>
        %dma_start3A_1184 = tpu.memref_squeeze %dma_start3A_1183 : memref<1x8x128xf32, #tpu.memory_space<vmem>> -> memref<8x128xf32, #tpu.memory_space<vmem>>
        %dma_start3A_1185 = tpu.memref_slice %arg2[%dma_start3A_1163, %multiple_of3A, %multiple_of3A_1162] : memref<1x32x1000000xf32, #tpu.memory_space<hbm>> -> memref<1x8x128xf32, #tpu.memory_space<hbm>>
        %dma_start3A_1186 = tpu.memref_squeeze %dma_start3A_1185 : memref<1x8x128xf32, #tpu.memory_space<hbm>> -> memref<8x128xf32, #tpu.memory_space<hbm>>
        tpu.enqueue_dma source(%dma_start3A_1186 : memref<8x128xf32, #tpu.memory_space<hbm>>) target(%dma_start3A_1184 : memref<8x128xf32, #tpu.memory_space<vmem>>) target_semaphore(%arg7 : memref<!tpu.dma_semaphore, #tpu.memory_space<semaphore_mem>>)
        %add3A_1187 = arith.constant 3 : i32
        %add3A_1188 = arith.addi %min3A_1099, %add3A_1187 : i32
        %mul3A_1189 = arith.constant 128 : i32
        %mul3A_1190 = arith.muli %add3A_1188, %mul3A_1189 : i32
        %multiple_of3A_1191 = tpu.assume_multiple %mul3A_1190, 128 : i32
        %dma_start3A_1192 = arith.constant 0 : i32
        %dma_start3A_1193 = arith.constant 3 : i32
        %dma_start3A_1194 = arith.constant 0 : i32
        %dma_start3A_1195 = arith.constant 0 : i32
        %dma_start3A_1196 = arith.constant 0 : i32
        %dma_start3A_1197 = tpu.memref_slice %arg5[%sub3A_1092, %dma_start3A_1194, %dma_start3A_1195, %dma_start3A_1196] : memref<2x32x8x128xf32, #tpu.memory_space<vmem>> -> memref<1x32x8x128xf32, #tpu.memory_space<vmem>>
        %dma_start3A_1198 = tpu.memref_squeeze %dma_start3A_1197 : memref<1x32x8x128xf32, #tpu.memory_space<vmem>> -> memref<32x8x128xf32, #tpu.memory_space<vmem>>
        %dma_start3A_1199 = arith.constant 0 : i32
        %dma_start3A_1200 = arith.constant 0 : i32
        %dma_start3A_1201 = tpu.memref_slice %dma_start3A_1198[%dma_start3A_1193, %dma_start3A_1199, %dma_start3A_1200] : memref<32x8x128xf32, #tpu.memory_space<vmem>> -> memref<1x8x128xf32, #tpu.memory_space<vmem>>
        %dma_start3A_1202 = tpu.memref_squeeze %dma_start3A_1201 : memref<1x8x128xf32, #tpu.memory_space<vmem>> -> memref<8x128xf32, #tpu.memory_space<vmem>>
        %dma_start3A_1203 = tpu.memref_slice %arg2[%dma_start3A_1192, %multiple_of3A, %multiple_of3A_1191] : memref<1x32x1000000xf32, #tpu.memory_space<hbm>> -> memref<1x8x128xf32, #tpu.memory_space<hbm>>
        %dma_start3A_1204 = tpu.memref_squeeze %dma_start3A_1203 : memref<1x8x128xf32, #tpu.memory_space<hbm>> -> memref<8x128xf32, #tpu.memory_space<hbm>>
        %dma_start3A_1205 = arith.constant 0 : i32
        %dma_start3A_1206 = arith.constant 0 : i32
        %dma_start3A_1207 = arith.constant 0 : i32
        %dma_start3A_1208 = tpu.memref_slice %arg5[%sub3A_1092, %dma_start3A_1205, %dma_start3A_1206, %dma_start3A_1207] : memref<2x32x8x128xf32, #tpu.memory_space<vmem>> -> memref<1x32x8x128xf32, #tpu.memory_space<vmem>>
        %dma_start3A_1209 = tpu.memref_squeeze %dma_start3A_1208 : memref<1x32x8x128xf32, #tpu.memory_space<vmem>> -> memref<32x8x128xf32, #tpu.memory_space<vmem>>
        %dma_start3A_1210 = arith.constant 0 : i32
        %dma_start3A_1211 = arith.constant 0 : i32
        %dma_start3A_1212 = tpu.memref_slice %dma_start3A_1209[%dma_start3A_1193, %dma_start3A_1210, %dma_start3A_1211] : memref<32x8x128xf32, #tpu.memory_space<vmem>> -> memref<1x8x128xf32, #tpu.memory_space<vmem>>
        %dma_start3A_1213 = tpu.memref_squeeze %dma_start3A_1212 : memref<1x8x128xf32, #tpu.memory_space<vmem>> -> memref<8x128xf32, #tpu.memory_space<vmem>>
        %dma_start3A_1214 = tpu.memref_slice %arg2[%dma_start3A_1192, %multiple_of3A, %multiple_of3A_1191] : memref<1x32x1000000xf32, #tpu.memory_space<hbm>> -> memref<1x8x128xf32, #tpu.memory_space<hbm>>
        %dma_start3A_1215 = tpu.memref_squeeze %dma_start3A_1214 : memref<1x8x128xf32, #tpu.memory_space<hbm>> -> memref<8x128xf32, #tpu.memory_space<hbm>>
        tpu.enqueue_dma source(%dma_start3A_1215 : memref<8x128xf32, #tpu.memory_space<hbm>>) target(%dma_start3A_1213 : memref<8x128xf32, #tpu.memory_space<vmem>>) target_semaphore(%arg7 : memref<!tpu.dma_semaphore, #tpu.memory_space<semaphore_mem>>)
        %add3A_1216 = arith.constant 4 : i32
        %add3A_1217 = arith.addi %min3A_1099, %add3A_1216 : i32
        %mul3A_1218 = arith.constant 128 : i32
        %mul3A_1219 = arith.muli %add3A_1217, %mul3A_1218 : i32
        %multiple_of3A_1220 = tpu.assume_multiple %mul3A_1219, 128 : i32
        %dma_start3A_1221 = arith.constant 0 : i32
        %dma_start3A_1222 = arith.constant 4 : i32
        %dma_start3A_1223 = arith.constant 0 : i32
        %dma_start3A_1224 = arith.constant 0 : i32
        %dma_start3A_1225 = arith.constant 0 : i32
        %dma_start3A_1226 = tpu.memref_slice %arg5[%sub3A_1092, %dma_start3A_1223, %dma_start3A_1224, %dma_start3A_1225] : memref<2x32x8x128xf32, #tpu.memory_space<vmem>> -> memref<1x32x8x128xf32, #tpu.memory_space<vmem>>
        %dma_start3A_1227 = tpu.memref_squeeze %dma_start3A_1226 : memref<1x32x8x128xf32, #tpu.memory_space<vmem>> -> memref<32x8x128xf32, #tpu.memory_space<vmem>>
        %dma_start3A_1228 = arith.constant 0 : i32
        %dma_start3A_1229 = arith.constant 0 : i32
        %dma_start3A_1230 = tpu.memref_slice %dma_start3A_1227[%dma_start3A_1222, %dma_start3A_1228, %dma_start3A_1229] : memref<32x8x128xf32, #tpu.memory_space<vmem>> -> memref<1x8x128xf32, #tpu.memory_space<vmem>>
        %dma_start3A_1231 = tpu.memref_squeeze %dma_start3A_1230 : memref<1x8x128xf32, #tpu.memory_space<vmem>> -> memref<8x128xf32, #tpu.memory_space<vmem>>
        %dma_start3A_1232 = tpu.memref_slice %arg2[%dma_start3A_1221, %multiple_of3A, %multiple_of3A_1220] : memref<1x32x1000000xf32, #tpu.memory_space<hbm>> -> memref<1x8x128xf32, #tpu.memory_space<hbm>>
        %dma_start3A_1233 = tpu.memref_squeeze %dma_start3A_1232 : memref<1x8x128xf32, #tpu.memory_space<hbm>> -> memref<8x128xf32, #tpu.memory_space<hbm>>
        %dma_start3A_1234 = arith.constant 0 : i32
        %dma_start3A_1235 = arith.constant 0 : i32
        %dma_start3A_1236 = arith.constant 0 : i32
        %dma_start3A_1237 = tpu.memref_slice %arg5[%sub3A_1092, %dma_start3A_1234, %dma_start3A_1235, %dma_start3A_1236] : memref<2x32x8x128xf32, #tpu.memory_space<vmem>> -> memref<1x32x8x128xf32, #tpu.memory_space<vmem>>
        %dma_start3A_1238 = tpu.memref_squeeze %dma_start3A_1237 : memref<1x32x8x128xf32, #tpu.memory_space<vmem>> -> memref<32x8x128xf32, #tpu.memory_space<vmem>>
        %dma_start3A_1239 = arith.constant 0 : i32
        %dma_start3A_1240 = arith.constant 0 : i32
        %dma_start3A_1241 = tpu.memref_slice %dma_start3A_1238[%dma_start3A_1222, %dma_start3A_1239, %dma_start3A_1240] : memref<32x8x128xf32, #tpu.memory_space<vmem>> -> memref<1x8x128xf32, #tpu.memory_space<vmem>>
        %dma_start3A_1242 = tpu.memref_squeeze %dma_start3A_1241 : memref<1x8x128xf32, #tpu.memory_space<vmem>> -> memref<8x128xf32, #tpu.memory_space<vmem>>
        %dma_start3A_1243 = tpu.memref_slice %arg2[%dma_start3A_1221, %multiple_of3A, %multiple_of3A_1220] : memref<1x32x1000000xf32, #tpu.memory_space<hbm>> -> memref<1x8x128xf32, #tpu.memory_space<hbm>>
        %dma_start3A_1244 = tpu.memref_squeeze %dma_start3A_1243 : memref<1x8x128xf32, #tpu.memory_space<hbm>> -> memref<8x128xf32, #tpu.memory_space<hbm>>
        tpu.enqueue_dma source(%dma_start3A_1244 : memref<8x128xf32, #tpu.memory_space<hbm>>) target(%dma_start3A_1242 : memref<8x128xf32, #tpu.memory_space<vmem>>) target_semaphore(%arg7 : memref<!tpu.dma_semaphore, #tpu.memory_space<semaphore_mem>>)
        %add3A_1245 = arith.constant 5 : i32
        %add3A_1246 = arith.addi %min3A_1099, %add3A_1245 : i32
        %mul3A_1247 = arith.constant 128 : i32
        %mul3A_1248 = arith.muli %add3A_1246, %mul3A_1247 : i32
        %multiple_of3A_1249 = tpu.assume_multiple %mul3A_1248, 128 : i32
        %dma_start3A_1250 = arith.constant 0 : i32
        %dma_start3A_1251 = arith.constant 5 : i32
        %dma_start3A_1252 = arith.constant 0 : i32
        %dma_start3A_1253 = arith.constant 0 : i32
        %dma_start3A_1254 = arith.constant 0 : i32
        %dma_start3A_1255 = tpu.memref_slice %arg5[%sub3A_1092, %dma_start3A_1252, %dma_start3A_1253, %dma_start3A_1254] : memref<2x32x8x128xf32, #tpu.memory_space<vmem>> -> memref<1x32x8x128xf32, #tpu.memory_space<vmem>>
        %dma_start3A_1256 = tpu.memref_squeeze %dma_start3A_1255 : memref<1x32x8x128xf32, #tpu.memory_space<vmem>> -> memref<32x8x128xf32, #tpu.memory_space<vmem>>
        %dma_start3A_1257 = arith.constant 0 : i32
        %dma_start3A_1258 = arith.constant 0 : i32
        %dma_start3A_1259 = tpu.memref_slice %dma_start3A_1256[%dma_start3A_1251, %dma_start3A_1257, %dma_start3A_1258] : memref<32x8x128xf32, #tpu.memory_space<vmem>> -> memref<1x8x128xf32, #tpu.memory_space<vmem>>
        %dma_start3A_1260 = tpu.memref_squeeze %dma_start3A_1259 : memref<1x8x128xf32, #tpu.memory_space<vmem>> -> memref<8x128xf32, #tpu.memory_space<vmem>>
        %dma_start3A_1261 = tpu.memref_slice %arg2[%dma_start3A_1250, %multiple_of3A, %multiple_of3A_1249] : memref<1x32x1000000xf32, #tpu.memory_space<hbm>> -> memref<1x8x128xf32, #tpu.memory_space<hbm>>
        %dma_start3A_1262 = tpu.memref_squeeze %dma_start3A_1261 : memref<1x8x128xf32, #tpu.memory_space<hbm>> -> memref<8x128xf32, #tpu.memory_space<hbm>>
        %dma_start3A_1263 = arith.constant 0 : i32
        %dma_start3A_1264 = arith.constant 0 : i32
        %dma_start3A_1265 = arith.constant 0 : i32
        %dma_start3A_1266 = tpu.memref_slice %arg5[%sub3A_1092, %dma_start3A_1263, %dma_start3A_1264, %dma_start3A_1265] : memref<2x32x8x128xf32, #tpu.memory_space<vmem>> -> memref<1x32x8x128xf32, #tpu.memory_space<vmem>>
        %dma_start3A_1267 = tpu.memref_squeeze %dma_start3A_1266 : memref<1x32x8x128xf32, #tpu.memory_space<vmem>> -> memref<32x8x128xf32, #tpu.memory_space<vmem>>
        %dma_start3A_1268 = arith.constant 0 : i32
        %dma_start3A_1269 = arith.constant 0 : i32
        %dma_start3A_1270 = tpu.memref_slice %dma_start3A_1267[%dma_start3A_1251, %dma_start3A_1268, %dma_start3A_1269] : memref<32x8x128xf32, #tpu.memory_space<vmem>> -> memref<1x8x128xf32, #tpu.memory_space<vmem>>
        %dma_start3A_1271 = tpu.memref_squeeze %dma_start3A_1270 : memref<1x8x128xf32, #tpu.memory_space<vmem>> -> memref<8x128xf32, #tpu.memory_space<vmem>>
        %dma_start3A_1272 = tpu.memref_slice %arg2[%dma_start3A_1250, %multiple_of3A, %multiple_of3A_1249] : memref<1x32x1000000xf32, #tpu.memory_space<hbm>> -> memref<1x8x128xf32, #tpu.memory_space<hbm>>
        %dma_start3A_1273 = tpu.memref_squeeze %dma_start3A_1272 : memref<1x8x128xf32, #tpu.memory_space<hbm>> -> memref<8x128xf32, #tpu.memory_space<hbm>>
        tpu.enqueue_dma source(%dma_start3A_1273 : memref<8x128xf32, #tpu.memory_space<hbm>>) target(%dma_start3A_1271 : memref<8x128xf32, #tpu.memory_space<vmem>>) target_semaphore(%arg7 : memref<!tpu.dma_semaphore, #tpu.memory_space<semaphore_mem>>)
        %add3A_1274 = arith.constant 6 : i32
        %add3A_1275 = arith.addi %min3A_1099, %add3A_1274 : i32
        %mul3A_1276 = arith.constant 128 : i32
        %mul3A_1277 = arith.muli %add3A_1275, %mul3A_1276 : i32
        %multiple_of3A_1278 = tpu.assume_multiple %mul3A_1277, 128 : i32
        %dma_start3A_1279 = arith.constant 0 : i32
        %dma_start3A_1280 = arith.constant 6 : i32
        %dma_start3A_1281 = arith.constant 0 : i32
        %dma_start3A_1282 = arith.constant 0 : i32
        %dma_start3A_1283 = arith.constant 0 : i32
        %dma_start3A_1284 = tpu.memref_slice %arg5[%sub3A_1092, %dma_start3A_1281, %dma_start3A_1282, %dma_start3A_1283] : memref<2x32x8x128xf32, #tpu.memory_space<vmem>> -> memref<1x32x8x128xf32, #tpu.memory_space<vmem>>
        %dma_start3A_1285 = tpu.memref_squeeze %dma_start3A_1284 : memref<1x32x8x128xf32, #tpu.memory_space<vmem>> -> memref<32x8x128xf32, #tpu.memory_space<vmem>>
        %dma_start3A_1286 = arith.constant 0 : i32
        %dma_start3A_1287 = arith.constant 0 : i32
        %dma_start3A_1288 = tpu.memref_slice %dma_start3A_1285[%dma_start3A_1280, %dma_start3A_1286, %dma_start3A_1287] : memref<32x8x128xf32, #tpu.memory_space<vmem>> -> memref<1x8x128xf32, #tpu.memory_space<vmem>>
        %dma_start3A_1289 = tpu.memref_squeeze %dma_start3A_1288 : memref<1x8x128xf32, #tpu.memory_space<vmem>> -> memref<8x128xf32, #tpu.memory_space<vmem>>
        %dma_start3A_1290 = tpu.memref_slice %arg2[%dma_start3A_1279, %multiple_of3A, %multiple_of3A_1278] : memref<1x32x1000000xf32, #tpu.memory_space<hbm>> -> memref<1x8x128xf32, #tpu.memory_space<hbm>>
        %dma_start3A_1291 = tpu.memref_squeeze %dma_start3A_1290 : memref<1x8x128xf32, #tpu.memory_space<hbm>> -> memref<8x128xf32, #tpu.memory_space<hbm>>
        %dma_start3A_1292 = arith.constant 0 : i32
        %dma_start3A_1293 = arith.constant 0 : i32
        %dma_start3A_1294 = arith.constant 0 : i32
        %dma_start3A_1295 = tpu.memref_slice %arg5[%sub3A_1092, %dma_start3A_1292, %dma_start3A_1293, %dma_start3A_1294] : memref<2x32x8x128xf32, #tpu.memory_space<vmem>> -> memref<1x32x8x128xf32, #tpu.memory_space<vmem>>
        %dma_start3A_1296 = tpu.memref_squeeze %dma_start3A_1295 : memref<1x32x8x128xf32, #tpu.memory_space<vmem>> -> memref<32x8x128xf32, #tpu.memory_space<vmem>>
        %dma_start3A_1297 = arith.constant 0 : i32
        %dma_start3A_1298 = arith.constant 0 : i32
        %dma_start3A_1299 = tpu.memref_slice %dma_start3A_1296[%dma_start3A_1280, %dma_start3A_1297, %dma_start3A_1298] : memref<32x8x128xf32, #tpu.memory_space<vmem>> -> memref<1x8x128xf32, #tpu.memory_space<vmem>>
        %dma_start3A_1300 = tpu.memref_squeeze %dma_start3A_1299 : memref<1x8x128xf32, #tpu.memory_space<vmem>> -> memref<8x128xf32, #tpu.memory_space<vmem>>
        %dma_start3A_1301 = tpu.memref_slice %arg2[%dma_start3A_1279, %multiple_of3A, %multiple_of3A_1278] : memref<1x32x1000000xf32, #tpu.memory_space<hbm>> -> memref<1x8x128xf32, #tpu.memory_space<hbm>>
        %dma_start3A_1302 = tpu.memref_squeeze %dma_start3A_1301 : memref<1x8x128xf32, #tpu.memory_space<hbm>> -> memref<8x128xf32, #tpu.memory_space<hbm>>
        tpu.enqueue_dma source(%dma_start3A_1302 : memref<8x128xf32, #tpu.memory_space<hbm>>) target(%dma_start3A_1300 : memref<8x128xf32, #tpu.memory_space<vmem>>) target_semaphore(%arg7 : memref<!tpu.dma_semaphore, #tpu.memory_space<semaphore_mem>>)
        %add3A_1303 = arith.constant 7 : i32
        %add3A_1304 = arith.addi %min3A_1099, %add3A_1303 : i32
        %mul3A_1305 = arith.constant 128 : i32
        %mul3A_1306 = arith.muli %add3A_1304, %mul3A_1305 : i32
        %multiple_of3A_1307 = tpu.assume_multiple %mul3A_1306, 128 : i32
        %dma_start3A_1308 = arith.constant 0 : i32
        %dma_start3A_1309 = arith.constant 7 : i32
        %dma_start3A_1310 = arith.constant 0 : i32
        %dma_start3A_1311 = arith.constant 0 : i32
        %dma_start3A_1312 = arith.constant 0 : i32
        %dma_start3A_1313 = tpu.memref_slice %arg5[%sub3A_1092, %dma_start3A_1310, %dma_start3A_1311, %dma_start3A_1312] : memref<2x32x8x128xf32, #tpu.memory_space<vmem>> -> memref<1x32x8x128xf32, #tpu.memory_space<vmem>>
        %dma_start3A_1314 = tpu.memref_squeeze %dma_start3A_1313 : memref<1x32x8x128xf32, #tpu.memory_space<vmem>> -> memref<32x8x128xf32, #tpu.memory_space<vmem>>
        %dma_start3A_1315 = arith.constant 0 : i32
        %dma_start3A_1316 = arith.constant 0 : i32
        %dma_start3A_1317 = tpu.memref_slice %dma_start3A_1314[%dma_start3A_1309, %dma_start3A_1315, %dma_start3A_1316] : memref<32x8x128xf32, #tpu.memory_space<vmem>> -> memref<1x8x128xf32, #tpu.memory_space<vmem>>
        %dma_start3A_1318 = tpu.memref_squeeze %dma_start3A_1317 : memref<1x8x128xf32, #tpu.memory_space<vmem>> -> memref<8x128xf32, #tpu.memory_space<vmem>>
        %dma_start3A_1319 = tpu.memref_slice %arg2[%dma_start3A_1308, %multiple_of3A, %multiple_of3A_1307] : memref<1x32x1000000xf32, #tpu.memory_space<hbm>> -> memref<1x8x128xf32, #tpu.memory_space<hbm>>
        %dma_start3A_1320 = tpu.memref_squeeze %dma_start3A_1319 : memref<1x8x128xf32, #tpu.memory_space<hbm>> -> memref<8x128xf32, #tpu.memory_space<hbm>>
        %dma_start3A_1321 = arith.constant 0 : i32
        %dma_start3A_1322 = arith.constant 0 : i32
        %dma_start3A_1323 = arith.constant 0 : i32
        %dma_start3A_1324 = tpu.memref_slice %arg5[%sub3A_1092, %dma_start3A_1321, %dma_start3A_1322, %dma_start3A_1323] : memref<2x32x8x128xf32, #tpu.memory_space<vmem>> -> memref<1x32x8x128xf32, #tpu.memory_space<vmem>>
        %dma_start3A_1325 = tpu.memref_squeeze %dma_start3A_1324 : memref<1x32x8x128xf32, #tpu.memory_space<vmem>> -> memref<32x8x128xf32, #tpu.memory_space<vmem>>
        %dma_start3A_1326 = arith.constant 0 : i32
        %dma_start3A_1327 = arith.constant 0 : i32
        %dma_start3A_1328 = tpu.memref_slice %dma_start3A_1325[%dma_start3A_1309, %dma_start3A_1326, %dma_start3A_1327] : memref<32x8x128xf32, #tpu.memory_space<vmem>> -> memref<1x8x128xf32, #tpu.memory_space<vmem>>
        %dma_start3A_1329 = tpu.memref_squeeze %dma_start3A_1328 : memref<1x8x128xf32, #tpu.memory_space<vmem>> -> memref<8x128xf32, #tpu.memory_space<vmem>>
        %dma_start3A_1330 = tpu.memref_slice %arg2[%dma_start3A_1308, %multiple_of3A, %multiple_of3A_1307] : memref<1x32x1000000xf32, #tpu.memory_space<hbm>> -> memref<1x8x128xf32, #tpu.memory_space<hbm>>
        %dma_start3A_1331 = tpu.memref_squeeze %dma_start3A_1330 : memref<1x8x128xf32, #tpu.memory_space<hbm>> -> memref<8x128xf32, #tpu.memory_space<hbm>>
        tpu.enqueue_dma source(%dma_start3A_1331 : memref<8x128xf32, #tpu.memory_space<hbm>>) target(%dma_start3A_1329 : memref<8x128xf32, #tpu.memory_space<vmem>>) target_semaphore(%arg7 : memref<!tpu.dma_semaphore, #tpu.memory_space<semaphore_mem>>)
        %add3A_1332 = arith.constant 8 : i32
        %add3A_1333 = arith.addi %min3A_1099, %add3A_1332 : i32
        %mul3A_1334 = arith.constant 128 : i32
        %mul3A_1335 = arith.muli %add3A_1333, %mul3A_1334 : i32
        %multiple_of3A_1336 = tpu.assume_multiple %mul3A_1335, 128 : i32
        %dma_start3A_1337 = arith.constant 0 : i32
        %dma_start3A_1338 = arith.constant 8 : i32
        %dma_start3A_1339 = arith.constant 0 : i32
        %dma_start3A_1340 = arith.constant 0 : i32
        %dma_start3A_1341 = arith.constant 0 : i32
        %dma_start3A_1342 = tpu.memref_slice %arg5[%sub3A_1092, %dma_start3A_1339, %dma_start3A_1340, %dma_start3A_1341] : memref<2x32x8x128xf32, #tpu.memory_space<vmem>> -> memref<1x32x8x128xf32, #tpu.memory_space<vmem>>
        %dma_start3A_1343 = tpu.memref_squeeze %dma_start3A_1342 : memref<1x32x8x128xf32, #tpu.memory_space<vmem>> -> memref<32x8x128xf32, #tpu.memory_space<vmem>>
        %dma_start3A_1344 = arith.constant 0 : i32
        %dma_start3A_1345 = arith.constant 0 : i32
        %dma_start3A_1346 = tpu.memref_slice %dma_start3A_1343[%dma_start3A_1338, %dma_start3A_1344, %dma_start3A_1345] : memref<32x8x128xf32, #tpu.memory_space<vmem>> -> memref<1x8x128xf32, #tpu.memory_space<vmem>>
        %dma_start3A_1347 = tpu.memref_squeeze %dma_start3A_1346 : memref<1x8x128xf32, #tpu.memory_space<vmem>> -> memref<8x128xf32, #tpu.memory_space<vmem>>
        %dma_start3A_1348 = tpu.memref_slice %arg2[%dma_start3A_1337, %multiple_of3A, %multiple_of3A_1336] : memref<1x32x1000000xf32, #tpu.memory_space<hbm>> -> memref<1x8x128xf32, #tpu.memory_space<hbm>>
        %dma_start3A_1349 = tpu.memref_squeeze %dma_start3A_1348 : memref<1x8x128xf32, #tpu.memory_space<hbm>> -> memref<8x128xf32, #tpu.memory_space<hbm>>
        %dma_start3A_1350 = arith.constant 0 : i32
        %dma_start3A_1351 = arith.constant 0 : i32
        %dma_start3A_1352 = arith.constant 0 : i32
        %dma_start3A_1353 = tpu.memref_slice %arg5[%sub3A_1092, %dma_start3A_1350, %dma_start3A_1351, %dma_start3A_1352] : memref<2x32x8x128xf32, #tpu.memory_space<vmem>> -> memref<1x32x8x128xf32, #tpu.memory_space<vmem>>
        %dma_start3A_1354 = tpu.memref_squeeze %dma_start3A_1353 : memref<1x32x8x128xf32, #tpu.memory_space<vmem>> -> memref<32x8x128xf32, #tpu.memory_space<vmem>>
        %dma_start3A_1355 = arith.constant 0 : i32
        %dma_start3A_1356 = arith.constant 0 : i32
        %dma_start3A_1357 = tpu.memref_slice %dma_start3A_1354[%dma_start3A_1338, %dma_start3A_1355, %dma_start3A_1356] : memref<32x8x128xf32, #tpu.memory_space<vmem>> -> memref<1x8x128xf32, #tpu.memory_space<vmem>>
        %dma_start3A_1358 = tpu.memref_squeeze %dma_start3A_1357 : memref<1x8x128xf32, #tpu.memory_space<vmem>> -> memref<8x128xf32, #tpu.memory_space<vmem>>
        %dma_start3A_1359 = tpu.memref_slice %arg2[%dma_start3A_1337, %multiple_of3A, %multiple_of3A_1336] : memref<1x32x1000000xf32, #tpu.memory_space<hbm>> -> memref<1x8x128xf32, #tpu.memory_space<hbm>>
        %dma_start3A_1360 = tpu.memref_squeeze %dma_start3A_1359 : memref<1x8x128xf32, #tpu.memory_space<hbm>> -> memref<8x128xf32, #tpu.memory_space<hbm>>
        tpu.enqueue_dma source(%dma_start3A_1360 : memref<8x128xf32, #tpu.memory_space<hbm>>) target(%dma_start3A_1358 : memref<8x128xf32, #tpu.memory_space<vmem>>) target_semaphore(%arg7 : memref<!tpu.dma_semaphore, #tpu.memory_space<semaphore_mem>>)
        %add3A_1361 = arith.constant 9 : i32
        %add3A_1362 = arith.addi %min3A_1099, %add3A_1361 : i32
        %mul3A_1363 = arith.constant 128 : i32
        %mul3A_1364 = arith.muli %add3A_1362, %mul3A_1363 : i32
        %multiple_of3A_1365 = tpu.assume_multiple %mul3A_1364, 128 : i32
        %dma_start3A_1366 = arith.constant 0 : i32
        %dma_start3A_1367 = arith.constant 9 : i32
        %dma_start3A_1368 = arith.constant 0 : i32
        %dma_start3A_1369 = arith.constant 0 : i32
        %dma_start3A_1370 = arith.constant 0 : i32
        %dma_start3A_1371 = tpu.memref_slice %arg5[%sub3A_1092, %dma_start3A_1368, %dma_start3A_1369, %dma_start3A_1370] : memref<2x32x8x128xf32, #tpu.memory_space<vmem>> -> memref<1x32x8x128xf32, #tpu.memory_space<vmem>>
        %dma_start3A_1372 = tpu.memref_squeeze %dma_start3A_1371 : memref<1x32x8x128xf32, #tpu.memory_space<vmem>> -> memref<32x8x128xf32, #tpu.memory_space<vmem>>
        %dma_start3A_1373 = arith.constant 0 : i32
        %dma_start3A_1374 = arith.constant 0 : i32
        %dma_start3A_1375 = tpu.memref_slice %dma_start3A_1372[%dma_start3A_1367, %dma_start3A_1373, %dma_start3A_1374] : memref<32x8x128xf32, #tpu.memory_space<vmem>> -> memref<1x8x128xf32, #tpu.memory_space<vmem>>
        %dma_start3A_1376 = tpu.memref_squeeze %dma_start3A_1375 : memref<1x8x128xf32, #tpu.memory_space<vmem>> -> memref<8x128xf32, #tpu.memory_space<vmem>>
        %dma_start3A_1377 = tpu.memref_slice %arg2[%dma_start3A_1366, %multiple_of3A, %multiple_of3A_1365] : memref<1x32x1000000xf32, #tpu.memory_space<hbm>> -> memref<1x8x128xf32, #tpu.memory_space<hbm>>
        %dma_start3A_1378 = tpu.memref_squeeze %dma_start3A_1377 : memref<1x8x128xf32, #tpu.memory_space<hbm>> -> memref<8x128xf32, #tpu.memory_space<hbm>>
        %dma_start3A_1379 = arith.constant 0 : i32
        %dma_start3A_1380 = arith.constant 0 : i32
        %dma_start3A_1381 = arith.constant 0 : i32
        %dma_start3A_1382 = tpu.memref_slice %arg5[%sub3A_1092, %dma_start3A_1379, %dma_start3A_1380, %dma_start3A_1381] : memref<2x32x8x128xf32, #tpu.memory_space<vmem>> -> memref<1x32x8x128xf32, #tpu.memory_space<vmem>>
        %dma_start3A_1383 = tpu.memref_squeeze %dma_start3A_1382 : memref<1x32x8x128xf32, #tpu.memory_space<vmem>> -> memref<32x8x128xf32, #tpu.memory_space<vmem>>
        %dma_start3A_1384 = arith.constant 0 : i32
        %dma_start3A_1385 = arith.constant 0 : i32
        %dma_start3A_1386 = tpu.memref_slice %dma_start3A_1383[%dma_start3A_1367, %dma_start3A_1384, %dma_start3A_1385] : memref<32x8x128xf32, #tpu.memory_space<vmem>> -> memref<1x8x128xf32, #tpu.memory_space<vmem>>
        %dma_start3A_1387 = tpu.memref_squeeze %dma_start3A_1386 : memref<1x8x128xf32, #tpu.memory_space<vmem>> -> memref<8x128xf32, #tpu.memory_space<vmem>>
        %dma_start3A_1388 = tpu.memref_slice %arg2[%dma_start3A_1366, %multiple_of3A, %multiple_of3A_1365] : memref<1x32x1000000xf32, #tpu.memory_space<hbm>> -> memref<1x8x128xf32, #tpu.memory_space<hbm>>
        %dma_start3A_1389 = tpu.memref_squeeze %dma_start3A_1388 : memref<1x8x128xf32, #tpu.memory_space<hbm>> -> memref<8x128xf32, #tpu.memory_space<hbm>>
        tpu.enqueue_dma source(%dma_start3A_1389 : memref<8x128xf32, #tpu.memory_space<hbm>>) target(%dma_start3A_1387 : memref<8x128xf32, #tpu.memory_space<vmem>>) target_semaphore(%arg7 : memref<!tpu.dma_semaphore, #tpu.memory_space<semaphore_mem>>)
        %add3A_1390 = arith.constant 10 : i32
        %add3A_1391 = arith.addi %min3A_1099, %add3A_1390 : i32
        %mul3A_1392 = arith.constant 128 : i32
        %mul3A_1393 = arith.muli %add3A_1391, %mul3A_1392 : i32
        %multiple_of3A_1394 = tpu.assume_multiple %mul3A_1393, 128 : i32
        %dma_start3A_1395 = arith.constant 0 : i32
        %dma_start3A_1396 = arith.constant 10 : i32
        %dma_start3A_1397 = arith.constant 0 : i32
        %dma_start3A_1398 = arith.constant 0 : i32
        %dma_start3A_1399 = arith.constant 0 : i32
        %dma_start3A_1400 = tpu.memref_slice %arg5[%sub3A_1092, %dma_start3A_1397, %dma_start3A_1398, %dma_start3A_1399] : memref<2x32x8x128xf32, #tpu.memory_space<vmem>> -> memref<1x32x8x128xf32, #tpu.memory_space<vmem>>
        %dma_start3A_1401 = tpu.memref_squeeze %dma_start3A_1400 : memref<1x32x8x128xf32, #tpu.memory_space<vmem>> -> memref<32x8x128xf32, #tpu.memory_space<vmem>>
        %dma_start3A_1402 = arith.constant 0 : i32
        %dma_start3A_1403 = arith.constant 0 : i32
        %dma_start3A_1404 = tpu.memref_slice %dma_start3A_1401[%dma_start3A_1396, %dma_start3A_1402, %dma_start3A_1403] : memref<32x8x128xf32, #tpu.memory_space<vmem>> -> memref<1x8x128xf32, #tpu.memory_space<vmem>>
        %dma_start3A_1405 = tpu.memref_squeeze %dma_start3A_1404 : memref<1x8x128xf32, #tpu.memory_space<vmem>> -> memref<8x128xf32, #tpu.memory_space<vmem>>
        %dma_start3A_1406 = tpu.memref_slice %arg2[%dma_start3A_1395, %multiple_of3A, %multiple_of3A_1394] : memref<1x32x1000000xf32, #tpu.memory_space<hbm>> -> memref<1x8x128xf32, #tpu.memory_space<hbm>>
        %dma_start3A_1407 = tpu.memref_squeeze %dma_start3A_1406 : memref<1x8x128xf32, #tpu.memory_space<hbm>> -> memref<8x128xf32, #tpu.memory_space<hbm>>
        %dma_start3A_1408 = arith.constant 0 : i32
        %dma_start3A_1409 = arith.constant 0 : i32
        %dma_start3A_1410 = arith.constant 0 : i32
        %dma_start3A_1411 = tpu.memref_slice %arg5[%sub3A_1092, %dma_start3A_1408, %dma_start3A_1409, %dma_start3A_1410] : memref<2x32x8x128xf32, #tpu.memory_space<vmem>> -> memref<1x32x8x128xf32, #tpu.memory_space<vmem>>
        %dma_start3A_1412 = tpu.memref_squeeze %dma_start3A_1411 : memref<1x32x8x128xf32, #tpu.memory_space<vmem>> -> memref<32x8x128xf32, #tpu.memory_space<vmem>>
        %dma_start3A_1413 = arith.constant 0 : i32
        %dma_start3A_1414 = arith.constant 0 : i32
        %dma_start3A_1415 = tpu.memref_slice %dma_start3A_1412[%dma_start3A_1396, %dma_start3A_1413, %dma_start3A_1414] : memref<32x8x128xf32, #tpu.memory_space<vmem>> -> memref<1x8x128xf32, #tpu.memory_space<vmem>>
        %dma_start3A_1416 = tpu.memref_squeeze %dma_start3A_1415 : memref<1x8x128xf32, #tpu.memory_space<vmem>> -> memref<8x128xf32, #tpu.memory_space<vmem>>
        %dma_start3A_1417 = tpu.memref_slice %arg2[%dma_start3A_1395, %multiple_of3A, %multiple_of3A_1394] : memref<1x32x1000000xf32, #tpu.memory_space<hbm>> -> memref<1x8x128xf32, #tpu.memory_space<hbm>>
        %dma_start3A_1418 = tpu.memref_squeeze %dma_start3A_1417 : memref<1x8x128xf32, #tpu.memory_space<hbm>> -> memref<8x128xf32, #tpu.memory_space<hbm>>
        tpu.enqueue_dma source(%dma_start3A_1418 : memref<8x128xf32, #tpu.memory_space<hbm>>) target(%dma_start3A_1416 : memref<8x128xf32, #tpu.memory_space<vmem>>) target_semaphore(%arg7 : memref<!tpu.dma_semaphore, #tpu.memory_space<semaphore_mem>>)
        %add3A_1419 = arith.constant 11 : i32
        %add3A_1420 = arith.addi %min3A_1099, %add3A_1419 : i32
        %mul3A_1421 = arith.constant 128 : i32
        %mul3A_1422 = arith.muli %add3A_1420, %mul3A_1421 : i32
        %multiple_of3A_1423 = tpu.assume_multiple %mul3A_1422, 128 : i32
        %dma_start3A_1424 = arith.constant 0 : i32
        %dma_start3A_1425 = arith.constant 11 : i32
        %dma_start3A_1426 = arith.constant 0 : i32
        %dma_start3A_1427 = arith.constant 0 : i32
        %dma_start3A_1428 = arith.constant 0 : i32
        %dma_start3A_1429 = tpu.memref_slice %arg5[%sub3A_1092, %dma_start3A_1426, %dma_start3A_1427, %dma_start3A_1428] : memref<2x32x8x128xf32, #tpu.memory_space<vmem>> -> memref<1x32x8x128xf32, #tpu.memory_space<vmem>>
        %dma_start3A_1430 = tpu.memref_squeeze %dma_start3A_1429 : memref<1x32x8x128xf32, #tpu.memory_space<vmem>> -> memref<32x8x128xf32, #tpu.memory_space<vmem>>
        %dma_start3A_1431 = arith.constant 0 : i32
        %dma_start3A_1432 = arith.constant 0 : i32
        %dma_start3A_1433 = tpu.memref_slice %dma_start3A_1430[%dma_start3A_1425, %dma_start3A_1431, %dma_start3A_1432] : memref<32x8x128xf32, #tpu.memory_space<vmem>> -> memref<1x8x128xf32, #tpu.memory_space<vmem>>
        %dma_start3A_1434 = tpu.memref_squeeze %dma_start3A_1433 : memref<1x8x128xf32, #tpu.memory_space<vmem>> -> memref<8x128xf32, #tpu.memory_space<vmem>>
        %dma_start3A_1435 = tpu.memref_slice %arg2[%dma_start3A_1424, %multiple_of3A, %multiple_of3A_1423] : memref<1x32x1000000xf32, #tpu.memory_space<hbm>> -> memref<1x8x128xf32, #tpu.memory_space<hbm>>
        %dma_start3A_1436 = tpu.memref_squeeze %dma_start3A_1435 : memref<1x8x128xf32, #tpu.memory_space<hbm>> -> memref<8x128xf32, #tpu.memory_space<hbm>>
        %dma_start3A_1437 = arith.constant 0 : i32
        %dma_start3A_1438 = arith.constant 0 : i32
        %dma_start3A_1439 = arith.constant 0 : i32
        %dma_start3A_1440 = tpu.memref_slice %arg5[%sub3A_1092, %dma_start3A_1437, %dma_start3A_1438, %dma_start3A_1439] : memref<2x32x8x128xf32, #tpu.memory_space<vmem>> -> memref<1x32x8x128xf32, #tpu.memory_space<vmem>>
        %dma_start3A_1441 = tpu.memref_squeeze %dma_start3A_1440 : memref<1x32x8x128xf32, #tpu.memory_space<vmem>> -> memref<32x8x128xf32, #tpu.memory_space<vmem>>
        %dma_start3A_1442 = arith.constant 0 : i32
        %dma_start3A_1443 = arith.constant 0 : i32
        %dma_start3A_1444 = tpu.memref_slice %dma_start3A_1441[%dma_start3A_1425, %dma_start3A_1442, %dma_start3A_1443] : memref<32x8x128xf32, #tpu.memory_space<vmem>> -> memref<1x8x128xf32, #tpu.memory_space<vmem>>
        %dma_start3A_1445 = tpu.memref_squeeze %dma_start3A_1444 : memref<1x8x128xf32, #tpu.memory_space<vmem>> -> memref<8x128xf32, #tpu.memory_space<vmem>>
        %dma_start3A_1446 = tpu.memref_slice %arg2[%dma_start3A_1424, %multiple_of3A, %multiple_of3A_1423] : memref<1x32x1000000xf32, #tpu.memory_space<hbm>> -> memref<1x8x128xf32, #tpu.memory_space<hbm>>
        %dma_start3A_1447 = tpu.memref_squeeze %dma_start3A_1446 : memref<1x8x128xf32, #tpu.memory_space<hbm>> -> memref<8x128xf32, #tpu.memory_space<hbm>>
        tpu.enqueue_dma source(%dma_start3A_1447 : memref<8x128xf32, #tpu.memory_space<hbm>>) target(%dma_start3A_1445 : memref<8x128xf32, #tpu.memory_space<vmem>>) target_semaphore(%arg7 : memref<!tpu.dma_semaphore, #tpu.memory_space<semaphore_mem>>)
        %add3A_1448 = arith.constant 12 : i32
        %add3A_1449 = arith.addi %min3A_1099, %add3A_1448 : i32
        %mul3A_1450 = arith.constant 128 : i32
        %mul3A_1451 = arith.muli %add3A_1449, %mul3A_1450 : i32
        %multiple_of3A_1452 = tpu.assume_multiple %mul3A_1451, 128 : i32
        %dma_start3A_1453 = arith.constant 0 : i32
        %dma_start3A_1454 = arith.constant 12 : i32
        %dma_start3A_1455 = arith.constant 0 : i32
        %dma_start3A_1456 = arith.constant 0 : i32
        %dma_start3A_1457 = arith.constant 0 : i32
        %dma_start3A_1458 = tpu.memref_slice %arg5[%sub3A_1092, %dma_start3A_1455, %dma_start3A_1456, %dma_start3A_1457] : memref<2x32x8x128xf32, #tpu.memory_space<vmem>> -> memref<1x32x8x128xf32, #tpu.memory_space<vmem>>
        %dma_start3A_1459 = tpu.memref_squeeze %dma_start3A_1458 : memref<1x32x8x128xf32, #tpu.memory_space<vmem>> -> memref<32x8x128xf32, #tpu.memory_space<vmem>>
        %dma_start3A_1460 = arith.constant 0 : i32
        %dma_start3A_1461 = arith.constant 0 : i32
        %dma_start3A_1462 = tpu.memref_slice %dma_start3A_1459[%dma_start3A_1454, %dma_start3A_1460, %dma_start3A_1461] : memref<32x8x128xf32, #tpu.memory_space<vmem>> -> memref<1x8x128xf32, #tpu.memory_space<vmem>>
        %dma_start3A_1463 = tpu.memref_squeeze %dma_start3A_1462 : memref<1x8x128xf32, #tpu.memory_space<vmem>> -> memref<8x128xf32, #tpu.memory_space<vmem>>
        %dma_start3A_1464 = tpu.memref_slice %arg2[%dma_start3A_1453, %multiple_of3A, %multiple_of3A_1452] : memref<1x32x1000000xf32, #tpu.memory_space<hbm>> -> memref<1x8x128xf32, #tpu.memory_space<hbm>>
        %dma_start3A_1465 = tpu.memref_squeeze %dma_start3A_1464 : memref<1x8x128xf32, #tpu.memory_space<hbm>> -> memref<8x128xf32, #tpu.memory_space<hbm>>
        %dma_start3A_1466 = arith.constant 0 : i32
        %dma_start3A_1467 = arith.constant 0 : i32
        %dma_start3A_1468 = arith.constant 0 : i32
        %dma_start3A_1469 = tpu.memref_slice %arg5[%sub3A_1092, %dma_start3A_1466, %dma_start3A_1467, %dma_start3A_1468] : memref<2x32x8x128xf32, #tpu.memory_space<vmem>> -> memref<1x32x8x128xf32, #tpu.memory_space<vmem>>
        %dma_start3A_1470 = tpu.memref_squeeze %dma_start3A_1469 : memref<1x32x8x128xf32, #tpu.memory_space<vmem>> -> memref<32x8x128xf32, #tpu.memory_space<vmem>>
        %dma_start3A_1471 = arith.constant 0 : i32
        %dma_start3A_1472 = arith.constant 0 : i32
        %dma_start3A_1473 = tpu.memref_slice %dma_start3A_1470[%dma_start3A_1454, %dma_start3A_1471, %dma_start3A_1472] : memref<32x8x128xf32, #tpu.memory_space<vmem>> -> memref<1x8x128xf32, #tpu.memory_space<vmem>>
        %dma_start3A_1474 = tpu.memref_squeeze %dma_start3A_1473 : memref<1x8x128xf32, #tpu.memory_space<vmem>> -> memref<8x128xf32, #tpu.memory_space<vmem>>
        %dma_start3A_1475 = tpu.memref_slice %arg2[%dma_start3A_1453, %multiple_of3A, %multiple_of3A_1452] : memref<1x32x1000000xf32, #tpu.memory_space<hbm>> -> memref<1x8x128xf32, #tpu.memory_space<hbm>>
        %dma_start3A_1476 = tpu.memref_squeeze %dma_start3A_1475 : memref<1x8x128xf32, #tpu.memory_space<hbm>> -> memref<8x128xf32, #tpu.memory_space<hbm>>
        tpu.enqueue_dma source(%dma_start3A_1476 : memref<8x128xf32, #tpu.memory_space<hbm>>) target(%dma_start3A_1474 : memref<8x128xf32, #tpu.memory_space<vmem>>) target_semaphore(%arg7 : memref<!tpu.dma_semaphore, #tpu.memory_space<semaphore_mem>>)
        %add3A_1477 = arith.constant 13 : i32
        %add3A_1478 = arith.addi %min3A_1099, %add3A_1477 : i32
        %mul3A_1479 = arith.constant 128 : i32
        %mul3A_1480 = arith.muli %add3A_1478, %mul3A_1479 : i32
        %multiple_of3A_1481 = tpu.assume_multiple %mul3A_1480, 128 : i32
        %dma_start3A_1482 = arith.constant 0 : i32
        %dma_start3A_1483 = arith.constant 13 : i32
        %dma_start3A_1484 = arith.constant 0 : i32
        %dma_start3A_1485 = arith.constant 0 : i32
        %dma_start3A_1486 = arith.constant 0 : i32
        %dma_start3A_1487 = tpu.memref_slice %arg5[%sub3A_1092, %dma_start3A_1484, %dma_start3A_1485, %dma_start3A_1486] : memref<2x32x8x128xf32, #tpu.memory_space<vmem>> -> memref<1x32x8x128xf32, #tpu.memory_space<vmem>>
        %dma_start3A_1488 = tpu.memref_squeeze %dma_start3A_1487 : memref<1x32x8x128xf32, #tpu.memory_space<vmem>> -> memref<32x8x128xf32, #tpu.memory_space<vmem>>
        %dma_start3A_1489 = arith.constant 0 : i32
        %dma_start3A_1490 = arith.constant 0 : i32
        %dma_start3A_1491 = tpu.memref_slice %dma_start3A_1488[%dma_start3A_1483, %dma_start3A_1489, %dma_start3A_1490] : memref<32x8x128xf32, #tpu.memory_space<vmem>> -> memref<1x8x128xf32, #tpu.memory_space<vmem>>
        %dma_start3A_1492 = tpu.memref_squeeze %dma_start3A_1491 : memref<1x8x128xf32, #tpu.memory_space<vmem>> -> memref<8x128xf32, #tpu.memory_space<vmem>>
        %dma_start3A_1493 = tpu.memref_slice %arg2[%dma_start3A_1482, %multiple_of3A, %multiple_of3A_1481] : memref<1x32x1000000xf32, #tpu.memory_space<hbm>> -> memref<1x8x128xf32, #tpu.memory_space<hbm>>
        %dma_start3A_1494 = tpu.memref_squeeze %dma_start3A_1493 : memref<1x8x128xf32, #tpu.memory_space<hbm>> -> memref<8x128xf32, #tpu.memory_space<hbm>>
        %dma_start3A_1495 = arith.constant 0 : i32
        %dma_start3A_1496 = arith.constant 0 : i32
        %dma_start3A_1497 = arith.constant 0 : i32
        %dma_start3A_1498 = tpu.memref_slice %arg5[%sub3A_1092, %dma_start3A_1495, %dma_start3A_1496, %dma_start3A_1497] : memref<2x32x8x128xf32, #tpu.memory_space<vmem>> -> memref<1x32x8x128xf32, #tpu.memory_space<vmem>>
        %dma_start3A_1499 = tpu.memref_squeeze %dma_start3A_1498 : memref<1x32x8x128xf32, #tpu.memory_space<vmem>> -> memref<32x8x128xf32, #tpu.memory_space<vmem>>
        %dma_start3A_1500 = arith.constant 0 : i32
        %dma_start3A_1501 = arith.constant 0 : i32
        %dma_start3A_1502 = tpu.memref_slice %dma_start3A_1499[%dma_start3A_1483, %dma_start3A_1500, %dma_start3A_1501] : memref<32x8x128xf32, #tpu.memory_space<vmem>> -> memref<1x8x128xf32, #tpu.memory_space<vmem>>
        %dma_start3A_1503 = tpu.memref_squeeze %dma_start3A_1502 : memref<1x8x128xf32, #tpu.memory_space<vmem>> -> memref<8x128xf32, #tpu.memory_space<vmem>>
        %dma_start3A_1504 = tpu.memref_slice %arg2[%dma_start3A_1482, %multiple_of3A, %multiple_of3A_1481] : memref<1x32x1000000xf32, #tpu.memory_space<hbm>> -> memref<1x8x128xf32, #tpu.memory_space<hbm>>
        %dma_start3A_1505 = tpu.memref_squeeze %dma_start3A_1504 : memref<1x8x128xf32, #tpu.memory_space<hbm>> -> memref<8x128xf32, #tpu.memory_space<hbm>>
        tpu.enqueue_dma source(%dma_start3A_1505 : memref<8x128xf32, #tpu.memory_space<hbm>>) target(%dma_start3A_1503 : memref<8x128xf32, #tpu.memory_space<vmem>>) target_semaphore(%arg7 : memref<!tpu.dma_semaphore, #tpu.memory_space<semaphore_mem>>)
        %add3A_1506 = arith.constant 14 : i32
        %add3A_1507 = arith.addi %min3A_1099, %add3A_1506 : i32
        %mul3A_1508 = arith.constant 128 : i32
        %mul3A_1509 = arith.muli %add3A_1507, %mul3A_1508 : i32
        %multiple_of3A_1510 = tpu.assume_multiple %mul3A_1509, 128 : i32
        %dma_start3A_1511 = arith.constant 0 : i32
        %dma_start3A_1512 = arith.constant 14 : i32
        %dma_start3A_1513 = arith.constant 0 : i32
        %dma_start3A_1514 = arith.constant 0 : i32
        %dma_start3A_1515 = arith.constant 0 : i32
        %dma_start3A_1516 = tpu.memref_slice %arg5[%sub3A_1092, %dma_start3A_1513, %dma_start3A_1514, %dma_start3A_1515] : memref<2x32x8x128xf32, #tpu.memory_space<vmem>> -> memref<1x32x8x128xf32, #tpu.memory_space<vmem>>
        %dma_start3A_1517 = tpu.memref_squeeze %dma_start3A_1516 : memref<1x32x8x128xf32, #tpu.memory_space<vmem>> -> memref<32x8x128xf32, #tpu.memory_space<vmem>>
        %dma_start3A_1518 = arith.constant 0 : i32
        %dma_start3A_1519 = arith.constant 0 : i32
        %dma_start3A_1520 = tpu.memref_slice %dma_start3A_1517[%dma_start3A_1512, %dma_start3A_1518, %dma_start3A_1519] : memref<32x8x128xf32, #tpu.memory_space<vmem>> -> memref<1x8x128xf32, #tpu.memory_space<vmem>>
        %dma_start3A_1521 = tpu.memref_squeeze %dma_start3A_1520 : memref<1x8x128xf32, #tpu.memory_space<vmem>> -> memref<8x128xf32, #tpu.memory_space<vmem>>
        %dma_start3A_1522 = tpu.memref_slice %arg2[%dma_start3A_1511, %multiple_of3A, %multiple_of3A_1510] : memref<1x32x1000000xf32, #tpu.memory_space<hbm>> -> memref<1x8x128xf32, #tpu.memory_space<hbm>>
        %dma_start3A_1523 = tpu.memref_squeeze %dma_start3A_1522 : memref<1x8x128xf32, #tpu.memory_space<hbm>> -> memref<8x128xf32, #tpu.memory_space<hbm>>
        %dma_start3A_1524 = arith.constant 0 : i32
        %dma_start3A_1525 = arith.constant 0 : i32
        %dma_start3A_1526 = arith.constant 0 : i32
        %dma_start3A_1527 = tpu.memref_slice %arg5[%sub3A_1092, %dma_start3A_1524, %dma_start3A_1525, %dma_start3A_1526] : memref<2x32x8x128xf32, #tpu.memory_space<vmem>> -> memref<1x32x8x128xf32, #tpu.memory_space<vmem>>
        %dma_start3A_1528 = tpu.memref_squeeze %dma_start3A_1527 : memref<1x32x8x128xf32, #tpu.memory_space<vmem>> -> memref<32x8x128xf32, #tpu.memory_space<vmem>>
        %dma_start3A_1529 = arith.constant 0 : i32
        %dma_start3A_1530 = arith.constant 0 : i32
        %dma_start3A_1531 = tpu.memref_slice %dma_start3A_1528[%dma_start3A_1512, %dma_start3A_1529, %dma_start3A_1530] : memref<32x8x128xf32, #tpu.memory_space<vmem>> -> memref<1x8x128xf32, #tpu.memory_space<vmem>>
        %dma_start3A_1532 = tpu.memref_squeeze %dma_start3A_1531 : memref<1x8x128xf32, #tpu.memory_space<vmem>> -> memref<8x128xf32, #tpu.memory_space<vmem>>
        %dma_start3A_1533 = tpu.memref_slice %arg2[%dma_start3A_1511, %multiple_of3A, %multiple_of3A_1510] : memref<1x32x1000000xf32, #tpu.memory_space<hbm>> -> memref<1x8x128xf32, #tpu.memory_space<hbm>>
        %dma_start3A_1534 = tpu.memref_squeeze %dma_start3A_1533 : memref<1x8x128xf32, #tpu.memory_space<hbm>> -> memref<8x128xf32, #tpu.memory_space<hbm>>
        tpu.enqueue_dma source(%dma_start3A_1534 : memref<8x128xf32, #tpu.memory_space<hbm>>) target(%dma_start3A_1532 : memref<8x128xf32, #tpu.memory_space<vmem>>) target_semaphore(%arg7 : memref<!tpu.dma_semaphore, #tpu.memory_space<semaphore_mem>>)
        %add3A_1535 = arith.constant 15 : i32
        %add3A_1536 = arith.addi %min3A_1099, %add3A_1535 : i32
        %mul3A_1537 = arith.constant 128 : i32
        %mul3A_1538 = arith.muli %add3A_1536, %mul3A_1537 : i32
        %multiple_of3A_1539 = tpu.assume_multiple %mul3A_1538, 128 : i32
        %dma_start3A_1540 = arith.constant 0 : i32
        %dma_start3A_1541 = arith.constant 15 : i32
        %dma_start3A_1542 = arith.constant 0 : i32
        %dma_start3A_1543 = arith.constant 0 : i32
        %dma_start3A_1544 = arith.constant 0 : i32
        %dma_start3A_1545 = tpu.memref_slice %arg5[%sub3A_1092, %dma_start3A_1542, %dma_start3A_1543, %dma_start3A_1544] : memref<2x32x8x128xf32, #tpu.memory_space<vmem>> -> memref<1x32x8x128xf32, #tpu.memory_space<vmem>>
        %dma_start3A_1546 = tpu.memref_squeeze %dma_start3A_1545 : memref<1x32x8x128xf32, #tpu.memory_space<vmem>> -> memref<32x8x128xf32, #tpu.memory_space<vmem>>
        %dma_start3A_1547 = arith.constant 0 : i32
        %dma_start3A_1548 = arith.constant 0 : i32
        %dma_start3A_1549 = tpu.memref_slice %dma_start3A_1546[%dma_start3A_1541, %dma_start3A_1547, %dma_start3A_1548] : memref<32x8x128xf32, #tpu.memory_space<vmem>> -> memref<1x8x128xf32, #tpu.memory_space<vmem>>
        %dma_start3A_1550 = tpu.memref_squeeze %dma_start3A_1549 : memref<1x8x128xf32, #tpu.memory_space<vmem>> -> memref<8x128xf32, #tpu.memory_space<vmem>>
        %dma_start3A_1551 = tpu.memref_slice %arg2[%dma_start3A_1540, %multiple_of3A, %multiple_of3A_1539] : memref<1x32x1000000xf32, #tpu.memory_space<hbm>> -> memref<1x8x128xf32, #tpu.memory_space<hbm>>
        %dma_start3A_1552 = tpu.memref_squeeze %dma_start3A_1551 : memref<1x8x128xf32, #tpu.memory_space<hbm>> -> memref<8x128xf32, #tpu.memory_space<hbm>>
        %dma_start3A_1553 = arith.constant 0 : i32
        %dma_start3A_1554 = arith.constant 0 : i32
        %dma_start3A_1555 = arith.constant 0 : i32
        %dma_start3A_1556 = tpu.memref_slice %arg5[%sub3A_1092, %dma_start3A_1553, %dma_start3A_1554, %dma_start3A_1555] : memref<2x32x8x128xf32, #tpu.memory_space<vmem>> -> memref<1x32x8x128xf32, #tpu.memory_space<vmem>>
        %dma_start3A_1557 = tpu.memref_squeeze %dma_start3A_1556 : memref<1x32x8x128xf32, #tpu.memory_space<vmem>> -> memref<32x8x128xf32, #tpu.memory_space<vmem>>
        %dma_start3A_1558 = arith.constant 0 : i32
        %dma_start3A_1559 = arith.constant 0 : i32
        %dma_start3A_1560 = tpu.memref_slice %dma_start3A_1557[%dma_start3A_1541, %dma_start3A_1558, %dma_start3A_1559] : memref<32x8x128xf32, #tpu.memory_space<vmem>> -> memref<1x8x128xf32, #tpu.memory_space<vmem>>
        %dma_start3A_1561 = tpu.memref_squeeze %dma_start3A_1560 : memref<1x8x128xf32, #tpu.memory_space<vmem>> -> memref<8x128xf32, #tpu.memory_space<vmem>>
        %dma_start3A_1562 = tpu.memref_slice %arg2[%dma_start3A_1540, %multiple_of3A, %multiple_of3A_1539] : memref<1x32x1000000xf32, #tpu.memory_space<hbm>> -> memref<1x8x128xf32, #tpu.memory_space<hbm>>
        %dma_start3A_1563 = tpu.memref_squeeze %dma_start3A_1562 : memref<1x8x128xf32, #tpu.memory_space<hbm>> -> memref<8x128xf32, #tpu.memory_space<hbm>>
        tpu.enqueue_dma source(%dma_start3A_1563 : memref<8x128xf32, #tpu.memory_space<hbm>>) target(%dma_start3A_1561 : memref<8x128xf32, #tpu.memory_space<vmem>>) target_semaphore(%arg7 : memref<!tpu.dma_semaphore, #tpu.memory_space<semaphore_mem>>)
        %add3A_1564 = arith.constant 16 : i32
        %add3A_1565 = arith.addi %min3A_1099, %add3A_1564 : i32
        %mul3A_1566 = arith.constant 128 : i32
        %mul3A_1567 = arith.muli %add3A_1565, %mul3A_1566 : i32
        %multiple_of3A_1568 = tpu.assume_multiple %mul3A_1567, 128 : i32
        %dma_start3A_1569 = arith.constant 0 : i32
        %dma_start3A_1570 = arith.constant 16 : i32
        %dma_start3A_1571 = arith.constant 0 : i32
        %dma_start3A_1572 = arith.constant 0 : i32
        %dma_start3A_1573 = arith.constant 0 : i32
        %dma_start3A_1574 = tpu.memref_slice %arg5[%sub3A_1092, %dma_start3A_1571, %dma_start3A_1572, %dma_start3A_1573] : memref<2x32x8x128xf32, #tpu.memory_space<vmem>> -> memref<1x32x8x128xf32, #tpu.memory_space<vmem>>
        %dma_start3A_1575 = tpu.memref_squeeze %dma_start3A_1574 : memref<1x32x8x128xf32, #tpu.memory_space<vmem>> -> memref<32x8x128xf32, #tpu.memory_space<vmem>>
        %dma_start3A_1576 = arith.constant 0 : i32
        %dma_start3A_1577 = arith.constant 0 : i32
        %dma_start3A_1578 = tpu.memref_slice %dma_start3A_1575[%dma_start3A_1570, %dma_start3A_1576, %dma_start3A_1577] : memref<32x8x128xf32, #tpu.memory_space<vmem>> -> memref<1x8x128xf32, #tpu.memory_space<vmem>>
        %dma_start3A_1579 = tpu.memref_squeeze %dma_start3A_1578 : memref<1x8x128xf32, #tpu.memory_space<vmem>> -> memref<8x128xf32, #tpu.memory_space<vmem>>
        %dma_start3A_1580 = tpu.memref_slice %arg2[%dma_start3A_1569, %multiple_of3A, %multiple_of3A_1568] : memref<1x32x1000000xf32, #tpu.memory_space<hbm>> -> memref<1x8x128xf32, #tpu.memory_space<hbm>>
        %dma_start3A_1581 = tpu.memref_squeeze %dma_start3A_1580 : memref<1x8x128xf32, #tpu.memory_space<hbm>> -> memref<8x128xf32, #tpu.memory_space<hbm>>
        %dma_start3A_1582 = arith.constant 0 : i32
        %dma_start3A_1583 = arith.constant 0 : i32
        %dma_start3A_1584 = arith.constant 0 : i32
        %dma_start3A_1585 = tpu.memref_slice %arg5[%sub3A_1092, %dma_start3A_1582, %dma_start3A_1583, %dma_start3A_1584] : memref<2x32x8x128xf32, #tpu.memory_space<vmem>> -> memref<1x32x8x128xf32, #tpu.memory_space<vmem>>
        %dma_start3A_1586 = tpu.memref_squeeze %dma_start3A_1585 : memref<1x32x8x128xf32, #tpu.memory_space<vmem>> -> memref<32x8x128xf32, #tpu.memory_space<vmem>>
        %dma_start3A_1587 = arith.constant 0 : i32
        %dma_start3A_1588 = arith.constant 0 : i32
        %dma_start3A_1589 = tpu.memref_slice %dma_start3A_1586[%dma_start3A_1570, %dma_start3A_1587, %dma_start3A_1588] : memref<32x8x128xf32, #tpu.memory_space<vmem>> -> memref<1x8x128xf32, #tpu.memory_space<vmem>>
        %dma_start3A_1590 = tpu.memref_squeeze %dma_start3A_1589 : memref<1x8x128xf32, #tpu.memory_space<vmem>> -> memref<8x128xf32, #tpu.memory_space<vmem>>
        %dma_start3A_1591 = tpu.memref_slice %arg2[%dma_start3A_1569, %multiple_of3A, %multiple_of3A_1568] : memref<1x32x1000000xf32, #tpu.memory_space<hbm>> -> memref<1x8x128xf32, #tpu.memory_space<hbm>>
        %dma_start3A_1592 = tpu.memref_squeeze %dma_start3A_1591 : memref<1x8x128xf32, #tpu.memory_space<hbm>> -> memref<8x128xf32, #tpu.memory_space<hbm>>
        tpu.enqueue_dma source(%dma_start3A_1592 : memref<8x128xf32, #tpu.memory_space<hbm>>) target(%dma_start3A_1590 : memref<8x128xf32, #tpu.memory_space<vmem>>) target_semaphore(%arg7 : memref<!tpu.dma_semaphore, #tpu.memory_space<semaphore_mem>>)
        %add3A_1593 = arith.constant 17 : i32
        %add3A_1594 = arith.addi %min3A_1099, %add3A_1593 : i32
        %mul3A_1595 = arith.constant 128 : i32
        %mul3A_1596 = arith.muli %add3A_1594, %mul3A_1595 : i32
        %multiple_of3A_1597 = tpu.assume_multiple %mul3A_1596, 128 : i32
        %dma_start3A_1598 = arith.constant 0 : i32
        %dma_start3A_1599 = arith.constant 17 : i32
        %dma_start3A_1600 = arith.constant 0 : i32
        %dma_start3A_1601 = arith.constant 0 : i32
        %dma_start3A_1602 = arith.constant 0 : i32
        %dma_start3A_1603 = tpu.memref_slice %arg5[%sub3A_1092, %dma_start3A_1600, %dma_start3A_1601, %dma_start3A_1602] : memref<2x32x8x128xf32, #tpu.memory_space<vmem>> -> memref<1x32x8x128xf32, #tpu.memory_space<vmem>>
        %dma_start3A_1604 = tpu.memref_squeeze %dma_start3A_1603 : memref<1x32x8x128xf32, #tpu.memory_space<vmem>> -> memref<32x8x128xf32, #tpu.memory_space<vmem>>
        %dma_start3A_1605 = arith.constant 0 : i32
        %dma_start3A_1606 = arith.constant 0 : i32
        %dma_start3A_1607 = tpu.memref_slice %dma_start3A_1604[%dma_start3A_1599, %dma_start3A_1605, %dma_start3A_1606] : memref<32x8x128xf32, #tpu.memory_space<vmem>> -> memref<1x8x128xf32, #tpu.memory_space<vmem>>
        %dma_start3A_1608 = tpu.memref_squeeze %dma_start3A_1607 : memref<1x8x128xf32, #tpu.memory_space<vmem>> -> memref<8x128xf32, #tpu.memory_space<vmem>>
        %dma_start3A_1609 = tpu.memref_slice %arg2[%dma_start3A_1598, %multiple_of3A, %multiple_of3A_1597] : memref<1x32x1000000xf32, #tpu.memory_space<hbm>> -> memref<1x8x128xf32, #tpu.memory_space<hbm>>
        %dma_start3A_1610 = tpu.memref_squeeze %dma_start3A_1609 : memref<1x8x128xf32, #tpu.memory_space<hbm>> -> memref<8x128xf32, #tpu.memory_space<hbm>>
        %dma_start3A_1611 = arith.constant 0 : i32
        %dma_start3A_1612 = arith.constant 0 : i32
        %dma_start3A_1613 = arith.constant 0 : i32
        %dma_start3A_1614 = tpu.memref_slice %arg5[%sub3A_1092, %dma_start3A_1611, %dma_start3A_1612, %dma_start3A_1613] : memref<2x32x8x128xf32, #tpu.memory_space<vmem>> -> memref<1x32x8x128xf32, #tpu.memory_space<vmem>>
        %dma_start3A_1615 = tpu.memref_squeeze %dma_start3A_1614 : memref<1x32x8x128xf32, #tpu.memory_space<vmem>> -> memref<32x8x128xf32, #tpu.memory_space<vmem>>
        %dma_start3A_1616 = arith.constant 0 : i32
        %dma_start3A_1617 = arith.constant 0 : i32
        %dma_start3A_1618 = tpu.memref_slice %dma_start3A_1615[%dma_start3A_1599, %dma_start3A_1616, %dma_start3A_1617] : memref<32x8x128xf32, #tpu.memory_space<vmem>> -> memref<1x8x128xf32, #tpu.memory_space<vmem>>
        %dma_start3A_1619 = tpu.memref_squeeze %dma_start3A_1618 : memref<1x8x128xf32, #tpu.memory_space<vmem>> -> memref<8x128xf32, #tpu.memory_space<vmem>>
        %dma_start3A_1620 = tpu.memref_slice %arg2[%dma_start3A_1598, %multiple_of3A, %multiple_of3A_1597] : memref<1x32x1000000xf32, #tpu.memory_space<hbm>> -> memref<1x8x128xf32, #tpu.memory_space<hbm>>
        %dma_start3A_1621 = tpu.memref_squeeze %dma_start3A_1620 : memref<1x8x128xf32, #tpu.memory_space<hbm>> -> memref<8x128xf32, #tpu.memory_space<hbm>>
        tpu.enqueue_dma source(%dma_start3A_1621 : memref<8x128xf32, #tpu.memory_space<hbm>>) target(%dma_start3A_1619 : memref<8x128xf32, #tpu.memory_space<vmem>>) target_semaphore(%arg7 : memref<!tpu.dma_semaphore, #tpu.memory_space<semaphore_mem>>)
        %add3A_1622 = arith.constant 18 : i32
        %add3A_1623 = arith.addi %min3A_1099, %add3A_1622 : i32
        %mul3A_1624 = arith.constant 128 : i32
        %mul3A_1625 = arith.muli %add3A_1623, %mul3A_1624 : i32
        %multiple_of3A_1626 = tpu.assume_multiple %mul3A_1625, 128 : i32
        %dma_start3A_1627 = arith.constant 0 : i32
        %dma_start3A_1628 = arith.constant 18 : i32
        %dma_start3A_1629 = arith.constant 0 : i32
        %dma_start3A_1630 = arith.constant 0 : i32
        %dma_start3A_1631 = arith.constant 0 : i32
        %dma_start3A_1632 = tpu.memref_slice %arg5[%sub3A_1092, %dma_start3A_1629, %dma_start3A_1630, %dma_start3A_1631] : memref<2x32x8x128xf32, #tpu.memory_space<vmem>> -> memref<1x32x8x128xf32, #tpu.memory_space<vmem>>
        %dma_start3A_1633 = tpu.memref_squeeze %dma_start3A_1632 : memref<1x32x8x128xf32, #tpu.memory_space<vmem>> -> memref<32x8x128xf32, #tpu.memory_space<vmem>>
        %dma_start3A_1634 = arith.constant 0 : i32
        %dma_start3A_1635 = arith.constant 0 : i32
        %dma_start3A_1636 = tpu.memref_slice %dma_start3A_1633[%dma_start3A_1628, %dma_start3A_1634, %dma_start3A_1635] : memref<32x8x128xf32, #tpu.memory_space<vmem>> -> memref<1x8x128xf32, #tpu.memory_space<vmem>>
        %dma_start3A_1637 = tpu.memref_squeeze %dma_start3A_1636 : memref<1x8x128xf32, #tpu.memory_space<vmem>> -> memref<8x128xf32, #tpu.memory_space<vmem>>
        %dma_start3A_1638 = tpu.memref_slice %arg2[%dma_start3A_1627, %multiple_of3A, %multiple_of3A_1626] : memref<1x32x1000000xf32, #tpu.memory_space<hbm>> -> memref<1x8x128xf32, #tpu.memory_space<hbm>>
        %dma_start3A_1639 = tpu.memref_squeeze %dma_start3A_1638 : memref<1x8x128xf32, #tpu.memory_space<hbm>> -> memref<8x128xf32, #tpu.memory_space<hbm>>
        %dma_start3A_1640 = arith.constant 0 : i32
        %dma_start3A_1641 = arith.constant 0 : i32
        %dma_start3A_1642 = arith.constant 0 : i32
        %dma_start3A_1643 = tpu.memref_slice %arg5[%sub3A_1092, %dma_start3A_1640, %dma_start3A_1641, %dma_start3A_1642] : memref<2x32x8x128xf32, #tpu.memory_space<vmem>> -> memref<1x32x8x128xf32, #tpu.memory_space<vmem>>
        %dma_start3A_1644 = tpu.memref_squeeze %dma_start3A_1643 : memref<1x32x8x128xf32, #tpu.memory_space<vmem>> -> memref<32x8x128xf32, #tpu.memory_space<vmem>>
        %dma_start3A_1645 = arith.constant 0 : i32
        %dma_start3A_1646 = arith.constant 0 : i32
        %dma_start3A_1647 = tpu.memref_slice %dma_start3A_1644[%dma_start3A_1628, %dma_start3A_1645, %dma_start3A_1646] : memref<32x8x128xf32, #tpu.memory_space<vmem>> -> memref<1x8x128xf32, #tpu.memory_space<vmem>>
        %dma_start3A_1648 = tpu.memref_squeeze %dma_start3A_1647 : memref<1x8x128xf32, #tpu.memory_space<vmem>> -> memref<8x128xf32, #tpu.memory_space<vmem>>
        %dma_start3A_1649 = tpu.memref_slice %arg2[%dma_start3A_1627, %multiple_of3A, %multiple_of3A_1626] : memref<1x32x1000000xf32, #tpu.memory_space<hbm>> -> memref<1x8x128xf32, #tpu.memory_space<hbm>>
        %dma_start3A_1650 = tpu.memref_squeeze %dma_start3A_1649 : memref<1x8x128xf32, #tpu.memory_space<hbm>> -> memref<8x128xf32, #tpu.memory_space<hbm>>
        tpu.enqueue_dma source(%dma_start3A_1650 : memref<8x128xf32, #tpu.memory_space<hbm>>) target(%dma_start3A_1648 : memref<8x128xf32, #tpu.memory_space<vmem>>) target_semaphore(%arg7 : memref<!tpu.dma_semaphore, #tpu.memory_space<semaphore_mem>>)
        %add3A_1651 = arith.constant 19 : i32
        %add3A_1652 = arith.addi %min3A_1099, %add3A_1651 : i32
        %mul3A_1653 = arith.constant 128 : i32
        %mul3A_1654 = arith.muli %add3A_1652, %mul3A_1653 : i32
        %multiple_of3A_1655 = tpu.assume_multiple %mul3A_1654, 128 : i32
        %dma_start3A_1656 = arith.constant 0 : i32
        %dma_start3A_1657 = arith.constant 19 : i32
        %dma_start3A_1658 = arith.constant 0 : i32
        %dma_start3A_1659 = arith.constant 0 : i32
        %dma_start3A_1660 = arith.constant 0 : i32
        %dma_start3A_1661 = tpu.memref_slice %arg5[%sub3A_1092, %dma_start3A_1658, %dma_start3A_1659, %dma_start3A_1660] : memref<2x32x8x128xf32, #tpu.memory_space<vmem>> -> memref<1x32x8x128xf32, #tpu.memory_space<vmem>>
        %dma_start3A_1662 = tpu.memref_squeeze %dma_start3A_1661 : memref<1x32x8x128xf32, #tpu.memory_space<vmem>> -> memref<32x8x128xf32, #tpu.memory_space<vmem>>
        %dma_start3A_1663 = arith.constant 0 : i32
        %dma_start3A_1664 = arith.constant 0 : i32
        %dma_start3A_1665 = tpu.memref_slice %dma_start3A_1662[%dma_start3A_1657, %dma_start3A_1663, %dma_start3A_1664] : memref<32x8x128xf32, #tpu.memory_space<vmem>> -> memref<1x8x128xf32, #tpu.memory_space<vmem>>
        %dma_start3A_1666 = tpu.memref_squeeze %dma_start3A_1665 : memref<1x8x128xf32, #tpu.memory_space<vmem>> -> memref<8x128xf32, #tpu.memory_space<vmem>>
        %dma_start3A_1667 = tpu.memref_slice %arg2[%dma_start3A_1656, %multiple_of3A, %multiple_of3A_1655] : memref<1x32x1000000xf32, #tpu.memory_space<hbm>> -> memref<1x8x128xf32, #tpu.memory_space<hbm>>
        %dma_start3A_1668 = tpu.memref_squeeze %dma_start3A_1667 : memref<1x8x128xf32, #tpu.memory_space<hbm>> -> memref<8x128xf32, #tpu.memory_space<hbm>>
        %dma_start3A_1669 = arith.constant 0 : i32
        %dma_start3A_1670 = arith.constant 0 : i32
        %dma_start3A_1671 = arith.constant 0 : i32
        %dma_start3A_1672 = tpu.memref_slice %arg5[%sub3A_1092, %dma_start3A_1669, %dma_start3A_1670, %dma_start3A_1671] : memref<2x32x8x128xf32, #tpu.memory_space<vmem>> -> memref<1x32x8x128xf32, #tpu.memory_space<vmem>>
        %dma_start3A_1673 = tpu.memref_squeeze %dma_start3A_1672 : memref<1x32x8x128xf32, #tpu.memory_space<vmem>> -> memref<32x8x128xf32, #tpu.memory_space<vmem>>
        %dma_start3A_1674 = arith.constant 0 : i32
        %dma_start3A_1675 = arith.constant 0 : i32
        %dma_start3A_1676 = tpu.memref_slice %dma_start3A_1673[%dma_start3A_1657, %dma_start3A_1674, %dma_start3A_1675] : memref<32x8x128xf32, #tpu.memory_space<vmem>> -> memref<1x8x128xf32, #tpu.memory_space<vmem>>
        %dma_start3A_1677 = tpu.memref_squeeze %dma_start3A_1676 : memref<1x8x128xf32, #tpu.memory_space<vmem>> -> memref<8x128xf32, #tpu.memory_space<vmem>>
        %dma_start3A_1678 = tpu.memref_slice %arg2[%dma_start3A_1656, %multiple_of3A, %multiple_of3A_1655] : memref<1x32x1000000xf32, #tpu.memory_space<hbm>> -> memref<1x8x128xf32, #tpu.memory_space<hbm>>
        %dma_start3A_1679 = tpu.memref_squeeze %dma_start3A_1678 : memref<1x8x128xf32, #tpu.memory_space<hbm>> -> memref<8x128xf32, #tpu.memory_space<hbm>>
        tpu.enqueue_dma source(%dma_start3A_1679 : memref<8x128xf32, #tpu.memory_space<hbm>>) target(%dma_start3A_1677 : memref<8x128xf32, #tpu.memory_space<vmem>>) target_semaphore(%arg7 : memref<!tpu.dma_semaphore, #tpu.memory_space<semaphore_mem>>)
        %add3A_1680 = arith.constant 20 : i32
        %add3A_1681 = arith.addi %min3A_1099, %add3A_1680 : i32
        %mul3A_1682 = arith.constant 128 : i32
        %mul3A_1683 = arith.muli %add3A_1681, %mul3A_1682 : i32
        %multiple_of3A_1684 = tpu.assume_multiple %mul3A_1683, 128 : i32
        %dma_start3A_1685 = arith.constant 0 : i32
        %dma_start3A_1686 = arith.constant 20 : i32
        %dma_start3A_1687 = arith.constant 0 : i32
        %dma_start3A_1688 = arith.constant 0 : i32
        %dma_start3A_1689 = arith.constant 0 : i32
        %dma_start3A_1690 = tpu.memref_slice %arg5[%sub3A_1092, %dma_start3A_1687, %dma_start3A_1688, %dma_start3A_1689] : memref<2x32x8x128xf32, #tpu.memory_space<vmem>> -> memref<1x32x8x128xf32, #tpu.memory_space<vmem>>
        %dma_start3A_1691 = tpu.memref_squeeze %dma_start3A_1690 : memref<1x32x8x128xf32, #tpu.memory_space<vmem>> -> memref<32x8x128xf32, #tpu.memory_space<vmem>>
        %dma_start3A_1692 = arith.constant 0 : i32
        %dma_start3A_1693 = arith.constant 0 : i32
        %dma_start3A_1694 = tpu.memref_slice %dma_start3A_1691[%dma_start3A_1686, %dma_start3A_1692, %dma_start3A_1693] : memref<32x8x128xf32, #tpu.memory_space<vmem>> -> memref<1x8x128xf32, #tpu.memory_space<vmem>>
        %dma_start3A_1695 = tpu.memref_squeeze %dma_start3A_1694 : memref<1x8x128xf32, #tpu.memory_space<vmem>> -> memref<8x128xf32, #tpu.memory_space<vmem>>
        %dma_start3A_1696 = tpu.memref_slice %arg2[%dma_start3A_1685, %multiple_of3A, %multiple_of3A_1684] : memref<1x32x1000000xf32, #tpu.memory_space<hbm>> -> memref<1x8x128xf32, #tpu.memory_space<hbm>>
        %dma_start3A_1697 = tpu.memref_squeeze %dma_start3A_1696 : memref<1x8x128xf32, #tpu.memory_space<hbm>> -> memref<8x128xf32, #tpu.memory_space<hbm>>
        %dma_start3A_1698 = arith.constant 0 : i32
        %dma_start3A_1699 = arith.constant 0 : i32
        %dma_start3A_1700 = arith.constant 0 : i32
        %dma_start3A_1701 = tpu.memref_slice %arg5[%sub3A_1092, %dma_start3A_1698, %dma_start3A_1699, %dma_start3A_1700] : memref<2x32x8x128xf32, #tpu.memory_space<vmem>> -> memref<1x32x8x128xf32, #tpu.memory_space<vmem>>
        %dma_start3A_1702 = tpu.memref_squeeze %dma_start3A_1701 : memref<1x32x8x128xf32, #tpu.memory_space<vmem>> -> memref<32x8x128xf32, #tpu.memory_space<vmem>>
        %dma_start3A_1703 = arith.constant 0 : i32
        %dma_start3A_1704 = arith.constant 0 : i32
        %dma_start3A_1705 = tpu.memref_slice %dma_start3A_1702[%dma_start3A_1686, %dma_start3A_1703, %dma_start3A_1704] : memref<32x8x128xf32, #tpu.memory_space<vmem>> -> memref<1x8x128xf32, #tpu.memory_space<vmem>>
        %dma_start3A_1706 = tpu.memref_squeeze %dma_start3A_1705 : memref<1x8x128xf32, #tpu.memory_space<vmem>> -> memref<8x128xf32, #tpu.memory_space<vmem>>
        %dma_start3A_1707 = tpu.memref_slice %arg2[%dma_start3A_1685, %multiple_of3A, %multiple_of3A_1684] : memref<1x32x1000000xf32, #tpu.memory_space<hbm>> -> memref<1x8x128xf32, #tpu.memory_space<hbm>>
        %dma_start3A_1708 = tpu.memref_squeeze %dma_start3A_1707 : memref<1x8x128xf32, #tpu.memory_space<hbm>> -> memref<8x128xf32, #tpu.memory_space<hbm>>
        tpu.enqueue_dma source(%dma_start3A_1708 : memref<8x128xf32, #tpu.memory_space<hbm>>) target(%dma_start3A_1706 : memref<8x128xf32, #tpu.memory_space<vmem>>) target_semaphore(%arg7 : memref<!tpu.dma_semaphore, #tpu.memory_space<semaphore_mem>>)
        %add3A_1709 = arith.constant 21 : i32
        %add3A_1710 = arith.addi %min3A_1099, %add3A_1709 : i32
        %mul3A_1711 = arith.constant 128 : i32
        %mul3A_1712 = arith.muli %add3A_1710, %mul3A_1711 : i32
        %multiple_of3A_1713 = tpu.assume_multiple %mul3A_1712, 128 : i32
        %dma_start3A_1714 = arith.constant 0 : i32
        %dma_start3A_1715 = arith.constant 21 : i32
        %dma_start3A_1716 = arith.constant 0 : i32
        %dma_start3A_1717 = arith.constant 0 : i32
        %dma_start3A_1718 = arith.constant 0 : i32
        %dma_start3A_1719 = tpu.memref_slice %arg5[%sub3A_1092, %dma_start3A_1716, %dma_start3A_1717, %dma_start3A_1718] : memref<2x32x8x128xf32, #tpu.memory_space<vmem>> -> memref<1x32x8x128xf32, #tpu.memory_space<vmem>>
        %dma_start3A_1720 = tpu.memref_squeeze %dma_start3A_1719 : memref<1x32x8x128xf32, #tpu.memory_space<vmem>> -> memref<32x8x128xf32, #tpu.memory_space<vmem>>
        %dma_start3A_1721 = arith.constant 0 : i32
        %dma_start3A_1722 = arith.constant 0 : i32
        %dma_start3A_1723 = tpu.memref_slice %dma_start3A_1720[%dma_start3A_1715, %dma_start3A_1721, %dma_start3A_1722] : memref<32x8x128xf32, #tpu.memory_space<vmem>> -> memref<1x8x128xf32, #tpu.memory_space<vmem>>
        %dma_start3A_1724 = tpu.memref_squeeze %dma_start3A_1723 : memref<1x8x128xf32, #tpu.memory_space<vmem>> -> memref<8x128xf32, #tpu.memory_space<vmem>>
        %dma_start3A_1725 = tpu.memref_slice %arg2[%dma_start3A_1714, %multiple_of3A, %multiple_of3A_1713] : memref<1x32x1000000xf32, #tpu.memory_space<hbm>> -> memref<1x8x128xf32, #tpu.memory_space<hbm>>
        %dma_start3A_1726 = tpu.memref_squeeze %dma_start3A_1725 : memref<1x8x128xf32, #tpu.memory_space<hbm>> -> memref<8x128xf32, #tpu.memory_space<hbm>>
        %dma_start3A_1727 = arith.constant 0 : i32
        %dma_start3A_1728 = arith.constant 0 : i32
        %dma_start3A_1729 = arith.constant 0 : i32
        %dma_start3A_1730 = tpu.memref_slice %arg5[%sub3A_1092, %dma_start3A_1727, %dma_start3A_1728, %dma_start3A_1729] : memref<2x32x8x128xf32, #tpu.memory_space<vmem>> -> memref<1x32x8x128xf32, #tpu.memory_space<vmem>>
        %dma_start3A_1731 = tpu.memref_squeeze %dma_start3A_1730 : memref<1x32x8x128xf32, #tpu.memory_space<vmem>> -> memref<32x8x128xf32, #tpu.memory_space<vmem>>
        %dma_start3A_1732 = arith.constant 0 : i32
        %dma_start3A_1733 = arith.constant 0 : i32
        %dma_start3A_1734 = tpu.memref_slice %dma_start3A_1731[%dma_start3A_1715, %dma_start3A_1732, %dma_start3A_1733] : memref<32x8x128xf32, #tpu.memory_space<vmem>> -> memref<1x8x128xf32, #tpu.memory_space<vmem>>
        %dma_start3A_1735 = tpu.memref_squeeze %dma_start3A_1734 : memref<1x8x128xf32, #tpu.memory_space<vmem>> -> memref<8x128xf32, #tpu.memory_space<vmem>>
        %dma_start3A_1736 = tpu.memref_slice %arg2[%dma_start3A_1714, %multiple_of3A, %multiple_of3A_1713] : memref<1x32x1000000xf32, #tpu.memory_space<hbm>> -> memref<1x8x128xf32, #tpu.memory_space<hbm>>
        %dma_start3A_1737 = tpu.memref_squeeze %dma_start3A_1736 : memref<1x8x128xf32, #tpu.memory_space<hbm>> -> memref<8x128xf32, #tpu.memory_space<hbm>>
        tpu.enqueue_dma source(%dma_start3A_1737 : memref<8x128xf32, #tpu.memory_space<hbm>>) target(%dma_start3A_1735 : memref<8x128xf32, #tpu.memory_space<vmem>>) target_semaphore(%arg7 : memref<!tpu.dma_semaphore, #tpu.memory_space<semaphore_mem>>)
        %add3A_1738 = arith.constant 22 : i32
        %add3A_1739 = arith.addi %min3A_1099, %add3A_1738 : i32
        %mul3A_1740 = arith.constant 128 : i32
        %mul3A_1741 = arith.muli %add3A_1739, %mul3A_1740 : i32
        %multiple_of3A_1742 = tpu.assume_multiple %mul3A_1741, 128 : i32
        %dma_start3A_1743 = arith.constant 0 : i32
        %dma_start3A_1744 = arith.constant 22 : i32
        %dma_start3A_1745 = arith.constant 0 : i32
        %dma_start3A_1746 = arith.constant 0 : i32
        %dma_start3A_1747 = arith.constant 0 : i32
        %dma_start3A_1748 = tpu.memref_slice %arg5[%sub3A_1092, %dma_start3A_1745, %dma_start3A_1746, %dma_start3A_1747] : memref<2x32x8x128xf32, #tpu.memory_space<vmem>> -> memref<1x32x8x128xf32, #tpu.memory_space<vmem>>
        %dma_start3A_1749 = tpu.memref_squeeze %dma_start3A_1748 : memref<1x32x8x128xf32, #tpu.memory_space<vmem>> -> memref<32x8x128xf32, #tpu.memory_space<vmem>>
        %dma_start3A_1750 = arith.constant 0 : i32
        %dma_start3A_1751 = arith.constant 0 : i32
        %dma_start3A_1752 = tpu.memref_slice %dma_start3A_1749[%dma_start3A_1744, %dma_start3A_1750, %dma_start3A_1751] : memref<32x8x128xf32, #tpu.memory_space<vmem>> -> memref<1x8x128xf32, #tpu.memory_space<vmem>>
        %dma_start3A_1753 = tpu.memref_squeeze %dma_start3A_1752 : memref<1x8x128xf32, #tpu.memory_space<vmem>> -> memref<8x128xf32, #tpu.memory_space<vmem>>
        %dma_start3A_1754 = tpu.memref_slice %arg2[%dma_start3A_1743, %multiple_of3A, %multiple_of3A_1742] : memref<1x32x1000000xf32, #tpu.memory_space<hbm>> -> memref<1x8x128xf32, #tpu.memory_space<hbm>>
        %dma_start3A_1755 = tpu.memref_squeeze %dma_start3A_1754 : memref<1x8x128xf32, #tpu.memory_space<hbm>> -> memref<8x128xf32, #tpu.memory_space<hbm>>
        %dma_start3A_1756 = arith.constant 0 : i32
        %dma_start3A_1757 = arith.constant 0 : i32
        %dma_start3A_1758 = arith.constant 0 : i32
        %dma_start3A_1759 = tpu.memref_slice %arg5[%sub3A_1092, %dma_start3A_1756, %dma_start3A_1757, %dma_start3A_1758] : memref<2x32x8x128xf32, #tpu.memory_space<vmem>> -> memref<1x32x8x128xf32, #tpu.memory_space<vmem>>
        %dma_start3A_1760 = tpu.memref_squeeze %dma_start3A_1759 : memref<1x32x8x128xf32, #tpu.memory_space<vmem>> -> memref<32x8x128xf32, #tpu.memory_space<vmem>>
        %dma_start3A_1761 = arith.constant 0 : i32
        %dma_start3A_1762 = arith.constant 0 : i32
        %dma_start3A_1763 = tpu.memref_slice %dma_start3A_1760[%dma_start3A_1744, %dma_start3A_1761, %dma_start3A_1762] : memref<32x8x128xf32, #tpu.memory_space<vmem>> -> memref<1x8x128xf32, #tpu.memory_space<vmem>>
        %dma_start3A_1764 = tpu.memref_squeeze %dma_start3A_1763 : memref<1x8x128xf32, #tpu.memory_space<vmem>> -> memref<8x128xf32, #tpu.memory_space<vmem>>
        %dma_start3A_1765 = tpu.memref_slice %arg2[%dma_start3A_1743, %multiple_of3A, %multiple_of3A_1742] : memref<1x32x1000000xf32, #tpu.memory_space<hbm>> -> memref<1x8x128xf32, #tpu.memory_space<hbm>>
        %dma_start3A_1766 = tpu.memref_squeeze %dma_start3A_1765 : memref<1x8x128xf32, #tpu.memory_space<hbm>> -> memref<8x128xf32, #tpu.memory_space<hbm>>
        tpu.enqueue_dma source(%dma_start3A_1766 : memref<8x128xf32, #tpu.memory_space<hbm>>) target(%dma_start3A_1764 : memref<8x128xf32, #tpu.memory_space<vmem>>) target_semaphore(%arg7 : memref<!tpu.dma_semaphore, #tpu.memory_space<semaphore_mem>>)
        %add3A_1767 = arith.constant 23 : i32
        %add3A_1768 = arith.addi %min3A_1099, %add3A_1767 : i32
        %mul3A_1769 = arith.constant 128 : i32
        %mul3A_1770 = arith.muli %add3A_1768, %mul3A_1769 : i32
        %multiple_of3A_1771 = tpu.assume_multiple %mul3A_1770, 128 : i32
        %dma_start3A_1772 = arith.constant 0 : i32
        %dma_start3A_1773 = arith.constant 23 : i32
        %dma_start3A_1774 = arith.constant 0 : i32
        %dma_start3A_1775 = arith.constant 0 : i32
        %dma_start3A_1776 = arith.constant 0 : i32
        %dma_start3A_1777 = tpu.memref_slice %arg5[%sub3A_1092, %dma_start3A_1774, %dma_start3A_1775, %dma_start3A_1776] : memref<2x32x8x128xf32, #tpu.memory_space<vmem>> -> memref<1x32x8x128xf32, #tpu.memory_space<vmem>>
        %dma_start3A_1778 = tpu.memref_squeeze %dma_start3A_1777 : memref<1x32x8x128xf32, #tpu.memory_space<vmem>> -> memref<32x8x128xf32, #tpu.memory_space<vmem>>
        %dma_start3A_1779 = arith.constant 0 : i32
        %dma_start3A_1780 = arith.constant 0 : i32
        %dma_start3A_1781 = tpu.memref_slice %dma_start3A_1778[%dma_start3A_1773, %dma_start3A_1779, %dma_start3A_1780] : memref<32x8x128xf32, #tpu.memory_space<vmem>> -> memref<1x8x128xf32, #tpu.memory_space<vmem>>
        %dma_start3A_1782 = tpu.memref_squeeze %dma_start3A_1781 : memref<1x8x128xf32, #tpu.memory_space<vmem>> -> memref<8x128xf32, #tpu.memory_space<vmem>>
        %dma_start3A_1783 = tpu.memref_slice %arg2[%dma_start3A_1772, %multiple_of3A, %multiple_of3A_1771] : memref<1x32x1000000xf32, #tpu.memory_space<hbm>> -> memref<1x8x128xf32, #tpu.memory_space<hbm>>
        %dma_start3A_1784 = tpu.memref_squeeze %dma_start3A_1783 : memref<1x8x128xf32, #tpu.memory_space<hbm>> -> memref<8x128xf32, #tpu.memory_space<hbm>>
        %dma_start3A_1785 = arith.constant 0 : i32
        %dma_start3A_1786 = arith.constant 0 : i32
        %dma_start3A_1787 = arith.constant 0 : i32
        %dma_start3A_1788 = tpu.memref_slice %arg5[%sub3A_1092, %dma_start3A_1785, %dma_start3A_1786, %dma_start3A_1787] : memref<2x32x8x128xf32, #tpu.memory_space<vmem>> -> memref<1x32x8x128xf32, #tpu.memory_space<vmem>>
        %dma_start3A_1789 = tpu.memref_squeeze %dma_start3A_1788 : memref<1x32x8x128xf32, #tpu.memory_space<vmem>> -> memref<32x8x128xf32, #tpu.memory_space<vmem>>
        %dma_start3A_1790 = arith.constant 0 : i32
        %dma_start3A_1791 = arith.constant 0 : i32
        %dma_start3A_1792 = tpu.memref_slice %dma_start3A_1789[%dma_start3A_1773, %dma_start3A_1790, %dma_start3A_1791] : memref<32x8x128xf32, #tpu.memory_space<vmem>> -> memref<1x8x128xf32, #tpu.memory_space<vmem>>
        %dma_start3A_1793 = tpu.memref_squeeze %dma_start3A_1792 : memref<1x8x128xf32, #tpu.memory_space<vmem>> -> memref<8x128xf32, #tpu.memory_space<vmem>>
        %dma_start3A_1794 = tpu.memref_slice %arg2[%dma_start3A_1772, %multiple_of3A, %multiple_of3A_1771] : memref<1x32x1000000xf32, #tpu.memory_space<hbm>> -> memref<1x8x128xf32, #tpu.memory_space<hbm>>
        %dma_start3A_1795 = tpu.memref_squeeze %dma_start3A_1794 : memref<1x8x128xf32, #tpu.memory_space<hbm>> -> memref<8x128xf32, #tpu.memory_space<hbm>>
        tpu.enqueue_dma source(%dma_start3A_1795 : memref<8x128xf32, #tpu.memory_space<hbm>>) target(%dma_start3A_1793 : memref<8x128xf32, #tpu.memory_space<vmem>>) target_semaphore(%arg7 : memref<!tpu.dma_semaphore, #tpu.memory_space<semaphore_mem>>)
        %add3A_1796 = arith.constant 24 : i32
        %add3A_1797 = arith.addi %min3A_1099, %add3A_1796 : i32
        %mul3A_1798 = arith.constant 128 : i32
        %mul3A_1799 = arith.muli %add3A_1797, %mul3A_1798 : i32
        %multiple_of3A_1800 = tpu.assume_multiple %mul3A_1799, 128 : i32
        %dma_start3A_1801 = arith.constant 0 : i32
        %dma_start3A_1802 = arith.constant 24 : i32
        %dma_start3A_1803 = arith.constant 0 : i32
        %dma_start3A_1804 = arith.constant 0 : i32
        %dma_start3A_1805 = arith.constant 0 : i32
        %dma_start3A_1806 = tpu.memref_slice %arg5[%sub3A_1092, %dma_start3A_1803, %dma_start3A_1804, %dma_start3A_1805] : memref<2x32x8x128xf32, #tpu.memory_space<vmem>> -> memref<1x32x8x128xf32, #tpu.memory_space<vmem>>
        %dma_start3A_1807 = tpu.memref_squeeze %dma_start3A_1806 : memref<1x32x8x128xf32, #tpu.memory_space<vmem>> -> memref<32x8x128xf32, #tpu.memory_space<vmem>>
        %dma_start3A_1808 = arith.constant 0 : i32
        %dma_start3A_1809 = arith.constant 0 : i32
        %dma_start3A_1810 = tpu.memref_slice %dma_start3A_1807[%dma_start3A_1802, %dma_start3A_1808, %dma_start3A_1809] : memref<32x8x128xf32, #tpu.memory_space<vmem>> -> memref<1x8x128xf32, #tpu.memory_space<vmem>>
        %dma_start3A_1811 = tpu.memref_squeeze %dma_start3A_1810 : memref<1x8x128xf32, #tpu.memory_space<vmem>> -> memref<8x128xf32, #tpu.memory_space<vmem>>
        %dma_start3A_1812 = tpu.memref_slice %arg2[%dma_start3A_1801, %multiple_of3A, %multiple_of3A_1800] : memref<1x32x1000000xf32, #tpu.memory_space<hbm>> -> memref<1x8x128xf32, #tpu.memory_space<hbm>>
        %dma_start3A_1813 = tpu.memref_squeeze %dma_start3A_1812 : memref<1x8x128xf32, #tpu.memory_space<hbm>> -> memref<8x128xf32, #tpu.memory_space<hbm>>
        %dma_start3A_1814 = arith.constant 0 : i32
        %dma_start3A_1815 = arith.constant 0 : i32
        %dma_start3A_1816 = arith.constant 0 : i32
        %dma_start3A_1817 = tpu.memref_slice %arg5[%sub3A_1092, %dma_start3A_1814, %dma_start3A_1815, %dma_start3A_1816] : memref<2x32x8x128xf32, #tpu.memory_space<vmem>> -> memref<1x32x8x128xf32, #tpu.memory_space<vmem>>
        %dma_start3A_1818 = tpu.memref_squeeze %dma_start3A_1817 : memref<1x32x8x128xf32, #tpu.memory_space<vmem>> -> memref<32x8x128xf32, #tpu.memory_space<vmem>>
        %dma_start3A_1819 = arith.constant 0 : i32
        %dma_start3A_1820 = arith.constant 0 : i32
        %dma_start3A_1821 = tpu.memref_slice %dma_start3A_1818[%dma_start3A_1802, %dma_start3A_1819, %dma_start3A_1820] : memref<32x8x128xf32, #tpu.memory_space<vmem>> -> memref<1x8x128xf32, #tpu.memory_space<vmem>>
        %dma_start3A_1822 = tpu.memref_squeeze %dma_start3A_1821 : memref<1x8x128xf32, #tpu.memory_space<vmem>> -> memref<8x128xf32, #tpu.memory_space<vmem>>
        %dma_start3A_1823 = tpu.memref_slice %arg2[%dma_start3A_1801, %multiple_of3A, %multiple_of3A_1800] : memref<1x32x1000000xf32, #tpu.memory_space<hbm>> -> memref<1x8x128xf32, #tpu.memory_space<hbm>>
        %dma_start3A_1824 = tpu.memref_squeeze %dma_start3A_1823 : memref<1x8x128xf32, #tpu.memory_space<hbm>> -> memref<8x128xf32, #tpu.memory_space<hbm>>
        tpu.enqueue_dma source(%dma_start3A_1824 : memref<8x128xf32, #tpu.memory_space<hbm>>) target(%dma_start3A_1822 : memref<8x128xf32, #tpu.memory_space<vmem>>) target_semaphore(%arg7 : memref<!tpu.dma_semaphore, #tpu.memory_space<semaphore_mem>>)
        %add3A_1825 = arith.constant 25 : i32
        %add3A_1826 = arith.addi %min3A_1099, %add3A_1825 : i32
        %mul3A_1827 = arith.constant 128 : i32
        %mul3A_1828 = arith.muli %add3A_1826, %mul3A_1827 : i32
        %multiple_of3A_1829 = tpu.assume_multiple %mul3A_1828, 128 : i32
        %dma_start3A_1830 = arith.constant 0 : i32
        %dma_start3A_1831 = arith.constant 25 : i32
        %dma_start3A_1832 = arith.constant 0 : i32
        %dma_start3A_1833 = arith.constant 0 : i32
        %dma_start3A_1834 = arith.constant 0 : i32
        %dma_start3A_1835 = tpu.memref_slice %arg5[%sub3A_1092, %dma_start3A_1832, %dma_start3A_1833, %dma_start3A_1834] : memref<2x32x8x128xf32, #tpu.memory_space<vmem>> -> memref<1x32x8x128xf32, #tpu.memory_space<vmem>>
        %dma_start3A_1836 = tpu.memref_squeeze %dma_start3A_1835 : memref<1x32x8x128xf32, #tpu.memory_space<vmem>> -> memref<32x8x128xf32, #tpu.memory_space<vmem>>
        %dma_start3A_1837 = arith.constant 0 : i32
        %dma_start3A_1838 = arith.constant 0 : i32
        %dma_start3A_1839 = tpu.memref_slice %dma_start3A_1836[%dma_start3A_1831, %dma_start3A_1837, %dma_start3A_1838] : memref<32x8x128xf32, #tpu.memory_space<vmem>> -> memref<1x8x128xf32, #tpu.memory_space<vmem>>
        %dma_start3A_1840 = tpu.memref_squeeze %dma_start3A_1839 : memref<1x8x128xf32, #tpu.memory_space<vmem>> -> memref<8x128xf32, #tpu.memory_space<vmem>>
        %dma_start3A_1841 = tpu.memref_slice %arg2[%dma_start3A_1830, %multiple_of3A, %multiple_of3A_1829] : memref<1x32x1000000xf32, #tpu.memory_space<hbm>> -> memref<1x8x128xf32, #tpu.memory_space<hbm>>
        %dma_start3A_1842 = tpu.memref_squeeze %dma_start3A_1841 : memref<1x8x128xf32, #tpu.memory_space<hbm>> -> memref<8x128xf32, #tpu.memory_space<hbm>>
        %dma_start3A_1843 = arith.constant 0 : i32
        %dma_start3A_1844 = arith.constant 0 : i32
        %dma_start3A_1845 = arith.constant 0 : i32
        %dma_start3A_1846 = tpu.memref_slice %arg5[%sub3A_1092, %dma_start3A_1843, %dma_start3A_1844, %dma_start3A_1845] : memref<2x32x8x128xf32, #tpu.memory_space<vmem>> -> memref<1x32x8x128xf32, #tpu.memory_space<vmem>>
        %dma_start3A_1847 = tpu.memref_squeeze %dma_start3A_1846 : memref<1x32x8x128xf32, #tpu.memory_space<vmem>> -> memref<32x8x128xf32, #tpu.memory_space<vmem>>
        %dma_start3A_1848 = arith.constant 0 : i32
        %dma_start3A_1849 = arith.constant 0 : i32
        %dma_start3A_1850 = tpu.memref_slice %dma_start3A_1847[%dma_start3A_1831, %dma_start3A_1848, %dma_start3A_1849] : memref<32x8x128xf32, #tpu.memory_space<vmem>> -> memref<1x8x128xf32, #tpu.memory_space<vmem>>
        %dma_start3A_1851 = tpu.memref_squeeze %dma_start3A_1850 : memref<1x8x128xf32, #tpu.memory_space<vmem>> -> memref<8x128xf32, #tpu.memory_space<vmem>>
        %dma_start3A_1852 = tpu.memref_slice %arg2[%dma_start3A_1830, %multiple_of3A, %multiple_of3A_1829] : memref<1x32x1000000xf32, #tpu.memory_space<hbm>> -> memref<1x8x128xf32, #tpu.memory_space<hbm>>
        %dma_start3A_1853 = tpu.memref_squeeze %dma_start3A_1852 : memref<1x8x128xf32, #tpu.memory_space<hbm>> -> memref<8x128xf32, #tpu.memory_space<hbm>>
        tpu.enqueue_dma source(%dma_start3A_1853 : memref<8x128xf32, #tpu.memory_space<hbm>>) target(%dma_start3A_1851 : memref<8x128xf32, #tpu.memory_space<vmem>>) target_semaphore(%arg7 : memref<!tpu.dma_semaphore, #tpu.memory_space<semaphore_mem>>)
        %add3A_1854 = arith.constant 26 : i32
        %add3A_1855 = arith.addi %min3A_1099, %add3A_1854 : i32
        %mul3A_1856 = arith.constant 128 : i32
        %mul3A_1857 = arith.muli %add3A_1855, %mul3A_1856 : i32
        %multiple_of3A_1858 = tpu.assume_multiple %mul3A_1857, 128 : i32
        %dma_start3A_1859 = arith.constant 0 : i32
        %dma_start3A_1860 = arith.constant 26 : i32
        %dma_start3A_1861 = arith.constant 0 : i32
        %dma_start3A_1862 = arith.constant 0 : i32
        %dma_start3A_1863 = arith.constant 0 : i32
        %dma_start3A_1864 = tpu.memref_slice %arg5[%sub3A_1092, %dma_start3A_1861, %dma_start3A_1862, %dma_start3A_1863] : memref<2x32x8x128xf32, #tpu.memory_space<vmem>> -> memref<1x32x8x128xf32, #tpu.memory_space<vmem>>
        %dma_start3A_1865 = tpu.memref_squeeze %dma_start3A_1864 : memref<1x32x8x128xf32, #tpu.memory_space<vmem>> -> memref<32x8x128xf32, #tpu.memory_space<vmem>>
        %dma_start3A_1866 = arith.constant 0 : i32
        %dma_start3A_1867 = arith.constant 0 : i32
        %dma_start3A_1868 = tpu.memref_slice %dma_start3A_1865[%dma_start3A_1860, %dma_start3A_1866, %dma_start3A_1867] : memref<32x8x128xf32, #tpu.memory_space<vmem>> -> memref<1x8x128xf32, #tpu.memory_space<vmem>>
        %dma_start3A_1869 = tpu.memref_squeeze %dma_start3A_1868 : memref<1x8x128xf32, #tpu.memory_space<vmem>> -> memref<8x128xf32, #tpu.memory_space<vmem>>
        %dma_start3A_1870 = tpu.memref_slice %arg2[%dma_start3A_1859, %multiple_of3A, %multiple_of3A_1858] : memref<1x32x1000000xf32, #tpu.memory_space<hbm>> -> memref<1x8x128xf32, #tpu.memory_space<hbm>>
        %dma_start3A_1871 = tpu.memref_squeeze %dma_start3A_1870 : memref<1x8x128xf32, #tpu.memory_space<hbm>> -> memref<8x128xf32, #tpu.memory_space<hbm>>
        %dma_start3A_1872 = arith.constant 0 : i32
        %dma_start3A_1873 = arith.constant 0 : i32
        %dma_start3A_1874 = arith.constant 0 : i32
        %dma_start3A_1875 = tpu.memref_slice %arg5[%sub3A_1092, %dma_start3A_1872, %dma_start3A_1873, %dma_start3A_1874] : memref<2x32x8x128xf32, #tpu.memory_space<vmem>> -> memref<1x32x8x128xf32, #tpu.memory_space<vmem>>
        %dma_start3A_1876 = tpu.memref_squeeze %dma_start3A_1875 : memref<1x32x8x128xf32, #tpu.memory_space<vmem>> -> memref<32x8x128xf32, #tpu.memory_space<vmem>>
        %dma_start3A_1877 = arith.constant 0 : i32
        %dma_start3A_1878 = arith.constant 0 : i32
        %dma_start3A_1879 = tpu.memref_slice %dma_start3A_1876[%dma_start3A_1860, %dma_start3A_1877, %dma_start3A_1878] : memref<32x8x128xf32, #tpu.memory_space<vmem>> -> memref<1x8x128xf32, #tpu.memory_space<vmem>>
        %dma_start3A_1880 = tpu.memref_squeeze %dma_start3A_1879 : memref<1x8x128xf32, #tpu.memory_space<vmem>> -> memref<8x128xf32, #tpu.memory_space<vmem>>
        %dma_start3A_1881 = tpu.memref_slice %arg2[%dma_start3A_1859, %multiple_of3A, %multiple_of3A_1858] : memref<1x32x1000000xf32, #tpu.memory_space<hbm>> -> memref<1x8x128xf32, #tpu.memory_space<hbm>>
        %dma_start3A_1882 = tpu.memref_squeeze %dma_start3A_1881 : memref<1x8x128xf32, #tpu.memory_space<hbm>> -> memref<8x128xf32, #tpu.memory_space<hbm>>
        tpu.enqueue_dma source(%dma_start3A_1882 : memref<8x128xf32, #tpu.memory_space<hbm>>) target(%dma_start3A_1880 : memref<8x128xf32, #tpu.memory_space<vmem>>) target_semaphore(%arg7 : memref<!tpu.dma_semaphore, #tpu.memory_space<semaphore_mem>>)
        %add3A_1883 = arith.constant 27 : i32
        %add3A_1884 = arith.addi %min3A_1099, %add3A_1883 : i32
        %mul3A_1885 = arith.constant 128 : i32
        %mul3A_1886 = arith.muli %add3A_1884, %mul3A_1885 : i32
        %multiple_of3A_1887 = tpu.assume_multiple %mul3A_1886, 128 : i32
        %dma_start3A_1888 = arith.constant 0 : i32
        %dma_start3A_1889 = arith.constant 27 : i32
        %dma_start3A_1890 = arith.constant 0 : i32
        %dma_start3A_1891 = arith.constant 0 : i32
        %dma_start3A_1892 = arith.constant 0 : i32
        %dma_start3A_1893 = tpu.memref_slice %arg5[%sub3A_1092, %dma_start3A_1890, %dma_start3A_1891, %dma_start3A_1892] : memref<2x32x8x128xf32, #tpu.memory_space<vmem>> -> memref<1x32x8x128xf32, #tpu.memory_space<vmem>>
        %dma_start3A_1894 = tpu.memref_squeeze %dma_start3A_1893 : memref<1x32x8x128xf32, #tpu.memory_space<vmem>> -> memref<32x8x128xf32, #tpu.memory_space<vmem>>
        %dma_start3A_1895 = arith.constant 0 : i32
        %dma_start3A_1896 = arith.constant 0 : i32
        %dma_start3A_1897 = tpu.memref_slice %dma_start3A_1894[%dma_start3A_1889, %dma_start3A_1895, %dma_start3A_1896] : memref<32x8x128xf32, #tpu.memory_space<vmem>> -> memref<1x8x128xf32, #tpu.memory_space<vmem>>
        %dma_start3A_1898 = tpu.memref_squeeze %dma_start3A_1897 : memref<1x8x128xf32, #tpu.memory_space<vmem>> -> memref<8x128xf32, #tpu.memory_space<vmem>>
        %dma_start3A_1899 = tpu.memref_slice %arg2[%dma_start3A_1888, %multiple_of3A, %multiple_of3A_1887] : memref<1x32x1000000xf32, #tpu.memory_space<hbm>> -> memref<1x8x128xf32, #tpu.memory_space<hbm>>
        %dma_start3A_1900 = tpu.memref_squeeze %dma_start3A_1899 : memref<1x8x128xf32, #tpu.memory_space<hbm>> -> memref<8x128xf32, #tpu.memory_space<hbm>>
        %dma_start3A_1901 = arith.constant 0 : i32
        %dma_start3A_1902 = arith.constant 0 : i32
        %dma_start3A_1903 = arith.constant 0 : i32
        %dma_start3A_1904 = tpu.memref_slice %arg5[%sub3A_1092, %dma_start3A_1901, %dma_start3A_1902, %dma_start3A_1903] : memref<2x32x8x128xf32, #tpu.memory_space<vmem>> -> memref<1x32x8x128xf32, #tpu.memory_space<vmem>>
        %dma_start3A_1905 = tpu.memref_squeeze %dma_start3A_1904 : memref<1x32x8x128xf32, #tpu.memory_space<vmem>> -> memref<32x8x128xf32, #tpu.memory_space<vmem>>
        %dma_start3A_1906 = arith.constant 0 : i32
        %dma_start3A_1907 = arith.constant 0 : i32
        %dma_start3A_1908 = tpu.memref_slice %dma_start3A_1905[%dma_start3A_1889, %dma_start3A_1906, %dma_start3A_1907] : memref<32x8x128xf32, #tpu.memory_space<vmem>> -> memref<1x8x128xf32, #tpu.memory_space<vmem>>
        %dma_start3A_1909 = tpu.memref_squeeze %dma_start3A_1908 : memref<1x8x128xf32, #tpu.memory_space<vmem>> -> memref<8x128xf32, #tpu.memory_space<vmem>>
        %dma_start3A_1910 = tpu.memref_slice %arg2[%dma_start3A_1888, %multiple_of3A, %multiple_of3A_1887] : memref<1x32x1000000xf32, #tpu.memory_space<hbm>> -> memref<1x8x128xf32, #tpu.memory_space<hbm>>
        %dma_start3A_1911 = tpu.memref_squeeze %dma_start3A_1910 : memref<1x8x128xf32, #tpu.memory_space<hbm>> -> memref<8x128xf32, #tpu.memory_space<hbm>>
        tpu.enqueue_dma source(%dma_start3A_1911 : memref<8x128xf32, #tpu.memory_space<hbm>>) target(%dma_start3A_1909 : memref<8x128xf32, #tpu.memory_space<vmem>>) target_semaphore(%arg7 : memref<!tpu.dma_semaphore, #tpu.memory_space<semaphore_mem>>)
        %add3A_1912 = arith.constant 28 : i32
        %add3A_1913 = arith.addi %min3A_1099, %add3A_1912 : i32
        %mul3A_1914 = arith.constant 128 : i32
        %mul3A_1915 = arith.muli %add3A_1913, %mul3A_1914 : i32
        %multiple_of3A_1916 = tpu.assume_multiple %mul3A_1915, 128 : i32
        %dma_start3A_1917 = arith.constant 0 : i32
        %dma_start3A_1918 = arith.constant 28 : i32
        %dma_start3A_1919 = arith.constant 0 : i32
        %dma_start3A_1920 = arith.constant 0 : i32
        %dma_start3A_1921 = arith.constant 0 : i32
        %dma_start3A_1922 = tpu.memref_slice %arg5[%sub3A_1092, %dma_start3A_1919, %dma_start3A_1920, %dma_start3A_1921] : memref<2x32x8x128xf32, #tpu.memory_space<vmem>> -> memref<1x32x8x128xf32, #tpu.memory_space<vmem>>
        %dma_start3A_1923 = tpu.memref_squeeze %dma_start3A_1922 : memref<1x32x8x128xf32, #tpu.memory_space<vmem>> -> memref<32x8x128xf32, #tpu.memory_space<vmem>>
        %dma_start3A_1924 = arith.constant 0 : i32
        %dma_start3A_1925 = arith.constant 0 : i32
        %dma_start3A_1926 = tpu.memref_slice %dma_start3A_1923[%dma_start3A_1918, %dma_start3A_1924, %dma_start3A_1925] : memref<32x8x128xf32, #tpu.memory_space<vmem>> -> memref<1x8x128xf32, #tpu.memory_space<vmem>>
        %dma_start3A_1927 = tpu.memref_squeeze %dma_start3A_1926 : memref<1x8x128xf32, #tpu.memory_space<vmem>> -> memref<8x128xf32, #tpu.memory_space<vmem>>
        %dma_start3A_1928 = tpu.memref_slice %arg2[%dma_start3A_1917, %multiple_of3A, %multiple_of3A_1916] : memref<1x32x1000000xf32, #tpu.memory_space<hbm>> -> memref<1x8x128xf32, #tpu.memory_space<hbm>>
        %dma_start3A_1929 = tpu.memref_squeeze %dma_start3A_1928 : memref<1x8x128xf32, #tpu.memory_space<hbm>> -> memref<8x128xf32, #tpu.memory_space<hbm>>
        %dma_start3A_1930 = arith.constant 0 : i32
        %dma_start3A_1931 = arith.constant 0 : i32
        %dma_start3A_1932 = arith.constant 0 : i32
        %dma_start3A_1933 = tpu.memref_slice %arg5[%sub3A_1092, %dma_start3A_1930, %dma_start3A_1931, %dma_start3A_1932] : memref<2x32x8x128xf32, #tpu.memory_space<vmem>> -> memref<1x32x8x128xf32, #tpu.memory_space<vmem>>
        %dma_start3A_1934 = tpu.memref_squeeze %dma_start3A_1933 : memref<1x32x8x128xf32, #tpu.memory_space<vmem>> -> memref<32x8x128xf32, #tpu.memory_space<vmem>>
        %dma_start3A_1935 = arith.constant 0 : i32
        %dma_start3A_1936 = arith.constant 0 : i32
        %dma_start3A_1937 = tpu.memref_slice %dma_start3A_1934[%dma_start3A_1918, %dma_start3A_1935, %dma_start3A_1936] : memref<32x8x128xf32, #tpu.memory_space<vmem>> -> memref<1x8x128xf32, #tpu.memory_space<vmem>>
        %dma_start3A_1938 = tpu.memref_squeeze %dma_start3A_1937 : memref<1x8x128xf32, #tpu.memory_space<vmem>> -> memref<8x128xf32, #tpu.memory_space<vmem>>
        %dma_start3A_1939 = tpu.memref_slice %arg2[%dma_start3A_1917, %multiple_of3A, %multiple_of3A_1916] : memref<1x32x1000000xf32, #tpu.memory_space<hbm>> -> memref<1x8x128xf32, #tpu.memory_space<hbm>>
        %dma_start3A_1940 = tpu.memref_squeeze %dma_start3A_1939 : memref<1x8x128xf32, #tpu.memory_space<hbm>> -> memref<8x128xf32, #tpu.memory_space<hbm>>
        tpu.enqueue_dma source(%dma_start3A_1940 : memref<8x128xf32, #tpu.memory_space<hbm>>) target(%dma_start3A_1938 : memref<8x128xf32, #tpu.memory_space<vmem>>) target_semaphore(%arg7 : memref<!tpu.dma_semaphore, #tpu.memory_space<semaphore_mem>>)
        %add3A_1941 = arith.constant 29 : i32
        %add3A_1942 = arith.addi %min3A_1099, %add3A_1941 : i32
        %mul3A_1943 = arith.constant 128 : i32
        %mul3A_1944 = arith.muli %add3A_1942, %mul3A_1943 : i32
        %multiple_of3A_1945 = tpu.assume_multiple %mul3A_1944, 128 : i32
        %dma_start3A_1946 = arith.constant 0 : i32
        %dma_start3A_1947 = arith.constant 29 : i32
        %dma_start3A_1948 = arith.constant 0 : i32
        %dma_start3A_1949 = arith.constant 0 : i32
        %dma_start3A_1950 = arith.constant 0 : i32
        %dma_start3A_1951 = tpu.memref_slice %arg5[%sub3A_1092, %dma_start3A_1948, %dma_start3A_1949, %dma_start3A_1950] : memref<2x32x8x128xf32, #tpu.memory_space<vmem>> -> memref<1x32x8x128xf32, #tpu.memory_space<vmem>>
        %dma_start3A_1952 = tpu.memref_squeeze %dma_start3A_1951 : memref<1x32x8x128xf32, #tpu.memory_space<vmem>> -> memref<32x8x128xf32, #tpu.memory_space<vmem>>
        %dma_start3A_1953 = arith.constant 0 : i32
        %dma_start3A_1954 = arith.constant 0 : i32
        %dma_start3A_1955 = tpu.memref_slice %dma_start3A_1952[%dma_start3A_1947, %dma_start3A_1953, %dma_start3A_1954] : memref<32x8x128xf32, #tpu.memory_space<vmem>> -> memref<1x8x128xf32, #tpu.memory_space<vmem>>
        %dma_start3A_1956 = tpu.memref_squeeze %dma_start3A_1955 : memref<1x8x128xf32, #tpu.memory_space<vmem>> -> memref<8x128xf32, #tpu.memory_space<vmem>>
        %dma_start3A_1957 = tpu.memref_slice %arg2[%dma_start3A_1946, %multiple_of3A, %multiple_of3A_1945] : memref<1x32x1000000xf32, #tpu.memory_space<hbm>> -> memref<1x8x128xf32, #tpu.memory_space<hbm>>
        %dma_start3A_1958 = tpu.memref_squeeze %dma_start3A_1957 : memref<1x8x128xf32, #tpu.memory_space<hbm>> -> memref<8x128xf32, #tpu.memory_space<hbm>>
        %dma_start3A_1959 = arith.constant 0 : i32
        %dma_start3A_1960 = arith.constant 0 : i32
        %dma_start3A_1961 = arith.constant 0 : i32
        %dma_start3A_1962 = tpu.memref_slice %arg5[%sub3A_1092, %dma_start3A_1959, %dma_start3A_1960, %dma_start3A_1961] : memref<2x32x8x128xf32, #tpu.memory_space<vmem>> -> memref<1x32x8x128xf32, #tpu.memory_space<vmem>>
        %dma_start3A_1963 = tpu.memref_squeeze %dma_start3A_1962 : memref<1x32x8x128xf32, #tpu.memory_space<vmem>> -> memref<32x8x128xf32, #tpu.memory_space<vmem>>
        %dma_start3A_1964 = arith.constant 0 : i32
        %dma_start3A_1965 = arith.constant 0 : i32
        %dma_start3A_1966 = tpu.memref_slice %dma_start3A_1963[%dma_start3A_1947, %dma_start3A_1964, %dma_start3A_1965] : memref<32x8x128xf32, #tpu.memory_space<vmem>> -> memref<1x8x128xf32, #tpu.memory_space<vmem>>
        %dma_start3A_1967 = tpu.memref_squeeze %dma_start3A_1966 : memref<1x8x128xf32, #tpu.memory_space<vmem>> -> memref<8x128xf32, #tpu.memory_space<vmem>>
        %dma_start3A_1968 = tpu.memref_slice %arg2[%dma_start3A_1946, %multiple_of3A, %multiple_of3A_1945] : memref<1x32x1000000xf32, #tpu.memory_space<hbm>> -> memref<1x8x128xf32, #tpu.memory_space<hbm>>
        %dma_start3A_1969 = tpu.memref_squeeze %dma_start3A_1968 : memref<1x8x128xf32, #tpu.memory_space<hbm>> -> memref<8x128xf32, #tpu.memory_space<hbm>>
        tpu.enqueue_dma source(%dma_start3A_1969 : memref<8x128xf32, #tpu.memory_space<hbm>>) target(%dma_start3A_1967 : memref<8x128xf32, #tpu.memory_space<vmem>>) target_semaphore(%arg7 : memref<!tpu.dma_semaphore, #tpu.memory_space<semaphore_mem>>)
        %add3A_1970 = arith.constant 30 : i32
        %add3A_1971 = arith.addi %min3A_1099, %add3A_1970 : i32
        %mul3A_1972 = arith.constant 128 : i32
        %mul3A_1973 = arith.muli %add3A_1971, %mul3A_1972 : i32
        %multiple_of3A_1974 = tpu.assume_multiple %mul3A_1973, 128 : i32
        %dma_start3A_1975 = arith.constant 0 : i32
        %dma_start3A_1976 = arith.constant 30 : i32
        %dma_start3A_1977 = arith.constant 0 : i32
        %dma_start3A_1978 = arith.constant 0 : i32
        %dma_start3A_1979 = arith.constant 0 : i32
        %dma_start3A_1980 = tpu.memref_slice %arg5[%sub3A_1092, %dma_start3A_1977, %dma_start3A_1978, %dma_start3A_1979] : memref<2x32x8x128xf32, #tpu.memory_space<vmem>> -> memref<1x32x8x128xf32, #tpu.memory_space<vmem>>
        %dma_start3A_1981 = tpu.memref_squeeze %dma_start3A_1980 : memref<1x32x8x128xf32, #tpu.memory_space<vmem>> -> memref<32x8x128xf32, #tpu.memory_space<vmem>>
        %dma_start3A_1982 = arith.constant 0 : i32
        %dma_start3A_1983 = arith.constant 0 : i32
        %dma_start3A_1984 = tpu.memref_slice %dma_start3A_1981[%dma_start3A_1976, %dma_start3A_1982, %dma_start3A_1983] : memref<32x8x128xf32, #tpu.memory_space<vmem>> -> memref<1x8x128xf32, #tpu.memory_space<vmem>>
        %dma_start3A_1985 = tpu.memref_squeeze %dma_start3A_1984 : memref<1x8x128xf32, #tpu.memory_space<vmem>> -> memref<8x128xf32, #tpu.memory_space<vmem>>
        %dma_start3A_1986 = tpu.memref_slice %arg2[%dma_start3A_1975, %multiple_of3A, %multiple_of3A_1974] : memref<1x32x1000000xf32, #tpu.memory_space<hbm>> -> memref<1x8x128xf32, #tpu.memory_space<hbm>>
        %dma_start3A_1987 = tpu.memref_squeeze %dma_start3A_1986 : memref<1x8x128xf32, #tpu.memory_space<hbm>> -> memref<8x128xf32, #tpu.memory_space<hbm>>
        %dma_start3A_1988 = arith.constant 0 : i32
        %dma_start3A_1989 = arith.constant 0 : i32
        %dma_start3A_1990 = arith.constant 0 : i32
        %dma_start3A_1991 = tpu.memref_slice %arg5[%sub3A_1092, %dma_start3A_1988, %dma_start3A_1989, %dma_start3A_1990] : memref<2x32x8x128xf32, #tpu.memory_space<vmem>> -> memref<1x32x8x128xf32, #tpu.memory_space<vmem>>
        %dma_start3A_1992 = tpu.memref_squeeze %dma_start3A_1991 : memref<1x32x8x128xf32, #tpu.memory_space<vmem>> -> memref<32x8x128xf32, #tpu.memory_space<vmem>>
        %dma_start3A_1993 = arith.constant 0 : i32
        %dma_start3A_1994 = arith.constant 0 : i32
        %dma_start3A_1995 = tpu.memref_slice %dma_start3A_1992[%dma_start3A_1976, %dma_start3A_1993, %dma_start3A_1994] : memref<32x8x128xf32, #tpu.memory_space<vmem>> -> memref<1x8x128xf32, #tpu.memory_space<vmem>>
        %dma_start3A_1996 = tpu.memref_squeeze %dma_start3A_1995 : memref<1x8x128xf32, #tpu.memory_space<vmem>> -> memref<8x128xf32, #tpu.memory_space<vmem>>
        %dma_start3A_1997 = tpu.memref_slice %arg2[%dma_start3A_1975, %multiple_of3A, %multiple_of3A_1974] : memref<1x32x1000000xf32, #tpu.memory_space<hbm>> -> memref<1x8x128xf32, #tpu.memory_space<hbm>>
        %dma_start3A_1998 = tpu.memref_squeeze %dma_start3A_1997 : memref<1x8x128xf32, #tpu.memory_space<hbm>> -> memref<8x128xf32, #tpu.memory_space<hbm>>
        tpu.enqueue_dma source(%dma_start3A_1998 : memref<8x128xf32, #tpu.memory_space<hbm>>) target(%dma_start3A_1996 : memref<8x128xf32, #tpu.memory_space<vmem>>) target_semaphore(%arg7 : memref<!tpu.dma_semaphore, #tpu.memory_space<semaphore_mem>>)
        %add3A_1999 = arith.constant 31 : i32
        %add3A_2000 = arith.addi %min3A_1099, %add3A_1999 : i32
        %mul3A_2001 = arith.constant 128 : i32
        %mul3A_2002 = arith.muli %add3A_2000, %mul3A_2001 : i32
        %multiple_of3A_2003 = tpu.assume_multiple %mul3A_2002, 128 : i32
        %dma_start3A_2004 = arith.constant 0 : i32
        %dma_start3A_2005 = arith.constant 31 : i32
        %dma_start3A_2006 = arith.constant 0 : i32
        %dma_start3A_2007 = arith.constant 0 : i32
        %dma_start3A_2008 = arith.constant 0 : i32
        %dma_start3A_2009 = tpu.memref_slice %arg5[%sub3A_1092, %dma_start3A_2006, %dma_start3A_2007, %dma_start3A_2008] : memref<2x32x8x128xf32, #tpu.memory_space<vmem>> -> memref<1x32x8x128xf32, #tpu.memory_space<vmem>>
        %dma_start3A_2010 = tpu.memref_squeeze %dma_start3A_2009 : memref<1x32x8x128xf32, #tpu.memory_space<vmem>> -> memref<32x8x128xf32, #tpu.memory_space<vmem>>
        %dma_start3A_2011 = arith.constant 0 : i32
        %dma_start3A_2012 = arith.constant 0 : i32
        %dma_start3A_2013 = tpu.memref_slice %dma_start3A_2010[%dma_start3A_2005, %dma_start3A_2011, %dma_start3A_2012] : memref<32x8x128xf32, #tpu.memory_space<vmem>> -> memref<1x8x128xf32, #tpu.memory_space<vmem>>
        %dma_start3A_2014 = tpu.memref_squeeze %dma_start3A_2013 : memref<1x8x128xf32, #tpu.memory_space<vmem>> -> memref<8x128xf32, #tpu.memory_space<vmem>>
        %dma_start3A_2015 = tpu.memref_slice %arg2[%dma_start3A_2004, %multiple_of3A, %multiple_of3A_2003] : memref<1x32x1000000xf32, #tpu.memory_space<hbm>> -> memref<1x8x128xf32, #tpu.memory_space<hbm>>
        %dma_start3A_2016 = tpu.memref_squeeze %dma_start3A_2015 : memref<1x8x128xf32, #tpu.memory_space<hbm>> -> memref<8x128xf32, #tpu.memory_space<hbm>>
        %dma_start3A_2017 = arith.constant 0 : i32
        %dma_start3A_2018 = arith.constant 0 : i32
        %dma_start3A_2019 = arith.constant 0 : i32
        %dma_start3A_2020 = tpu.memref_slice %arg5[%sub3A_1092, %dma_start3A_2017, %dma_start3A_2018, %dma_start3A_2019] : memref<2x32x8x128xf32, #tpu.memory_space<vmem>> -> memref<1x32x8x128xf32, #tpu.memory_space<vmem>>
        %dma_start3A_2021 = tpu.memref_squeeze %dma_start3A_2020 : memref<1x32x8x128xf32, #tpu.memory_space<vmem>> -> memref<32x8x128xf32, #tpu.memory_space<vmem>>
        %dma_start3A_2022 = arith.constant 0 : i32
        %dma_start3A_2023 = arith.constant 0 : i32
        %dma_start3A_2024 = tpu.memref_slice %dma_start3A_2021[%dma_start3A_2005, %dma_start3A_2022, %dma_start3A_2023] : memref<32x8x128xf32, #tpu.memory_space<vmem>> -> memref<1x8x128xf32, #tpu.memory_space<vmem>>
        %dma_start3A_2025 = tpu.memref_squeeze %dma_start3A_2024 : memref<1x8x128xf32, #tpu.memory_space<vmem>> -> memref<8x128xf32, #tpu.memory_space<vmem>>
        %dma_start3A_2026 = tpu.memref_slice %arg2[%dma_start3A_2004, %multiple_of3A, %multiple_of3A_2003] : memref<1x32x1000000xf32, #tpu.memory_space<hbm>> -> memref<1x8x128xf32, #tpu.memory_space<hbm>>
        %dma_start3A_2027 = tpu.memref_squeeze %dma_start3A_2026 : memref<1x8x128xf32, #tpu.memory_space<hbm>> -> memref<8x128xf32, #tpu.memory_space<hbm>>
        tpu.enqueue_dma source(%dma_start3A_2027 : memref<8x128xf32, #tpu.memory_space<hbm>>) target(%dma_start3A_2025 : memref<8x128xf32, #tpu.memory_space<vmem>>) target_semaphore(%arg7 : memref<!tpu.dma_semaphore, #tpu.memory_space<semaphore_mem>>)
      } else {
      }
      %mul3A_1063 = arith.constant 7813 : i32
      %mul3A_1064 = arith.muli %select_n3A, %mul3A_1063 : i32
      %mul3A_1065 = arith.constant 977 : i32
      %mul3A_1066 = arith.muli %select_n3A_30, %mul3A_1065 : i32
      %mul3A_1067 = arith.constant 32 : i32
      %mul3A_1068 = arith.muli %scan3A_1033, %mul3A_1067 : i32
      %add3A_1069 = arith.addi %mul3A_1066, %mul3A_1068 : i32
      %min3A_1070 = arith.constant 7780 : i32
      %min3A_1071 = arith.minsi %add3A_1069, %min3A_1070 : i32
      %add3A_1072 = arith.addi %mul3A_1064, %min3A_1071 : i32
      %dma_start3A_1073 = arith.constant 0 : i32
      %dma_start3A_1074 = arith.constant 0 : i32
      %dma_start3A_1075 = arith.constant 0 : i32
      %dma_start3A_1076 = tpu.memref_slice %arg5[%and3A_1035, %dma_start3A_1073, %dma_start3A_1074, %dma_start3A_1075] : memref<2x32x8x128xf32, #tpu.memory_space<vmem>> -> memref<1x32x8x128xf32, #tpu.memory_space<vmem>>
      %dma_start3A_1077 = tpu.memref_squeeze %dma_start3A_1076 : memref<1x32x8x128xf32, #tpu.memory_space<vmem>> -> memref<32x8x128xf32, #tpu.memory_space<vmem>>
      %dma_start3A_1078 = arith.constant 0 : i32
      %dma_start3A_1079 = arith.constant 0 : i32
      %dma_start3A_1080 = tpu.memref_slice %arg4[%add3A_1072, %dma_start3A_1078, %dma_start3A_1079] : memref<31252x8x128xf32, #tpu.memory_space<hbm>> -> memref<32x8x128xf32, #tpu.memory_space<hbm>>
      %dma_start3A_1081 = arith.constant 0 : i32
      %dma_start3A_1082 = arith.constant 0 : i32
      %dma_start3A_1083 = tpu.memref_slice %arg4[%add3A_1072, %dma_start3A_1081, %dma_start3A_1082] : memref<31252x8x128xf32, #tpu.memory_space<hbm>> -> memref<32x8x128xf32, #tpu.memory_space<hbm>>
      %dma_start3A_1084 = arith.constant 0 : i32
      %dma_start3A_1085 = arith.constant 0 : i32
      %dma_start3A_1086 = arith.constant 0 : i32
      %dma_start3A_1087 = tpu.memref_slice %arg5[%and3A_1035, %dma_start3A_1084, %dma_start3A_1085, %dma_start3A_1086] : memref<2x32x8x128xf32, #tpu.memory_space<vmem>> -> memref<1x32x8x128xf32, #tpu.memory_space<vmem>>
      %dma_start3A_1088 = tpu.memref_squeeze %dma_start3A_1087 : memref<1x32x8x128xf32, #tpu.memory_space<vmem>> -> memref<32x8x128xf32, #tpu.memory_space<vmem>>
      tpu.enqueue_dma source(%dma_start3A_1088 : memref<32x8x128xf32, #tpu.memory_space<vmem>>) target(%dma_start3A_1083 : memref<32x8x128xf32, #tpu.memory_space<hbm>>) target_semaphore(%arg8 : memref<!tpu.dma_semaphore, #tpu.memory_space<semaphore_mem>>)
    }
    %scan3A_1001 = arith.constant 31 : i32
    %mul3A_1002 = arith.constant 7813 : i32
    %mul3A_1003 = arith.muli %select_n3A, %mul3A_1002 : i32
    %mul3A_1004 = arith.constant 977 : i32
    %mul3A_1005 = arith.muli %select_n3A_30, %mul3A_1004 : i32
    %add3A_1006 = arith.constant 960 : i32
    %add3A_1007 = arith.addi %mul3A_1005, %add3A_1006 : i32
    %min3A_1008 = arith.constant 7780 : i32
    %min3A_1009 = arith.minsi %add3A_1007, %min3A_1008 : i32
    %add3A_1010 = arith.addi %mul3A_1003, %min3A_1009 : i32
    %dma_wait3A = arith.constant 0 : i32
    %dma_wait3A_1011 = arith.constant 0 : i32
    %dma_wait3A_1012 = arith.constant 0 : i32
    %dma_wait3A_1013 = arith.constant 0 : i32
    %dma_wait3A_1014 = tpu.memref_slice %arg5[%dma_wait3A, %dma_wait3A_1011, %dma_wait3A_1012, %dma_wait3A_1013] : memref<2x32x8x128xf32, #tpu.memory_space<vmem>> -> memref<1x32x8x128xf32, #tpu.memory_space<vmem>>
    %dma_wait3A_1015 = tpu.memref_squeeze %dma_wait3A_1014 : memref<1x32x8x128xf32, #tpu.memory_space<vmem>> -> memref<32x8x128xf32, #tpu.memory_space<vmem>>
    %dma_wait3A_1016 = arith.constant 0 : i32
    %dma_wait3A_1017 = arith.constant 0 : i32
    %dma_wait3A_1018 = tpu.memref_slice %arg4[%add3A_1010, %dma_wait3A_1016, %dma_wait3A_1017] : memref<31252x8x128xf32, #tpu.memory_space<hbm>> -> memref<32x8x128xf32, #tpu.memory_space<hbm>>
    %dma_wait3A_1019 = arith.constant 0 : i32
    %dma_wait3A_1020 = arith.constant 0 : i32
    %dma_wait3A_1021 = tpu.memref_slice %arg4[%add3A_1010, %dma_wait3A_1019, %dma_wait3A_1020] : memref<31252x8x128xf32, #tpu.memory_space<hbm>> -> memref<32x8x128xf32, #tpu.memory_space<hbm>>
    %dma_wait3A_1022 = arith.constant 0 : i32
    %dma_wait3A_1023 = arith.constant 0 : i32
    %dma_wait3A_1024 = arith.constant 0 : i32
    %dma_wait3A_1025 = tpu.memref_slice %arg5[%dma_wait3A, %dma_wait3A_1022, %dma_wait3A_1023, %dma_wait3A_1024] : memref<2x32x8x128xf32, #tpu.memory_space<vmem>> -> memref<1x32x8x128xf32, #tpu.memory_space<vmem>>
    %dma_wait3A_1026 = tpu.memref_squeeze %dma_wait3A_1025 : memref<1x32x8x128xf32, #tpu.memory_space<vmem>> -> memref<32x8x128xf32, #tpu.memory_space<vmem>>
    tpu.wait_dma2 semaphore(%arg8 : memref<!tpu.dma_semaphore, #tpu.memory_space<semaphore_mem>>) src(%dma_wait3A_1026 : memref<32x8x128xf32, #tpu.memory_space<vmem>>) dst(%dma_wait3A_1021 : memref<32x8x128xf32, #tpu.memory_space<hbm>>)
    "tpu.region"() ({
      %run_scoped3A = tpu.sem_alloc : memref<!tpu.dma_semaphore, #tpu.memory_space<semaphore_mem>>
      tpu.enqueue_dma source(%arg3 : memref<32x128xf32, #tpu.memory_space<hbm>>) target(%arg6 : memref<32x128xf32, #tpu.memory_space<vmem>>) target_semaphore(%run_scoped3A : memref<!tpu.dma_semaphore, #tpu.memory_space<semaphore_mem>>)
      tpu.wait_dma2 semaphore(%run_scoped3A : memref<!tpu.dma_semaphore, #tpu.memory_space<semaphore_mem>>) src(%arg3 : memref<32x128xf32, #tpu.memory_space<hbm>>) dst(%arg6 : memref<32x128xf32, #tpu.memory_space<vmem>>)
      tpu.yield
    }) : () -> ()
    %mul3A_1027 = arith.constant 7813 : i32
    %mul3A_1028 = arith.muli %select_n3A, %mul3A_1027 : i32
    %add3A_1029 = arith.constant 7813 : i32
    %add3A_1030 = arith.addi %mul3A_1028, %add3A_1029 : i32
    %sub3A_1031 = arith.constant 1 : i32
    %sub3A_1032 = arith.subi %add3A_1030, %sub3A_1031 : i32
    "tpu.region"() ({
      %run_scoped3A = tpu.sem_alloc : memref<!tpu.dma_semaphore, #tpu.memory_space<semaphore_mem>>
      %dma_start3A_1033 = arith.constant 0 : i32
      %dma_start3A_1034 = tpu.memref_slice %arg6[%multiple_of3A, %dma_start3A_1033] : memref<32x128xf32, #tpu.memory_space<vmem>> -> memref<8x128xf32, #tpu.memory_space<vmem>>
      %dma_start3A_1035 = arith.constant 0 : i32
      %dma_start3A_1036 = arith.constant 0 : i32
      %dma_start3A_1037 = tpu.memref_slice %arg4[%sub3A_1032, %dma_start3A_1035, %dma_start3A_1036] : memref<31252x8x128xf32, #tpu.memory_space<hbm>> -> memref<1x8x128xf32, #tpu.memory_space<hbm>>
      %dma_start3A_1038 = tpu.memref_squeeze %dma_start3A_1037 : memref<1x8x128xf32, #tpu.memory_space<hbm>> -> memref<8x128xf32, #tpu.memory_space<hbm>>
      %dma_start3A_1039 = arith.constant 0 : i32
      %dma_start3A_1040 = arith.constant 0 : i32
      %dma_start3A_1041 = tpu.memref_slice %arg4[%sub3A_1032, %dma_start3A_1039, %dma_start3A_1040] : memref<31252x8x128xf32, #tpu.memory_space<hbm>> -> memref<1x8x128xf32, #tpu.memory_space<hbm>>
      %dma_start3A_1042 = tpu.memref_squeeze %dma_start3A_1041 : memref<1x8x128xf32, #tpu.memory_space<hbm>> -> memref<8x128xf32, #tpu.memory_space<hbm>>
      %dma_start3A_1043 = arith.constant 0 : i32
      %dma_start3A_1044 = tpu.memref_slice %arg6[%multiple_of3A, %dma_start3A_1043] : memref<32x128xf32, #tpu.memory_space<vmem>> -> memref<8x128xf32, #tpu.memory_space<vmem>>
      tpu.enqueue_dma source(%dma_start3A_1044 : memref<8x128xf32, #tpu.memory_space<vmem>>) target(%dma_start3A_1042 : memref<8x128xf32, #tpu.memory_space<hbm>>) target_semaphore(%run_scoped3A : memref<!tpu.dma_semaphore, #tpu.memory_space<semaphore_mem>>)
      %dma_wait3A_1045 = arith.constant 0 : i32
      %dma_wait3A_1046 = tpu.memref_slice %arg6[%multiple_of3A, %dma_wait3A_1045] : memref<32x128xf32, #tpu.memory_space<vmem>> -> memref<8x128xf32, #tpu.memory_space<vmem>>
      %dma_wait3A_1047 = arith.constant 0 : i32
      %dma_wait3A_1048 = arith.constant 0 : i32
      %dma_wait3A_1049 = tpu.memref_slice %arg4[%sub3A_1032, %dma_wait3A_1047, %dma_wait3A_1048] : memref<31252x8x128xf32, #tpu.memory_space<hbm>> -> memref<1x8x128xf32, #tpu.memory_space<hbm>>
      %dma_wait3A_1050 = tpu.memref_squeeze %dma_wait3A_1049 : memref<1x8x128xf32, #tpu.memory_space<hbm>> -> memref<8x128xf32, #tpu.memory_space<hbm>>
      %dma_wait3A_1051 = arith.constant 0 : i32
      %dma_wait3A_1052 = arith.constant 0 : i32
      %dma_wait3A_1053 = tpu.memref_slice %arg4[%sub3A_1032, %dma_wait3A_1051, %dma_wait3A_1052] : memref<31252x8x128xf32, #tpu.memory_space<hbm>> -> memref<1x8x128xf32, #tpu.memory_space<hbm>>
      %dma_wait3A_1054 = tpu.memref_squeeze %dma_wait3A_1053 : memref<1x8x128xf32, #tpu.memory_space<hbm>> -> memref<8x128xf32, #tpu.memory_space<hbm>>
      %dma_wait3A_1055 = arith.constant 0 : i32
      %dma_wait3A_1056 = tpu.memref_slice %arg6[%multiple_of3A, %dma_wait3A_1055] : memref<32x128xf32, #tpu.memory_space<vmem>> -> memref<8x128xf32, #tpu.memory_space<vmem>>
      tpu.wait_dma2 semaphore(%run_scoped3A : memref<!tpu.dma_semaphore, #tpu.memory_space<semaphore_mem>>) src(%dma_wait3A_1056 : memref<8x128xf32, #tpu.memory_space<vmem>>) dst(%dma_wait3A_1054 : memref<8x128xf32, #tpu.memory_space<hbm>>)
      tpu.yield
    }) : () -> ()
    return
  }
}

#map = affine_map<(d0, d1) -> (0, 0, 0)>
#map1 = affine_map<(d0, d1) -> (0)>
#map2 = affine_map<(d0, d1) -> (0, 0)>
module attributes {stable_mosaic.version = 14 : i64} {
  func.func @center_loss_partials(%arg0: i32, %arg1: i32, %arg2: memref<32x128x128xf32, #tpu.memory_space<hbm>>, %arg3: memref<32x128x128xi32, #tpu.memory_space<hbm>>, %arg4: memref<32002048xf32, #tpu.memory_space<hbm>>, %arg5: memref<32x16xf32, #tpu.memory_space<hbm>>, %arg6: memref<128x128xi32, #tpu.memory_space<vmem>>, %arg7: memref<128x128xf32, #tpu.memory_space<vmem>>, %arg8: memref<128x128xf32, #tpu.memory_space<vmem>>, %arg9: memref<16xf32, #tpu.memory_space<vmem>>, %arg10: memref<!tpu.dma_semaphore, #tpu.memory_space<semaphore_mem>>, %arg11: memref<!tpu.dma_semaphore, #tpu.memory_space<semaphore_mem>>) attributes {dimension_semantics = [#tpu.dimension_semantics<core_parallel>, #tpu.dimension_semantics<subcore_parallel>], iteration_bounds = array<i64: 2, 16>, scalar_prefetch = 0 : i64, scratch_operands = 6 : i64, tpu.core_type = #tpu.core_type<sc_vector_subcore>, window_params = [{transform_indices = #map}, {transform_indices = #map}, {transform_indices = #map1}, {transform_indices = #map2}]} {
    %mul3A = arith.constant 2 : i32
    %mul3A_0 = arith.muli %arg1, %mul3A : i32
    %add3A = arith.addi %mul3A_0, %arg0 : i32
    "tpu.region"() ({
      %run_scoped3A = tpu.sem_alloc : memref<!tpu.dma_semaphore, #tpu.memory_space<semaphore_mem>>
      %dma_start3A_34 = arith.constant 0 : i32
      %dma_start3A_35 = arith.constant 0 : i32
      %dma_start3A_36 = tpu.memref_slice %arg3[%add3A, %dma_start3A_34, %dma_start3A_35] : memref<32x128x128xi32, #tpu.memory_space<hbm>> -> memref<1x128x128xi32, #tpu.memory_space<hbm>>
      %dma_start3A_37 = tpu.memref_squeeze %dma_start3A_36 : memref<1x128x128xi32, #tpu.memory_space<hbm>> -> memref<128x128xi32, #tpu.memory_space<hbm>>
      %dma_start3A_38 = arith.constant 0 : i32
      %dma_start3A_39 = arith.constant 0 : i32
      %dma_start3A_40 = tpu.memref_slice %arg3[%add3A, %dma_start3A_38, %dma_start3A_39] : memref<32x128x128xi32, #tpu.memory_space<hbm>> -> memref<1x128x128xi32, #tpu.memory_space<hbm>>
      %dma_start3A_41 = tpu.memref_squeeze %dma_start3A_40 : memref<1x128x128xi32, #tpu.memory_space<hbm>> -> memref<128x128xi32, #tpu.memory_space<hbm>>
      tpu.enqueue_dma source(%dma_start3A_41 : memref<128x128xi32, #tpu.memory_space<hbm>>) target(%arg6 : memref<128x128xi32, #tpu.memory_space<vmem>>) target_semaphore(%run_scoped3A : memref<!tpu.dma_semaphore, #tpu.memory_space<semaphore_mem>>)
      %dma_wait3A_42 = arith.constant 0 : i32
      %dma_wait3A_43 = arith.constant 0 : i32
      %dma_wait3A_44 = tpu.memref_slice %arg3[%add3A, %dma_wait3A_42, %dma_wait3A_43] : memref<32x128x128xi32, #tpu.memory_space<hbm>> -> memref<1x128x128xi32, #tpu.memory_space<hbm>>
      %dma_wait3A_45 = tpu.memref_squeeze %dma_wait3A_44 : memref<1x128x128xi32, #tpu.memory_space<hbm>> -> memref<128x128xi32, #tpu.memory_space<hbm>>
      %dma_wait3A_46 = arith.constant 0 : i32
      %dma_wait3A_47 = arith.constant 0 : i32
      %dma_wait3A_48 = tpu.memref_slice %arg3[%add3A, %dma_wait3A_46, %dma_wait3A_47] : memref<32x128x128xi32, #tpu.memory_space<hbm>> -> memref<1x128x128xi32, #tpu.memory_space<hbm>>
      %dma_wait3A_49 = tpu.memref_squeeze %dma_wait3A_48 : memref<1x128x128xi32, #tpu.memory_space<hbm>> -> memref<128x128xi32, #tpu.memory_space<hbm>>
      tpu.wait_dma2 semaphore(%run_scoped3A : memref<!tpu.dma_semaphore, #tpu.memory_space<semaphore_mem>>) src(%dma_wait3A_49 : memref<128x128xi32, #tpu.memory_space<hbm>>) dst(%arg6 : memref<128x128xi32, #tpu.memory_space<vmem>>)
      tpu.yield
    }) : () -> ()
    %dma_start3A = arith.constant 0 : i32
    %dma_start3A_1 = arith.constant 0 : i32
    %dma_start3A_2 = tpu.memref_slice %arg2[%add3A, %dma_start3A, %dma_start3A_1] : memref<32x128x128xf32, #tpu.memory_space<hbm>> -> memref<1x128x128xf32, #tpu.memory_space<hbm>>
    %dma_start3A_3 = tpu.memref_squeeze %dma_start3A_2 : memref<1x128x128xf32, #tpu.memory_space<hbm>> -> memref<128x128xf32, #tpu.memory_space<hbm>>
    %dma_start3A_4 = arith.constant 0 : i32
    %dma_start3A_5 = arith.constant 0 : i32
    %dma_start3A_6 = tpu.memref_slice %arg2[%add3A, %dma_start3A_4, %dma_start3A_5] : memref<32x128x128xf32, #tpu.memory_space<hbm>> -> memref<1x128x128xf32, #tpu.memory_space<hbm>>
    %dma_start3A_7 = tpu.memref_squeeze %dma_start3A_6 : memref<1x128x128xf32, #tpu.memory_space<hbm>> -> memref<128x128xf32, #tpu.memory_space<hbm>>
    tpu.enqueue_dma source(%dma_start3A_7 : memref<128x128xf32, #tpu.memory_space<hbm>>) target(%arg8 : memref<128x128xf32, #tpu.memory_space<vmem>>) target_semaphore(%arg11 : memref<!tpu.dma_semaphore, #tpu.memory_space<semaphore_mem>>)
    %scan3A = arith.constant 0 : i32
    %scan3A_8 = arith.constant 0 : i32
    %scan3A_9 = arith.constant 128 : i32
    %scan3A_10 = arith.addi %scan3A_8, %scan3A_9 : i32
    %scan3A_11 = arith.constant 1 : i32
    scf.for %scan3A_34 = %scan3A_8 to %scan3A_10 step %scan3A_11  : i32 {
      %dma_start3A_35 = arith.constant 0 : i32
      %dma_start3A_36 = tpu.memref_slice %arg7[%scan3A_34, %dma_start3A_35] : memref<128x128xf32, #tpu.memory_space<vmem>> -> memref<1x128xf32, #tpu.memory_space<vmem>>
      %dma_start3A_37 = tpu.memref_squeeze %dma_start3A_36 : memref<1x128xf32, #tpu.memory_space<vmem>> -> memref<128xf32, #tpu.memory_space<vmem>>
      %dma_start3A_38 = arith.constant 0 : i32
      %dma_start3A_39 = tpu.memref_slice %arg6[%scan3A_34, %dma_start3A_38] : memref<128x128xi32, #tpu.memory_space<vmem>> -> memref<1x128xi32, #tpu.memory_space<vmem>>
      %dma_start3A_40 = tpu.memref_squeeze %dma_start3A_39 : memref<1x128xi32, #tpu.memory_space<vmem>> -> memref<128xi32, #tpu.memory_space<vmem>>
      %dma_start3A_41 = arith.constant 0 : i32
      %dma_start3A_42 = tpu.memref_slice %arg4[%dma_start3A_41] : memref<32002048xf32, #tpu.memory_space<hbm>> -> memref<32002048xf32, #tpu.memory_space<hbm>>
      tpu.enqueue_indirect_dma source(%dma_start3A_42 : memref<32002048xf32, #tpu.memory_space<hbm>>) target(%dma_start3A_37 : memref<128xf32, #tpu.memory_space<vmem>>) offsets(%dma_start3A_40 : memref<128xi32, #tpu.memory_space<vmem>>) semaphore(%arg10 : memref<!tpu.dma_semaphore, #tpu.memory_space<semaphore_mem>>)
    }
    %scan3A_12 = arith.constant 128 : i32
    %scan3A_13 = arith.constant 0 : i32
    %scan3A_14 = arith.constant 0 : i32
    %scan3A_15 = arith.constant 128 : i32
    %scan3A_16 = arith.addi %scan3A_14, %scan3A_15 : i32
    %scan3A_17 = arith.constant 1 : i32
    scf.for %scan3A_34 = %scan3A_14 to %scan3A_16 step %scan3A_17  : i32 {
      %dma_wait3A_35 = arith.constant 0 : i32
      %dma_wait3A_36 = tpu.memref_slice %arg7[%scan3A_34, %dma_wait3A_35] : memref<128x128xf32, #tpu.memory_space<vmem>> -> memref<1x128xf32, #tpu.memory_space<vmem>>
      %dma_wait3A_37 = tpu.memref_squeeze %dma_wait3A_36 : memref<1x128xf32, #tpu.memory_space<vmem>> -> memref<128xf32, #tpu.memory_space<vmem>>
      %dma_wait3A_38 = arith.constant 0 : i32
      %dma_wait3A_39 = tpu.memref_slice %arg6[%scan3A_34, %dma_wait3A_38] : memref<128x128xi32, #tpu.memory_space<vmem>> -> memref<1x128xi32, #tpu.memory_space<vmem>>
      %dma_wait3A_40 = tpu.memref_squeeze %dma_wait3A_39 : memref<1x128xi32, #tpu.memory_space<vmem>> -> memref<128xi32, #tpu.memory_space<vmem>>
      %dma_wait3A_41 = arith.constant 0 : i32
      %dma_wait3A_42 = tpu.memref_slice %arg4[%dma_wait3A_41] : memref<32002048xf32, #tpu.memory_space<hbm>> -> memref<32002048xf32, #tpu.memory_space<hbm>>
      tpu.wait_indirect_dma semaphore(%arg10 : memref<!tpu.dma_semaphore, #tpu.memory_space<semaphore_mem>>) src(%dma_wait3A_42 : memref<32002048xf32, #tpu.memory_space<hbm>>) dst(%dma_wait3A_37 : memref<128xf32, #tpu.memory_space<vmem>>)
    }
    %scan3A_18 = arith.constant 128 : i32
    %dma_wait3A = arith.constant 0 : i32
    %dma_wait3A_19 = arith.constant 0 : i32
    %dma_wait3A_20 = tpu.memref_slice %arg2[%add3A, %dma_wait3A, %dma_wait3A_19] : memref<32x128x128xf32, #tpu.memory_space<hbm>> -> memref<1x128x128xf32, #tpu.memory_space<hbm>>
    %dma_wait3A_21 = tpu.memref_squeeze %dma_wait3A_20 : memref<1x128x128xf32, #tpu.memory_space<hbm>> -> memref<128x128xf32, #tpu.memory_space<hbm>>
    %dma_wait3A_22 = arith.constant 0 : i32
    %dma_wait3A_23 = arith.constant 0 : i32
    %dma_wait3A_24 = tpu.memref_slice %arg2[%add3A, %dma_wait3A_22, %dma_wait3A_23] : memref<32x128x128xf32, #tpu.memory_space<hbm>> -> memref<1x128x128xf32, #tpu.memory_space<hbm>>
    %dma_wait3A_25 = tpu.memref_squeeze %dma_wait3A_24 : memref<1x128x128xf32, #tpu.memory_space<hbm>> -> memref<128x128xf32, #tpu.memory_space<hbm>>
    tpu.wait_dma2 semaphore(%arg11 : memref<!tpu.dma_semaphore, #tpu.memory_space<semaphore_mem>>) src(%dma_wait3A_25 : memref<128x128xf32, #tpu.memory_space<hbm>>) dst(%arg8 : memref<128x128xf32, #tpu.memory_space<vmem>>)
    %broadcast_in_dim3A = arith.constant 0.000000e+00 : f32
    %broadcast_in_dim3A_26 = vector.broadcast %broadcast_in_dim3A : f32 to vector<16xf32>
    %scan3A_27 = arith.constant 0 : i32
    %scan3A_28 = arith.constant 128 : i32
    %scan3A_29 = arith.addi %scan3A_27, %scan3A_28 : i32
    %scan3A_30 = arith.constant 1 : i32
    %scan3A_31 = scf.for %scan3A_34 = %scan3A_27 to %scan3A_29 step %scan3A_30 iter_args(%scan3A_35 = %broadcast_in_dim3A_26) -> (vector<16xf32>)  : i32 {
      %get3A = arith.index_cast %scan3A_34 : i32 to index
      %get3A_36 = arith.constant 0 : index
      %get3A_37 = tpu.vector_load %arg7[%get3A, %get3A_36] {strides = array<i32>} : memref<128x128xf32, #tpu.memory_space<vmem>>, vector<16xf32>,
      %get3A_38 = arith.index_cast %scan3A_34 : i32 to index
      %get3A_39 = arith.constant 0 : index
      %get3A_40 = tpu.vector_load %arg8[%get3A_38, %get3A_39] {strides = array<i32>} : memref<128x128xf32, #tpu.memory_space<vmem>>, vector<16xf32>,
      %sub3A = arith.subf %get3A_40, %get3A_37 : vector<16xf32>
      %mul3A_41 = arith.mulf %sub3A, %sub3A : vector<16xf32>
      %add3A_42 = arith.addf %scan3A_35, %mul3A_41 : vector<16xf32>
      %get3A_43 = arith.index_cast %scan3A_34 : i32 to index
      %get3A_44 = arith.constant 16 : index
      %get3A_45 = tpu.vector_load %arg7[%get3A_43, %get3A_44] {strides = array<i32>} : memref<128x128xf32, #tpu.memory_space<vmem>>, vector<16xf32>,
      %get3A_46 = arith.index_cast %scan3A_34 : i32 to index
      %get3A_47 = arith.constant 16 : index
      %get3A_48 = tpu.vector_load %arg8[%get3A_46, %get3A_47] {strides = array<i32>} : memref<128x128xf32, #tpu.memory_space<vmem>>, vector<16xf32>,
      %sub3A_49 = arith.subf %get3A_48, %get3A_45 : vector<16xf32>
      %mul3A_50 = arith.mulf %sub3A_49, %sub3A_49 : vector<16xf32>
      %add3A_51 = arith.addf %add3A_42, %mul3A_50 : vector<16xf32>
      %get3A_52 = arith.index_cast %scan3A_34 : i32 to index
      %get3A_53 = arith.constant 32 : index
      %get3A_54 = tpu.vector_load %arg7[%get3A_52, %get3A_53] {strides = array<i32>} : memref<128x128xf32, #tpu.memory_space<vmem>>, vector<16xf32>,
      %get3A_55 = arith.index_cast %scan3A_34 : i32 to index
      %get3A_56 = arith.constant 32 : index
      %get3A_57 = tpu.vector_load %arg8[%get3A_55, %get3A_56] {strides = array<i32>} : memref<128x128xf32, #tpu.memory_space<vmem>>, vector<16xf32>,
      %sub3A_58 = arith.subf %get3A_57, %get3A_54 : vector<16xf32>
      %mul3A_59 = arith.mulf %sub3A_58, %sub3A_58 : vector<16xf32>
      %add3A_60 = arith.addf %add3A_51, %mul3A_59 : vector<16xf32>
      %get3A_61 = arith.index_cast %scan3A_34 : i32 to index
      %get3A_62 = arith.constant 48 : index
      %get3A_63 = tpu.vector_load %arg7[%get3A_61, %get3A_62] {strides = array<i32>} : memref<128x128xf32, #tpu.memory_space<vmem>>, vector<16xf32>,
      %get3A_64 = arith.index_cast %scan3A_34 : i32 to index
      %get3A_65 = arith.constant 48 : index
      %get3A_66 = tpu.vector_load %arg8[%get3A_64, %get3A_65] {strides = array<i32>} : memref<128x128xf32, #tpu.memory_space<vmem>>, vector<16xf32>,
      %sub3A_67 = arith.subf %get3A_66, %get3A_63 : vector<16xf32>
      %mul3A_68 = arith.mulf %sub3A_67, %sub3A_67 : vector<16xf32>
      %add3A_69 = arith.addf %add3A_60, %mul3A_68 : vector<16xf32>
      %get3A_70 = arith.index_cast %scan3A_34 : i32 to index
      %get3A_71 = arith.constant 64 : index
      %get3A_72 = tpu.vector_load %arg7[%get3A_70, %get3A_71] {strides = array<i32>} : memref<128x128xf32, #tpu.memory_space<vmem>>, vector<16xf32>,
      %get3A_73 = arith.index_cast %scan3A_34 : i32 to index
      %get3A_74 = arith.constant 64 : index
      %get3A_75 = tpu.vector_load %arg8[%get3A_73, %get3A_74] {strides = array<i32>} : memref<128x128xf32, #tpu.memory_space<vmem>>, vector<16xf32>,
      %sub3A_76 = arith.subf %get3A_75, %get3A_72 : vector<16xf32>
      %mul3A_77 = arith.mulf %sub3A_76, %sub3A_76 : vector<16xf32>
      %add3A_78 = arith.addf %add3A_69, %mul3A_77 : vector<16xf32>
      %get3A_79 = arith.index_cast %scan3A_34 : i32 to index
      %get3A_80 = arith.constant 80 : index
      %get3A_81 = tpu.vector_load %arg7[%get3A_79, %get3A_80] {strides = array<i32>} : memref<128x128xf32, #tpu.memory_space<vmem>>, vector<16xf32>,
      %get3A_82 = arith.index_cast %scan3A_34 : i32 to index
      %get3A_83 = arith.constant 80 : index
      %get3A_84 = tpu.vector_load %arg8[%get3A_82, %get3A_83] {strides = array<i32>} : memref<128x128xf32, #tpu.memory_space<vmem>>, vector<16xf32>,
      %sub3A_85 = arith.subf %get3A_84, %get3A_81 : vector<16xf32>
      %mul3A_86 = arith.mulf %sub3A_85, %sub3A_85 : vector<16xf32>
      %add3A_87 = arith.addf %add3A_78, %mul3A_86 : vector<16xf32>
      %get3A_88 = arith.index_cast %scan3A_34 : i32 to index
      %get3A_89 = arith.constant 96 : index
      %get3A_90 = tpu.vector_load %arg7[%get3A_88, %get3A_89] {strides = array<i32>} : memref<128x128xf32, #tpu.memory_space<vmem>>, vector<16xf32>,
      %get3A_91 = arith.index_cast %scan3A_34 : i32 to index
      %get3A_92 = arith.constant 96 : index
      %get3A_93 = tpu.vector_load %arg8[%get3A_91, %get3A_92] {strides = array<i32>} : memref<128x128xf32, #tpu.memory_space<vmem>>, vector<16xf32>,
      %sub3A_94 = arith.subf %get3A_93, %get3A_90 : vector<16xf32>
      %mul3A_95 = arith.mulf %sub3A_94, %sub3A_94 : vector<16xf32>
      %add3A_96 = arith.addf %add3A_87, %mul3A_95 : vector<16xf32>
      %get3A_97 = arith.index_cast %scan3A_34 : i32 to index
      %get3A_98 = arith.constant 112 : index
      %get3A_99 = tpu.vector_load %arg7[%get3A_97, %get3A_98] {strides = array<i32>} : memref<128x128xf32, #tpu.memory_space<vmem>>, vector<16xf32>,
      %get3A_100 = arith.index_cast %scan3A_34 : i32 to index
      %get3A_101 = arith.constant 112 : index
      %get3A_102 = tpu.vector_load %arg8[%get3A_100, %get3A_101] {strides = array<i32>} : memref<128x128xf32, #tpu.memory_space<vmem>>, vector<16xf32>,
      %sub3A_103 = arith.subf %get3A_102, %get3A_99 : vector<16xf32>
      %mul3A_104 = arith.mulf %sub3A_103, %sub3A_103 : vector<16xf32>
      %add3A_105 = arith.addf %add3A_96, %mul3A_104 : vector<16xf32>
      scf.yield %add3A_105 : vector<16xf32>
    }
    %scan3A_32 = arith.constant 128 : i32
    %swap3A = arith.constant 0 : index
    %swap3A_33 = tpu.vector_load %arg9[%swap3A] {strides = array<i32>} : memref<16xf32, #tpu.memory_space<vmem>>, vector<16xf32>,
    tpu.vector_store %arg9[%swap3A], %scan3A_31 {strides = array<i32>} : memref<16xf32, #tpu.memory_space<vmem>>, vector<16xf32>,
    "tpu.region"() ({
      %run_scoped3A = tpu.sem_alloc : memref<!tpu.dma_semaphore, #tpu.memory_space<semaphore_mem>>
      %dma_start3A_34 = arith.constant 0 : i32
      %dma_start3A_35 = tpu.memref_slice %arg5[%add3A, %dma_start3A_34] : memref<32x16xf32, #tpu.memory_space<hbm>> -> memref<1x16xf32, #tpu.memory_space<hbm>>
      %dma_start3A_36 = tpu.memref_squeeze %dma_start3A_35 : memref<1x16xf32, #tpu.memory_space<hbm>> -> memref<16xf32, #tpu.memory_space<hbm>>
      %dma_start3A_37 = arith.constant 0 : i32
      %dma_start3A_38 = tpu.memref_slice %arg5[%add3A, %dma_start3A_37] : memref<32x16xf32, #tpu.memory_space<hbm>> -> memref<1x16xf32, #tpu.memory_space<hbm>>
      %dma_start3A_39 = tpu.memref_squeeze %dma_start3A_38 : memref<1x16xf32, #tpu.memory_space<hbm>> -> memref<16xf32, #tpu.memory_space<hbm>>
      tpu.enqueue_dma source(%arg9 : memref<16xf32, #tpu.memory_space<vmem>>) target(%dma_start3A_39 : memref<16xf32, #tpu.memory_space<hbm>>) target_semaphore(%run_scoped3A : memref<!tpu.dma_semaphore, #tpu.memory_space<semaphore_mem>>)
      %dma_wait3A_40 = arith.constant 0 : i32
      %dma_wait3A_41 = tpu.memref_slice %arg5[%add3A, %dma_wait3A_40] : memref<32x16xf32, #tpu.memory_space<hbm>> -> memref<1x16xf32, #tpu.memory_space<hbm>>
      %dma_wait3A_42 = tpu.memref_squeeze %dma_wait3A_41 : memref<1x16xf32, #tpu.memory_space<hbm>> -> memref<16xf32, #tpu.memory_space<hbm>>
      %dma_wait3A_43 = arith.constant 0 : i32
      %dma_wait3A_44 = tpu.memref_slice %arg5[%add3A, %dma_wait3A_43] : memref<32x16xf32, #tpu.memory_space<hbm>> -> memref<1x16xf32, #tpu.memory_space<hbm>>
      %dma_wait3A_45 = tpu.memref_squeeze %dma_wait3A_44 : memref<1x16xf32, #tpu.memory_space<hbm>> -> memref<16xf32, #tpu.memory_space<hbm>>
      tpu.wait_dma2 semaphore(%run_scoped3A : memref<!tpu.dma_semaphore, #tpu.memory_space<semaphore_mem>>) src(%arg9 : memref<16xf32, #tpu.memory_space<vmem>>) dst(%dma_wait3A_45 : memref<16xf32, #tpu.memory_space<hbm>>)
      tpu.yield
    }) : () -> ()
    return
  }
}

</mosaic_0001>

<sc_bundles>
// kernel: kernel.4.cloned.1.call-start
scs
__scs_entry_jumppad:
0x0: {  	(pc) =	sbr.rel $0x88, $3  }
0x1: {  	(tag) =	ssettag $0x0;
	lr =	simm.s32 $0x1  }
0x2: {  	[smem:$0x3F9E] =	sst lr;
	_ =	strace $0xD0000000  }
0x3: {  	_ = 	snop  }
0x4: {  	_ = 	snop  }
0x5: {  	_ = 	snop  }
0x6: {  	_ = 	snop  }
0x7: {  	_ = 	snop  }
__scs_overlays_trampoline_lowered:
0x8: {  	[smem:$0x3FAD] =	sst s0  }
0x9: {  	[smem:$0x3FAE] =	sst s1  }
0xa: {  	[smem:$0x3FAF] =	sst s2  }
0xb: {  	[smem:$0x3FB0] =	sst s3  }
0xc: {  	[smem:$0x3FB1] =	sst s4  }
0xd: {  	[smem:$0x3FB2] =	sst s5  }
0xe: {  	[smem:$0x3FB3] =	sst s6  }
0xf: {  	[smem:$0x3FB4] =	sst s7  }
0x10: {  	[smem:$0x3FB5] =	sst s8  }
0x11: {  	[smem:$0x3FB6] =	sst s9;
	s0 =	simm.s32 @!p0 $0x0  }
0x12: {  	s1 =	sld [smem:$0x3F9C];
	s0 =	simm.s32 @p0 $0x1  }
0x13: {  	[smem:$0x3FB7] =	sst s0;
	s0 =	simm.s32 @!p1 $0x0  }
0x14: {  	s2 =	sld [smem:$0x3F9B];
	s0 =	simm.s32 @p1 $0x1  }
0x15: {  	[smem:$0x3FB8] =	sst s0;
	s0 =	simm.s32 @!p2 $0x0  }
0x16: {  	s3 =	sld [smem:$0x3FDB];
	s0 =	simm.s32 @p2 $0x1  }
0x17: {  	s4 =	simm.s32 $0x1BF5;
	[smem:$0x3FBA] =	sst s0  }
0x18: {  	s0 =	sld [smem:$0x3F9D];
	_ =	swait.ge [sflag:s4], $0x0  }
0x19: {  	s7 =	sld [smem:$0x3F9E]  }
0x1a: {  	s8 =	sadd.s32 $0xFFFFE003, lr  }
0x1b: {  	s9 =	sadd.s32 $0xFFFFFEF7, lr;
	s5 =	simm.s32 $0xFFFFFFFF;
	p2 =	slt.u32 s8, $0xFFFFF086  }
0x1c: {  	p1 =	slt.u32 s9, $0xF7A;
	s5 =	simm.s32 @!p2 $0x0  }
0x1d: {  	s5 =	simm.s32 @p1 $0x1;
	p0 =	seq.s32 s7, s2  }
0x1e: {  	s7 =	smul.u32 @!p0 $0xF7A, s2;
	p2 =	seq.s32 @!p0 s5, $0x0  }
0x1f: {  	s9 =	smul.u32 $0xF7A, s1;
	s8 =	simm.s32 @!p0 $0x1BF5;
	p2 =	por !p2, p0  }
0x20: {  	[sflag:s8] =	ssyncset.s32 @!p0 $0xFFFFF086;
	s6 =	sadd.s32 @!p0 s3, s7;
	s7 =	simm.s32 @!p0 $0x108  }
0x21: {  	s3 =	sadd.s32 s3, s9;
	s6 =	sadd.s32 @!p0 $0x88, s6;
	s7 =	simm.s32 @p2 $0x1082  }
0x22: {  	[simem:s7], [sflag:s8] =	dma.local @!p0 [hbm:s6], $0xF7A  }
0x23: {  	s9 =	sor.u32 $0xD0000000, s2;
	s6 =	simm.s32 $0x108;
	_ =	swait.ge @!p0 [sflag:s8], $0x0  }
0x24: {  	s3 =	sadd.s32 $0x88, s3;
	s6 =	simm.s32 @!p1 $0x1082;
	[sflag:s4] =	ssyncset.s32 $0xFFFFF086  }
0x25: {  	[simem:s6], [sflag:s4] =	dma.local [hbm:s3], $0xF7A  }
0x26: {  	[smem:$0x3F9E] =	sst s1;
	(tag) =	ssettag s2;
	_ =	strace s9  }
0x27: {  	s1 =	sld [smem:$0x3FAE]  }
0x28: {  	s2 =	sld [smem:$0x3FAF]  }
0x29: {  	s4 =	sld [smem:$0x3FB1]  }
0x2a: {  	p0 =	seq.s32 s5, $0x0;
	s5 =	sld [smem:$0x3FB2]  }
0x2b: {  	s6 =	sld [smem:$0x3FB3]  }
0x2c: {  	s7 =	sld [smem:$0x3FB4]  }
0x2d: {  	s3 =	simm.s32 $0x108;
	s8 =	sld [smem:$0x3FB5]  }
0x2e: {  	s3 =	simm.s32 @!p0 $0x1082;
	s9 =	sld [smem:$0x3FB6]  }
0x2f: {  	lr =	sadd.s32 s0, s3;
	s0 =	sld [smem:$0x3FAD]  }
0x30: {  	s3 =	sld [smem:$0x3FB0]  }
0x31: {  	[smem:$0x3FB9] =	sst s10  }
0x32: {  	s10 =	sld [smem:$0x3FB7];
	_ =	sdelay $0x3  }
0x33: {  	p0 =	seq.s32 s10, $0x1;
	s10 =	sld [smem:$0x3FB9];
	_ =	sdelay $0x3  }
0x34: {  	[smem:$0x3FB9] =	sst s10  }
0x35: {  	s10 =	sld [smem:$0x3FB8];
	_ =	sdelay $0x3  }
0x36: {  	p1 =	seq.s32 s10, $0x1;
	s10 =	sld [smem:$0x3FB9];
	_ =	sdelay $0x3  }
0x37: {  	[smem:$0x3FB9] =	sst s10  }
0x38: {  	s10 =	sld [smem:$0x3FBA]  }
0x39: {  	_ = 	snop;
	(pc) =	sbr.ind lr, $3  }
0x3a: {  	_ = 	snop  }
0x3b: {  	_ = 	snop  }
0x3c: {  	p2 =	seq.s32 s10, $0x1;
	s10 =	sld [smem:$0x3FB9]  }
0x3d: {  	_ =	shalt  }
0x3e: {  	_ =	shalt  }
0x3f: {  	_ =	shalt  }
0x40: {  	_ =	shalt  }
0x41: {  	_ =	shalt  }
0x42: {  	_ =	shalt  }
0x43: {  	_ =	shalt  }
0x44: {  	_ =	shalt  }
0x45: {  	_ =	shalt  }
0x46: {  	_ =	shalt  }
0x47: {  	_ =	shalt  }
0x48: {  	_ =	shalt  }
0x49: {  	_ =	shalt  }
0x4a: {  	_ =	shalt  }
0x4b: {  	_ =	shalt  }
0x4c: {  	_ =	shalt  }
0x4d: {  	_ =	shalt  }
0x4e: {  	_ =	shalt  }
0x4f: {  	_ =	shalt  }
0x50: {  	_ =	shalt  }
0x51: {  	_ =	shalt  }
0x52: {  	_ =	shalt  }
0x53: {  	_ =	shalt  }
0x54: {  	_ =	shalt  }
0x55: {  	_ =	shalt  }
0x56: {  	_ =	shalt  }
0x57: {  	_ =	shalt  }
0x58: {  	_ =	shalt  }
0x59: {  	_ =	shalt  }
0x5a: {  	_ =	shalt  }
0x5b: {  	_ =	shalt  }
0x5c: {  	_ =	shalt  }
0x5d: {  	_ =	shalt  }
0x5e: {  	_ =	shalt  }
0x5f: {  	_ =	shalt  }
0x60: {  	_ =	shalt  }
0x61: {  	_ =	shalt  }
0x62: {  	_ =	shalt  }
0x63: {  	_ =	shalt  }
0x64: {  	_ =	shalt  }
0x65: {  	_ =	shalt  }
0x66: {  	_ =	shalt  }
0x67: {  	_ =	shalt  }
0x68: {  	_ =	shalt  }
0x69: {  	_ =	shalt  }
0x6a: {  	_ =	shalt  }
0x6b: {  	_ =	shalt  }
0x6c: {  	_ =	shalt  }
0x6d: {  	_ =	shalt  }
0x6e: {  	_ =	shalt  }
0x6f: {  	_ =	shalt  }
0x70: {  	_ =	shalt  }
0x71: {  	_ =	shalt  }
0x72: {  	_ =	shalt  }
0x73: {  	_ =	shalt  }
0x74: {  	_ =	shalt  }
0x75: {  	_ =	shalt  }
0x76: {  	_ =	shalt  }
0x77: {  	_ =	shalt  }
0x78: {  	_ =	shalt  }
0x79: {  	_ =	shalt  }
0x7a: {  	_ =	shalt  }
0x7b: {  	_ =	shalt  }
0x7c: {  	_ =	shalt  }
0x7d: {  	_ =	shalt  }
0x7e: {  	_ =	shalt  }
0x7f: {  	_ =	shalt  }
0x80: {  	_ =	shalt  }
0x81: {  	_ =	shalt  }
0x82: {  	_ =	shalt  }
0x83: {  	_ =	shalt  }
0x84: {  	_ =	shalt  }
0x85: {  	_ =	shalt  }
0x86: {  	_ =	shalt  }
0x87: {  	_ =	shalt  }
.Lfunc_end0:
.L_simem_size_0:
called_computation_lowered:
.L_overlay_start_0:
0x88: {  	s2 =	sld [smem:$0x3FD9]  }
0x89: {  	s3 =	sld [smem:$0x3FFE];
	_ =	sdelay $0x1  }
0x8a: {  	s1 =	srdreg.scid  }
0x8b: {  	s0 =	sand.u32 $0x1, s1  }
0x8c: {  	s17 =	sshll.u32 s0, $0xA;
	s2 =	sadd.s32 s3, s2  }
0x8d: {  	s2 =	sadd.s32 s2, s17  }
0x8e: {  	[smem:$0x3FC5] =	sst s2  }
0x8f: {  	_ = 	snop  }
0x90: {  	s2 =	sld [smem:$0x3FC7];
	(tm) =	ssettm $0x1  }
0x91: {  	s18 =	sld [smem:$0x3FFB];
	_ =	sdelay $0x3  }
0x92: {  	_ =	strace s18  }
0x93: {  	s3 =	sld [smem:$0x3FFC];
	_ =	sdelay $0x3  }
0x94: {  	_ =	strace s3  }
0x95: {  	s3 =	sld [smem:$0x3FFD];
	_ =	sdelay $0x3  }
0x96: {  	_ =	strace s3  }
0x97: {  	_ =	strace $0x8FFFFFFF  }
0x98: {  	s19 =	sld [smem:$0x3FDB];
	_ =	sdelay $0x1  }
0x99: {  	s4 =	simm.s32 $_scs_section_size  }
0x9a: {  	s5 =	simm.s32 $_size__tile_overlayer_lowered;
	s6 =	simm.s32 $_tile_overlayer_lowered  }
0x9b: {  	s22 =	simm.s32 $0x1BFF;
	s21 =	sshll.u32 s6, $0x1;
	s3 =	sadd.s32 s4, s19  }
0x9c: {  	s7 =	simm.s32 $0x0;
	s20 =	sshll.u32 s5, $0x1;
	s5 =	sadd.s32 s21, s3  }
0x9d: {  	[timem:s7], [sflag:s22] =	dma.local [hbm:s5], s20  }
0x9e: {  	_ =	swait.ge [sflag:s22], s20  }
0x9f: {  	s4 =	ssub.s32 $0x0, s20;
	[sflag:s22] =	ssyncset.done $0x0  }
0xa0: {  	[sflag:s22] =	ssyncadd.s32 s4;
	_ =	sdelay $0x1  }
0xa1: {  	s23 =	simm.s32 $0x1B8B  }
0xa2: {  	_ =	swait.ge [sflag:s23], $0x1  }
0xa3: {  	[sflag:s23] =	ssyncset.done $0x0  }
0xa4: {  	s25 =	simm.s32 $0x1B8E;
	s24 =	sld [smem:$0x3FFE];
	[sflag:s23] =	ssyncadd.s32 $0xFFFFFFFF  }
0xa5: {  	s26 =	simm.s32 $execute0_lowered;
	[smem:$0x3FD2] =	sst s25  }
0xa6: {  	s5 =	sshll.u32 s26, $0x1;
	_ =	strace $0x80000046;
	[dreg:$0x1] =	wrdreg $0xFFFFFFFF  }
0xa7: {  	s28 =	simm.s32 $_size_execute0_lowered;
	s3 =	sadd.s32 s3, s5;
	[dreg:$0x0] =	wrdreg $0x0  }
0xa8: {  	s5 =	sshll.u32 s28, $0x1;
	[dreg:$0x2] =	wrdreg s3  }
0xa9: {  	[dreg:$0x3] =	wrdreg s5  }
0xaa: {  	[dreg:$0x4] =	wrdreg $0xC0  }
0xab: {  	_ =	task [dreg:s7], $0x5FFFF  }
0xac: {  	[dreg:$0x1] =	wrdreg $0xFFFFFFFF  }
0xad: {  	[dreg:$0x0] =	wrdreg $0x60  }
0xae: {  	[dreg:$0x2] =	wrdreg s2  }
0xaf: {  	[dreg:$0x3] =	wrdreg s24  }
0xb0: {  	[dreg:$0x4] =	wrdreg $0x9  }
0xb1: {  	_ =	task.clear_ibuf [dreg:s7], $0x5FFFF;
	_ =	strace $0x90000046  }
0xb2: {  	s29 =	simm.s32 $0x9;
	_ =	strace $0x80000048  }
0xb3: {  	_ =	swait.ge [sflag:s29], $0x1  }
0xb4: {  	[sflag:s29] =	ssyncadd.s32 $0xFFFFFFFF  }
0xb5: {  	_ =	strace $0x90000048  }
0xb6: {  	_ =	sfence  }
0xb7: {  	s30 =	sld [smem:$0x0];
	_ =	sdelay $0x2  }
0xb8: {  	s31 =	sshll.u32 s1, $0xD;
	s1 =	sshrl.u32 s1, $0x2  }
0xb9: {  	s3 =	sand.u32 $0x4000, s31;
	s1 =	sadd.s32 s1, s30  }
0xba: {  	s0 =	sor.u32 s3, s0;
	s1 =	sshll.u32 s1, $0x11  }
0xbb: {  	s0 =	sor.u32 s1, s0  }
0xbc: {  	s0 =	sadd.s32 $0x8F2B, s0  }
0xbd: {  	[sflag:s0] =	ssyncadd.remote.s32 $0x1  }
0xbe: {  	_ =	sfence.sel $0xFFFF  }
0xbf: {  	[dreg:$0x0] =	wrdreg $0xFFFFFFFF;
	(pc) =	sbr.abs _section_cstart, $3  }
0xc0: {  	[dreg:$0x1] =	wrdreg $0xFFFFFFFF  }
0xc1: {  	_ =	task.clear_ibuf [dreg:s7], $0x2FFFF;
	_ =	strace $0x9FFFFFFF  }
0xc2: {  	(tm) =	ssettm $0x7FFFFFFF  }
0xc3: {  	_ =	shalt  }
tec
execute0_lowered:
.L_overlay_start_1:
0x0: {  	(tag) =	ssettag $0x1  }
0x1: {  	s2 =	rddreg [dreg:$0x0];
	s4 =	stileid.u32  }
0x2: {  	s0 =	rddreg [dreg:$0x1];
	s1 =	srdreg.scid;
	s3 =	sshll.u32 s4, $0x1  }
0x3: {  	s1 =	sand.u32 $0x1, s1;
	s4 =	sshrl.u32 s4, $0x2;
	s5 =	sand.u32 $0x6, s3  }
0x4: {  	s3 =	simm.s32 $0x0;
	s24 =	smul.u32 $0x7A1400, s4;
	s5 =	sor.u32 s1, s5  }
0x5: {  	[smem:$0x7FF] =	sst s3;
	s1 =	ssub.s32 $0x2, s1;
	s6 =	smul.u32 $0xF4400, s5  }
0x6: {  	s7 =	sadd.s32 $0xA00, s0;
	_ =	strace $0x80000047;
	s29 =	sshrl.u32 s1, $0x1  }
0x7: {  	s28 =	sadd.s32 s24, s6;
	s6 =	sadd.s32 $0xC00, s0;
	s0 =	ssub.s32 s1, s29  }
0x8: {  	[dreg:$0x3] =	wrdreg s7;
	s17 =	sshrl.u32 s24, $0x3;
	s0 =	smax.u32 s0, $0x1  }
0x9: {  	s1 =	sadd.s32 s6, s17;
	s17 =	sadd.s32 $0xC00, s24;
	[dreg:$0x14] =	wrdreg s0  }
0xa: {  	s8 =	sshrl.u32 s28, $0x3;
	s1 =	sadd.s32 $0xF4200, s1;
	[smem:$0x7F2] =	sst s17  }
0xb: {  	s7 =	smul.u32 $0x3D1, s5;
	s5 =	sadd.s32 s2, s8;
	[dreg:$0x12] =	wrdreg s1  }
0xc: {  	s30 =	sadd.s32 $0x80, s5;
	[dreg:$0x4] =	wrdreg s5  }
0xd: {  	s31 =	sadd.s32 $0x100, s5;
	[dreg:$0x5] =	wrdreg s30  }
0xe: {  	s8 =	sadd.s32 $0x180, s5;
	[dreg:$0x6] =	wrdreg s31  }
0xf: {  	s9 =	sadd.s32 $0x200, s5;
	[dreg:$0x7] =	wrdreg s8  }
0x10: {  	s10 =	sadd.s32 $0x280, s5;
	[dreg:$0x8] =	wrdreg s9  }
0x11: {  	s11 =	sadd.s32 $0x300, s5;
	[dreg:$0x9] =	wrdreg s10  }
0x12: {  	s12 =	sadd.s32 $0x380, s5;
	[dreg:$0xa] =	wrdreg s11  }
0x13: {  	s13 =	sadd.s32 $0x400, s5;
	[dreg:$0xb] =	wrdreg s12  }
0x14: {  	s14 =	sadd.s32 $0x480, s5;
	[dreg:$0xc] =	wrdreg s13  }
0x15: {  	s15 =	sadd.s32 $0x500, s5;
	[dreg:$0xd] =	wrdreg s14  }
0x16: {  	s16 =	sadd.s32 $0x580, s5;
	[dreg:$0xe] =	wrdreg s15  }
0x17: {  	s19 =	sshll.u32 s4, $0xA;
	s18 =	sadd.s32 $0x680, s5;
	[dreg:$0xf] =	wrdreg s16  }
0x18: {  	s1 =	sor.u32 $0x10000, s19;
	[dreg:$0x11] =	wrdreg s18  }
0x19: {  	s20 =	sadd.s32 $0x700, s5;
	[dreg:$0x13] =	wrdreg s1  }
0x1a: {  	s21 =	sadd.s32 $0x780, s5;
	[dreg:$0x15] =	wrdreg s20  }
0x1b: {  	s23 =	sadd.s32 $0x800, s5;
	[dreg:$0x16] =	wrdreg s21  }
0x1c: {  	s25 =	sadd.s32 $0x880, s5;
	[dreg:$0x17] =	wrdreg s23  }
0x1d: {  	s26 =	sadd.s32 $0x900, s5;
	[dreg:$0x18] =	wrdreg s25  }
0x1e: {  	s28 =	sadd.s32 $0x980, s5;
	[dreg:$0x19] =	wrdreg s26  }
0x1f: {  	s29 =	sadd.s32 $0xA00, s5;
	[dreg:$0x1a] =	wrdreg s28  }
0x20: {  	s22 =	smul.u32 $0x1E85, s4;
	s4 =	sadd.s32 $0xC00, s5;
	[dreg:$0x1b] =	wrdreg s29  }
0x21: {  	s19 =	sadd.s32 $0x1400, s24;
	[dreg:$0x1f] =	wrdreg s4  }
0x22: {  	s8 =	sadd.s32 $0x600, s5;
	[smem:$0x7F4] =	sst s19  }
0x23: {  	s30 =	sadd.s32 $0xA80, s5;
	[dreg:$0x10] =	wrdreg s8  }
0x24: {  	s31 =	sadd.s32 $0xB00, s5;
	[dreg:$0x1c] =	wrdreg s30  }
0x25: {  	s1 =	sadd.s32 $0xB80, s5;
	[dreg:$0x1d] =	wrdreg s31  }
0x26: {  	s9 =	sadd.s32 $0xD00, s5;
	[dreg:$0x1e] =	wrdreg s1  }
0x27: {  	s10 =	sadd.s32 $0xD80, s5;
	[smem:$0x7EA] =	sst s9  }
0x28: {  	s11 =	sadd.s32 $0xE00, s5;
	[smem:$0x7EB] =	sst s10  }
0x29: {  	s12 =	sadd.s32 $0xE80, s5;
	[smem:$0x7EC] =	sst s11  }
0x2a: {  	s13 =	sadd.s32 $0xF00, s5;
	[smem:$0x7ED] =	sst s12  }
0x2b: {  	s14 =	sadd.s32 $0xF80, s5;
	[smem:$0x7EE] =	sst s13  }
0x2c: {  	s15 =	sadd.s32 $0x400, s24;
	[smem:$0x7EF] =	sst s14  }
0x2d: {  	s16 =	sadd.s32 $0x800, s24;
	[smem:$0x7F0] =	sst s15  }
0x2e: {  	s18 =	sadd.s32 $0x1000, s24;
	[smem:$0x7F1] =	sst s16  }
0x2f: {  	s20 =	sadd.s32 $0x1800, s24;
	[smem:$0x7F3] =	sst s18  }
0x30: {  	s21 =	sadd.s32 $0x1C00, s24;
	[smem:$0x7F5] =	sst s20  }
0x31: {  	s23 =	sadd.s32 $0x2000, s24;
	[smem:$0x7F6] =	sst s21  }
0x32: {  	s17 =	sadd.s32 $0x5C00, s24;
	s25 =	sadd.s32 $0x2400, s24;
	[smem:$0x7F7] =	sst s23  }
0x33: {  	s26 =	sadd.s32 $0x2800, s24;
	s28 =	sadd.s32 $0x2C00, s24;
	[smem:$0x7F8] =	sst s25  }
0x34: {  	s29 =	sadd.s32 $0x3000, s24;
	s4 =	sadd.s32 $0x6800, s24;
	[smem:$0x7F9] =	sst s26  }
0x35: {  	s19 =	sadd.s32 $0x6C00, s24;
	s8 =	sadd.s32 $0xC80, s5;
	[smem:$0x7FA] =	sst s28  }
0x36: {  	[smem:$0x7FB] =	sst s29;
	s30 =	sadd.s32 $0x3400, s24;
	s31 =	sadd.s32 $0x3800, s24  }
0x37: {  	s9 =	sadd.s32 $0x3C00, s24;
	s10 =	sadd.s32 $0x4000, s24;
	s11 =	sadd.s32 $0x4400, s24  }
0x38: {  	s12 =	sadd.s32 $0x4800, s24;
	s13 =	sadd.s32 $0x4C00, s24;
	s14 =	sadd.s32 $0x5000, s24  }
.Ltmp0:
0x39: {  	s15 =	sadd.s32 $0x5400, s24;
	s16 =	sadd.s32 $0x5800, s24;
	(pc) =	sbr.rel .LBB2_1-.Ltmp0, $4  }
0x3a: {  	s18 =	sadd.s32 $0x6000, s24;
	s20 =	sadd.s32 $0x7000, s24;
	s21 =	sadd.s32 $0x7400, s24  }
0x3b: {  	s23 =	sadd.s32 $0x7800, s24;
	s5 =	smov.u32 s24;
	[smem:$0x7E9] =	sst s8  }
0x3c: {  	s25 =	simm.s32 $0x1;
	s1 =	simm.s32 $0x0;
	[smem:$0x7FC] =	sst s30  }
0x3d: {  	[smem:$0x7FD] =	sst s31;
	s8 =	sadd.s32 $0x6400, s24;
	s24 =	sadd.s32 $0x7C00, s24  }
.LBB2_5:
0x3e: {  	s0 =	simm.s32 $0x2  }
0x3f: {  	_ =	swait.ge [sflag:s0], $0x8000  }
0x40: {  	[sflag:s0] =	ssyncset.done $0x0  }
0x41: {  	s1 =	simm.s32 $0x10000;
	s26 =	rddreg [dreg:$0x3];
	[sflag:s0] =	ssyncadd.s32 $0xFFFF8000  }
0x42: {  	[tilespmem:s1], [sflag:$0x3] =	stream.linear.gather [hbm4b:s26+s3], $0x1000, $0x38;
	[tilespmem:$0x11000] =	vst v63  }
0x43: {  	s26 =	simm.s32 $0x3  }
0x44: {  	_ =	swait.ge [sflag:s26], $0x1000  }
0x45: {  	[sflag:s26] =	ssyncset.done $0x0;
	s28 =	rddreg [dreg:$0x12]  }
0x46: {  	s29 =	rddreg [dreg:$0x13];
	[sflag:s26] =	ssyncadd.s32 $0xFFFFF000  }
0x47: {  	[hbm4b:s28+s3] =	stream.linear.scatter [tilespmem:s29], [sflag:$0x3], $0x400, $0x38;
	[tilespmem:$0x11000] =	vst v63  }
0x48: {  	_ =	swait.ge [sflag:s26], $0x400  }
0x49: {  	s30 =	sld [smem:$0x7E8];
	_ =	sdelay $0x2  }
0x4a: {  	s31 =	rddreg [dreg:$0x14];
	s1 =	sadd.s32 $0x1, s30  }
0x4b: {  	p0 =	sne.s32 s1, s31  }
.Ltmp1:
0x4c: {  	_ = 	snop;
	(pc) =	sbr.rel @!p0 .LBB2_6-.Ltmp1, $3  }
0x4d: {  	_ =	sdelay $0x1  }
0x4e: {  	[sflag:s26] =	ssyncset.done $0x0  }
0x4f: {  	[sflag:s26] =	ssyncadd.s32 $0xFFFFFC00  }
.LBB2_1:
0x50: {  	[smem:$0x7E8] =	sst s1  }
0x51: {  	s0 =	rddreg [dreg:$0x4]  }
0x52: {  	s30 =	rddreg [dreg:$0x5]  }
0x53: {  	[tilespmem:s3], [sflag:$0x1] =	stream.linear.gather [hbm4b:s0+s3], $0x400, $0x38;
	[tilespmem:$0x11000] =	vst v63  }
0x54: {  	s31 =	simm.s32 $0x400;
	s1 =	rddreg [dreg:$0x6]  }
0x55: {  	[tilespmem:s31], [sflag:$0x1] =	stream.linear.gather [hbm4b:s30+s3], $0x400, $0x38;
	[tilespmem:$0x11000] =	vst v63  }
0x56: {  	s26 =	simm.s32 $0x800;
	s28 =	rddreg [dreg:$0x7]  }
0x57: {  	[tilespmem:s26], [sflag:$0x1] =	stream.linear.gather [hbm4b:s1+s3], $0x400, $0x38;
	[tilespmem:$0x11000] =	vst v63  }
0x58: {  	s29 =	simm.s32 $0xC00;
	s30 =	rddreg [dreg:$0x8]  }
0x59: {  	[tilespmem:s29], [sflag:$0x1] =	stream.linear.gather [hbm4b:s28+s3], $0x400, $0x38;
	[tilespmem:$0x11000] =	vst v63  }
0x5a: {  	s31 =	simm.s32 $0x1000;
	s1 =	rddreg [dreg:$0x9]  }
0x5b: {  	[tilespmem:s31], [sflag:$0x1] =	stream.linear.gather [hbm4b:s30+s3], $0x400, $0x38;
	[tilespmem:$0x11000] =	vst v63  }
0x5c: {  	s26 =	simm.s32 $0x1400;
	s28 =	rddreg [dreg:$0xa]  }
0x5d: {  	[tilespmem:s26], [sflag:$0x1] =	stream.linear.gather [hbm4b:s1+s3], $0x400, $0x38;
	[tilespmem:$0x11000] =	vst v63  }
0x5e: {  	s29 =	simm.s32 $0x1800;
	s30 =	rddreg [dreg:$0xb]  }
0x5f: {  	[tilespmem:s29], [sflag:$0x1] =	stream.linear.gather [hbm4b:s28+s3], $0x400, $0x38;
	[tilespmem:$0x11000] =	vst v63  }
0x60: {  	s31 =	simm.s32 $0x1C00;
	s1 =	rddreg [dreg:$0xc]  }
0x61: {  	[tilespmem:s31], [sflag:$0x1] =	stream.linear.gather [hbm4b:s30+s3], $0x400, $0x38;
	[tilespmem:$0x11000] =	vst v63  }
0x62: {  	s26 =	simm.s32 $0x2000;
	s28 =	rddreg [dreg:$0xd]  }
0x63: {  	[tilespmem:s26], [sflag:$0x1] =	stream.linear.gather [hbm4b:s1+s3], $0x400, $0x38;
	[tilespmem:$0x11000] =	vst v63  }
0x64: {  	s29 =	simm.s32 $0x2400;
	s30 =	rddreg [dreg:$0xe]  }
0x65: {  	[tilespmem:s29], [sflag:$0x1] =	stream.linear.gather [hbm4b:s28+s3], $0x400, $0x38;
	[tilespmem:$0x11000] =	vst v63  }
0x66: {  	s31 =	simm.s32 $0x2800;
	s1 =	rddreg [dreg:$0xf]  }
0x67: {  	[tilespmem:s31], [sflag:$0x1] =	stream.linear.gather [hbm4b:s30+s3], $0x400, $0x38;
	[tilespmem:$0x11000] =	vst v63  }
0x68: {  	s26 =	simm.s32 $0x2C00;
	s28 =	rddreg [dreg:$0x10]  }
0x69: {  	[tilespmem:s26], [sflag:$0x1] =	stream.linear.gather [hbm4b:s1+s3], $0x400, $0x38;
	[tilespmem:$0x11000] =	vst v63  }
0x6a: {  	s29 =	simm.s32 $0x3000;
	s30 =	rddreg [dreg:$0x11]  }
0x6b: {  	[tilespmem:s29], [sflag:$0x1] =	stream.linear.gather [hbm4b:s28+s3], $0x400, $0x38;
	[tilespmem:$0x11000] =	vst v63  }
0x6c: {  	s31 =	simm.s32 $0x3400;
	s1 =	rddreg [dreg:$0x15]  }
0x6d: {  	[tilespmem:s31], [sflag:$0x1] =	stream.linear.gather [hbm4b:s30+s3], $0x400, $0x38;
	[tilespmem:$0x11000] =	vst v63  }
0x6e: {  	s26 =	simm.s32 $0x3800;
	s28 =	rddreg [dreg:$0x16]  }
0x6f: {  	[tilespmem:s26], [sflag:$0x1] =	stream.linear.gather [hbm4b:s1+s3], $0x400, $0x38;
	[tilespmem:$0x11000] =	vst v63  }
0x70: {  	s29 =	simm.s32 $0x3C00;
	s30 =	rddreg [dreg:$0x17]  }
0x71: {  	[tilespmem:s29], [sflag:$0x1] =	stream.linear.gather [hbm4b:s28+s3], $0x400, $0x38;
	[tilespmem:$0x11000] =	vst v63  }
0x72: {  	s31 =	simm.s32 $0x4000;
	s1 =	rddreg [dreg:$0x18]  }
0x73: {  	[tilespmem:s31], [sflag:$0x1] =	stream.linear.gather [hbm4b:s30+s3], $0x400, $0x38;
	[tilespmem:$0x11000] =	vst v63  }
0x74: {  	s26 =	simm.s32 $0x4400;
	s28 =	rddreg [dreg:$0x19]  }
0x75: {  	[tilespmem:s26], [sflag:$0x1] =	stream.linear.gather [hbm4b:s1+s3], $0x400, $0x38;
	[tilespmem:$0x11000] =	vst v63  }
0x76: {  	s29 =	simm.s32 $0x4800;
	s30 =	rddreg [dreg:$0x1a]  }
0x77: {  	[tilespmem:s29], [sflag:$0x1] =	stream.linear.gather [hbm4b:s28+s3], $0x400, $0x38;
	[tilespmem:$0x11000] =	vst v63  }
0x78: {  	s31 =	simm.s32 $0x4C00;
	s1 =	rddreg [dreg:$0x1b]  }
0x79: {  	[tilespmem:s31], [sflag:$0x1] =	stream.linear.gather [hbm4b:s30+s3], $0x400, $0x38;
	[tilespmem:$0x11000] =	vst v63  }
0x7a: {  	s26 =	simm.s32 $0x5000;
	s28 =	rddreg [dreg:$0x1c]  }
0x7b: {  	[tilespmem:s26], [sflag:$0x1] =	stream.linear.gather [hbm4b:s1+s3], $0x400, $0x38;
	[tilespmem:$0x11000] =	vst v63  }
0x7c: {  	s29 =	simm.s32 $0x5400;
	s30 =	rddreg [dreg:$0x1d]  }
0x7d: {  	[tilespmem:s29], [sflag:$0x1] =	stream.linear.gather [hbm4b:s28+s3], $0x400, $0x38;
	[tilespmem:$0x11000] =	vst v63  }
0x7e: {  	s31 =	simm.s32 $0x5800;
	s1 =	rddreg [dreg:$0x1e]  }
0x7f: {  	[tilespmem:s31], [sflag:$0x1] =	stream.linear.gather [hbm4b:s30+s3], $0x400, $0x38;
	[tilespmem:$0x11000] =	vst v63  }
0x80: {  	s26 =	simm.s32 $0x5C00;
	s28 =	rddreg [dreg:$0x1f]  }
0x81: {  	[tilespmem:s26], [sflag:$0x1] =	stream.linear.gather [hbm4b:s1+s3], $0x400, $0x38;
	[tilespmem:$0x11000] =	vst v63  }
0x82: {  	s29 =	simm.s32 $0x6000;
	s30 =	sld [smem:$0x7E9]  }
0x83: {  	[tilespmem:s29], [sflag:$0x1] =	stream.linear.gather [hbm4b:s28+s3], $0x400, $0x38;
	[tilespmem:$0x11000] =	vst v63  }
0x84: {  	s31 =	simm.s32 $0x6400;
	s1 =	sld [smem:$0x7EA]  }
0x85: {  	[tilespmem:s31], [sflag:$0x1] =	stream.linear.gather [hbm4b:s30+s3], $0x400, $0x38;
	[tilespmem:$0x11000] =	vst v63  }
0x86: {  	s26 =	simm.s32 $0x6800;
	s28 =	sld [smem:$0x7EB]  }
0x87: {  	[tilespmem:s26], [sflag:$0x1] =	stream.linear.gather [hbm4b:s1+s3], $0x400, $0x38;
	[tilespmem:$0x11000] =	vst v63  }
0x88: {  	s29 =	simm.s32 $0x6C00;
	s30 =	sld [smem:$0x7EC]  }
0x89: {  	[tilespmem:s29], [sflag:$0x1] =	stream.linear.gather [hbm4b:s28+s3], $0x400, $0x38;
	[tilespmem:$0x11000] =	vst v63  }
0x8a: {  	s31 =	simm.s32 $0x7000;
	s1 =	sld [smem:$0x7ED]  }
0x8b: {  	[tilespmem:s31], [sflag:$0x1] =	stream.linear.gather [hbm4b:s30+s3], $0x400, $0x38;
	[tilespmem:$0x11000] =	vst v63  }
0x8c: {  	s26 =	simm.s32 $0x7400;
	s28 =	sld [smem:$0x7EE]  }
0x8d: {  	[tilespmem:s26], [sflag:$0x1] =	stream.linear.gather [hbm4b:s1+s3], $0x400, $0x38;
	[tilespmem:$0x11000] =	vst v63  }
.Ltmp2:
0x8e: {  	_ = 	snop;
	(pc) =	sbr.rel .LBB2_2-.Ltmp2, $4  }
0x8f: {  	s29 =	simm.s32 $0x7800;
	s30 =	sld [smem:$0x7EF]  }
0x90: {  	[tilespmem:s29], [sflag:$0x1] =	stream.linear.gather [hbm4b:s28+s3], $0x400, $0x38;
	[tilespmem:$0x11000] =	vst v63  }
0x91: {  	s31 =	simm.s32 $0x7C00;
	s26 =	simm.s32 $0x0  }
0x92: {  	[tilespmem:s31], [sflag:$0x1] =	stream.linear.gather [hbm4b:s30+s3], $0x400, $0x38;
	[tilespmem:$0x11000] =	vst v63  }
.LBB2_4:
0x93: {  	s0 =	sshll.u32 s26, $0x5  }
0x94: {  	p0 =	slt.u32 s29, $0x1F;
	s0 =	sadd.s32 s7, s0  }
.Ltmp3:
0x95: {  	s0 =	smin.u32 s0, $0x1E64;
	(pc) =	sbr.rel @!p0 .LBB2_5-.Ltmp3, $4  }
0x96: {  	s0 =	sadd.s32 s22, s0  }
0x97: {  	s0 =	sshll.u32 s0, $0x7  }
0x98: {  	s26 =	smov.u32 s29;
	s0 =	sadd.s32 s6, s0  }
0x99: {  	[hbm4b:s0+s3] =	stream.linear.scatter [tilespmem:s28], [sflag:$0x2], $0x8000, $0x38;
	[tilespmem:$0x11000] =	vst v63  }
.LBB2_2:
0x9a: {  	p0 =	seq.s32 s26, $0x0  }
0x9b: {  	p1 =	seq.s32 @!p0 s26, $0x1E  }
0x9c: {  	_ =	swait.ge [sflag:s25], $0x8000;
	p1 =	por p0, !p1  }
.Ltmp4:
0x9d: {  	[sflag:s25] =	ssyncset.done $0x0;
	(pc) =	sbr.rel @!p1 .LBB2_4-.Ltmp4, $4  }
0x9e: {  	s29 =	simm.s32 @!p0 $0x2;
	[sflag:s25] =	ssyncadd.s32 $0xFFFF8000  }
0x9f: {  	_ =	swait.ge @!p0 [sflag:s29], $0x8000  }
0xa0: {  	s28 =	sand.u32 $0x1, s26;
	[sflag:s29] =	ssyncset.done @!p0 $0x0  }
0xa1: {  	s28 =	sshll.u32 s28, $0xF;
	[sflag:s29] =	ssyncadd.s32 @!p0 $0xFFFF8000;
	s29 =	simm.s32 @!p0 $0x1F  }
0xa2: {  	s29 =	sadd.s32 @!p0 $0x1, s26  }
0xa3: {  	s29 =	simm.s32 @p0 $0x1  }
0xa4: {  	s30 =	sshll.u32 s29, $0x5  }
0xa5: {  	s30 =	sadd.s32 s7, s30  }
0xa6: {  	s30 =	smin.u32 s30, $0x1E64  }
0xa7: {  	s30 =	sshll.u32 s30, $0xA  }
0xa8: {  	s31 =	sadd.s32 s5, s30  }
0xa9: {  	s1 =	sld [smem:$0x7F0];
	s0 =	sshrl.u32 s31, $0x3  }
0xaa: {  	s31 =	sxor.u32 $0x8000, s28;
	s0 =	sadd.s32 s2, s0  }
0xab: {  	[tilespmem:s31], [sflag:$0x1] =	stream.linear.gather [hbm4b:s0+s3], $0x400, $0x38;
	[tilespmem:$0x11000] =	vst v63  }
0xac: {  	s0 =	sadd.s32 s30, s1  }
0xad: {  	s0 =	sshrl.u32 s0, $0x3  }
0xae: {  	s1 =	sor.u32 $0x400, s31;
	s0 =	sadd.s32 s2, s0  }
0xaf: {  	[tilespmem:s1], [sflag:$0x1] =	stream.linear.gather [hbm4b:s0+s3], $0x400, $0x38;
	[tilespmem:$0x11000] =	vst v63  }
0xb0: {  	s1 =	sld [smem:$0x7F1];
	_ =	sdelay $0x2  }
0xb1: {  	s0 =	sadd.s32 s30, s1  }
0xb2: {  	s0 =	sshrl.u32 s0, $0x3  }
0xb3: {  	s1 =	sor.u32 $0x800, s31;
	s0 =	sadd.s32 s2, s0  }
0xb4: {  	[tilespmem:s1], [sflag:$0x1] =	stream.linear.gather [hbm4b:s0+s3], $0x400, $0x38;
	[tilespmem:$0x11000] =	vst v63  }
0xb5: {  	s1 =	sld [smem:$0x7F2];
	_ =	sdelay $0x2  }
0xb6: {  	s0 =	sadd.s32 s30, s1  }
0xb7: {  	s0 =	sshrl.u32 s0, $0x3  }
0xb8: {  	s1 =	sor.u32 $0xC00, s31;
	s0 =	sadd.s32 s2, s0  }
0xb9: {  	[tilespmem:s1], [sflag:$0x1] =	stream.linear.gather [hbm4b:s0+s3], $0x400, $0x38;
	[tilespmem:$0x11000] =	vst v63  }
0xba: {  	s1 =	sld [smem:$0x7F3];
	_ =	sdelay $0x2  }
0xbb: {  	s0 =	sadd.s32 s30, s1  }
0xbc: {  	s0 =	sshrl.u32 s0, $0x3  }
0xbd: {  	s1 =	sor.u32 $0x1000, s31;
	s0 =	sadd.s32 s2, s0  }
0xbe: {  	[tilespmem:s1], [sflag:$0x1] =	stream.linear.gather [hbm4b:s0+s3], $0x400, $0x38;
	[tilespmem:$0x11000] =	vst v63  }
0xbf: {  	s1 =	sld [smem:$0x7F4];
	_ =	sdelay $0x2  }
0xc0: {  	s0 =	sadd.s32 s30, s1  }
0xc1: {  	s0 =	sshrl.u32 s0, $0x3  }
0xc2: {  	s1 =	sor.u32 $0x1400, s31;
	s0 =	sadd.s32 s2, s0  }
0xc3: {  	[tilespmem:s1], [sflag:$0x1] =	stream.linear.gather [hbm4b:s0+s3], $0x400, $0x38;
	[tilespmem:$0x11000] =	vst v63  }
0xc4: {  	s1 =	sld [smem:$0x7F5];
	_ =	sdelay $0x2  }
0xc5: {  	s0 =	sadd.s32 s30, s1  }
0xc6: {  	s0 =	sshrl.u32 s0, $0x3  }
0xc7: {  	s1 =	sor.u32 $0x1800, s31;
	s0 =	sadd.s32 s2, s0  }
0xc8: {  	[tilespmem:s1], [sflag:$0x1] =	stream.linear.gather [hbm4b:s0+s3], $0x400, $0x38;
	[tilespmem:$0x11000] =	vst v63  }
0xc9: {  	s1 =	sld [smem:$0x7F6];
	_ =	sdelay $0x2  }
0xca: {  	s0 =	sadd.s32 s30, s1  }
0xcb: {  	s0 =	sshrl.u32 s0, $0x3  }
0xcc: {  	s1 =	sor.u32 $0x1C00, s31;
	s0 =	sadd.s32 s2, s0  }
0xcd: {  	[tilespmem:s1], [sflag:$0x1] =	stream.linear.gather [hbm4b:s0+s3], $0x400, $0x38;
	[tilespmem:$0x11000] =	vst v63  }
0xce: {  	s1 =	sld [smem:$0x7F7];
	_ =	sdelay $0x2  }
0xcf: {  	s0 =	sadd.s32 s30, s1  }
0xd0: {  	s0 =	sshrl.u32 s0, $0x3  }
0xd1: {  	s1 =	sor.u32 $0x2000, s31;
	s0 =	sadd.s32 s2, s0  }
0xd2: {  	[tilespmem:s1], [sflag:$0x1] =	stream.linear.gather [hbm4b:s0+s3], $0x400, $0x38;
	[tilespmem:$0x11000] =	vst v63  }
0xd3: {  	s1 =	sld [smem:$0x7F8];
	_ =	sdelay $0x2  }
0xd4: {  	s0 =	sadd.s32 s30, s1  }
0xd5: {  	s0 =	sshrl.u32 s0, $0x3  }
0xd6: {  	s1 =	sor.u32 $0x2400, s31;
	s0 =	sadd.s32 s2, s0  }
0xd7: {  	[tilespmem:s1], [sflag:$0x1] =	stream.linear.gather [hbm4b:s0+s3], $0x400, $0x38;
	[tilespmem:$0x11000] =	vst v63  }
0xd8: {  	s1 =	sld [smem:$0x7F9];
	_ =	sdelay $0x2  }
0xd9: {  	s0 =	sadd.s32 s30, s1  }
0xda: {  	s0 =	sshrl.u32 s0, $0x3  }
0xdb: {  	s1 =	sor.u32 $0x2800, s31;
	s0 =	sadd.s32 s2, s0  }
0xdc: {  	[tilespmem:s1], [sflag:$0x1] =	stream.linear.gather [hbm4b:s0+s3], $0x400, $0x38;
	[tilespmem:$0x11000] =	vst v63  }
0xdd: {  	s1 =	sld [smem:$0x7FA];
	_ =	sdelay $0x2  }
0xde: {  	s0 =	sadd.s32 s30, s1  }
0xdf: {  	s0 =	sshrl.u32 s0, $0x3  }
0xe0: {  	s1 =	sor.u32 $0x2C00, s31;
	s0 =	sadd.s32 s2, s0  }
0xe1: {  	[tilespmem:s1], [sflag:$0x1] =	stream.linear.gather [hbm4b:s0+s3], $0x400, $0x38;
	[tilespmem:$0x11000] =	vst v63  }
0xe2: {  	s1 =	sld [smem:$0x7FB];
	_ =	sdelay $0x2  }
0xe3: {  	s0 =	sadd.s32 s30, s1  }
0xe4: {  	s0 =	sshrl.u32 s0, $0x3  }
0xe5: {  	s1 =	sor.u32 $0x3000, s31;
	s0 =	sadd.s32 s2, s0  }
0xe6: {  	[tilespmem:s1], [sflag:$0x1] =	stream.linear.gather [hbm4b:s0+s3], $0x400, $0x38;
	[tilespmem:$0x11000] =	vst v63  }
0xe7: {  	s1 =	sld [smem:$0x7FC];
	_ =	sdelay $0x2  }
0xe8: {  	s0 =	sadd.s32 s30, s1  }
0xe9: {  	s0 =	sshrl.u32 s0, $0x3  }
0xea: {  	s1 =	sor.u32 $0x3400, s31;
	s0 =	sadd.s32 s2, s0  }
0xeb: {  	[tilespmem:s1], [sflag:$0x1] =	stream.linear.gather [hbm4b:s0+s3], $0x400, $0x38;
	[tilespmem:$0x11000] =	vst v63  }
0xec: {  	s1 =	sld [smem:$0x7FD];
	_ =	sdelay $0x2  }
0xed: {  	s0 =	sadd.s32 s30, s1  }
0xee: {  	s0 =	sshrl.u32 s0, $0x3  }
0xef: {  	s1 =	sor.u32 $0x3800, s31;
	s0 =	sadd.s32 s2, s0  }
0xf0: {  	[tilespmem:s1], [sflag:$0x1] =	stream.linear.gather [hbm4b:s0+s3], $0x400, $0x38;
	[tilespmem:$0x11000] =	vst v63  }
0xf1: {  	s1 =	sadd.s32 s30, s9  }
0xf2: {  	s0 =	sshrl.u32 s1, $0x3  }
0xf3: {  	s1 =	sor.u32 $0x3C00, s31;
	s0 =	sadd.s32 s2, s0  }
0xf4: {  	[tilespmem:s1], [sflag:$0x1] =	stream.linear.gather [hbm4b:s0+s3], $0x400, $0x38;
	[tilespmem:$0x11000] =	vst v63  }
0xf5: {  	s1 =	sadd.s32 s30, s10  }
0xf6: {  	s0 =	sshrl.u32 s1, $0x3  }
0xf7: {  	s1 =	sor.u32 $0x4000, s31;
	s0 =	sadd.s32 s2, s0  }
0xf8: {  	[tilespmem:s1], [sflag:$0x1] =	stream.linear.gather [hbm4b:s0+s3], $0x400, $0x38;
	[tilespmem:$0x11000] =	vst v63  }
0xf9: {  	s1 =	sadd.s32 s30, s11  }
0xfa: {  	s0 =	sshrl.u32 s1, $0x3  }
0xfb: {  	s1 =	sor.u32 $0x4400, s31;
	s0 =	sadd.s32 s2, s0  }
0xfc: {  	[tilespmem:s1], [sflag:$0x1] =	stream.linear.gather [hbm4b:s0+s3], $0x400, $0x38;
	[tilespmem:$0x11000] =	vst v63  }
0xfd: {  	s1 =	sadd.s32 s30, s12  }
0xfe: {  	s0 =	sshrl.u32 s1, $0x3  }
0xff: {  	s1 =	sor.u32 $0x4800, s31;
	s0 =	sadd.s32 s2, s0  }
0x100: {  	[tilespmem:s1], [sflag:$0x1] =	stream.linear.gather [hbm4b:s0+s3], $0x400, $0x38;
	[tilespmem:$0x11000] =	vst v63  }
0x101: {  	s1 =	sadd.s32 s30, s13  }
0x102: {  	s0 =	sshrl.u32 s1, $0x3  }
0x103: {  	s1 =	sor.u32 $0x4C00, s31;
	s0 =	sadd.s32 s2, s0  }
0x104: {  	[tilespmem:s1], [sflag:$0x1] =	stream.linear.gather [hbm4b:s0+s3], $0x400, $0x38;
	[tilespmem:$0x11000] =	vst v63  }
0x105: {  	s1 =	sadd.s32 s30, s14  }
0x106: {  	s0 =	sshrl.u32 s1, $0x3  }
0x107: {  	s1 =	sor.u32 $0x5000, s31;
	s0 =	sadd.s32 s2, s0  }
0x108: {  	[tilespmem:s1], [sflag:$0x1] =	stream.linear.gather [hbm4b:s0+s3], $0x400, $0x38;
	[tilespmem:$0x11000] =	vst v63  }
0x109: {  	s1 =	sadd.s32 s30, s15  }
0x10a: {  	s0 =	sshrl.u32 s1, $0x3  }
0x10b: {  	s1 =	sor.u32 $0x5400, s31;
	s0 =	sadd.s32 s2, s0  }
0x10c: {  	[tilespmem:s1], [sflag:$0x1] =	stream.linear.gather [hbm4b:s0+s3], $0x400, $0x38;
	[tilespmem:$0x11000] =	vst v63  }
0x10d: {  	s1 =	sadd.s32 s30, s16  }
0x10e: {  	s0 =	sshrl.u32 s1, $0x3  }
0x10f: {  	s1 =	sor.u32 $0x5800, s31;
	s0 =	sadd.s32 s2, s0  }
0x110: {  	[tilespmem:s1], [sflag:$0x1] =	stream.linear.gather [hbm4b:s0+s3], $0x400, $0x38;
	[tilespmem:$0x11000] =	vst v63  }
0x111: {  	s1 =	sadd.s32 s30, s17  }
0x112: {  	s0 =	sshrl.u32 s1, $0x3  }
0x113: {  	s1 =	sor.u32 $0x5C00, s31;
	s0 =	sadd.s32 s2, s0  }
0x114: {  	[tilespmem:s1], [sflag:$0x1] =	stream.linear.gather [hbm4b:s0+s3], $0x400, $0x38;
	[tilespmem:$0x11000] =	vst v63  }
0x115: {  	s1 =	sadd.s32 s30, s18  }
0x116: {  	s0 =	sshrl.u32 s1, $0x3  }
0x117: {  	s1 =	sor.u32 $0x6000, s31;
	s0 =	sadd.s32 s2, s0  }
0x118: {  	[tilespmem:s1], [sflag:$0x1] =	stream.linear.gather [hbm4b:s0+s3], $0x400, $0x38;
	[tilespmem:$0x11000] =	vst v63  }
0x119: {  	s1 =	sadd.s32 s30, s8  }
0x11a: {  	s0 =	sshrl.u32 s1, $0x3  }
0x11b: {  	s1 =	sor.u32 $0x6400, s31;
	s0 =	sadd.s32 s2, s0  }
0x11c: {  	[tilespmem:s1], [sflag:$0x1] =	stream.linear.gather [hbm4b:s0+s3], $0x400, $0x38;
	[tilespmem:$0x11000] =	vst v63  }
0x11d: {  	s1 =	sadd.s32 s30, s4  }
0x11e: {  	s0 =	sshrl.u32 s1, $0x3  }
0x11f: {  	s1 =	sor.u32 $0x6800, s31;
	s0 =	sadd.s32 s2, s0  }
0x120: {  	[tilespmem:s1], [sflag:$0x1] =	stream.linear.gather [hbm4b:s0+s3], $0x400, $0x38;
	[tilespmem:$0x11000] =	vst v63  }
0x121: {  	s1 =	sadd.s32 s30, s19  }
0x122: {  	s0 =	sshrl.u32 s1, $0x3  }
0x123: {  	s1 =	sor.u32 $0x6C00, s31;
	s0 =	sadd.s32 s2, s0  }
0x124: {  	[tilespmem:s1], [sflag:$0x1] =	stream.linear.gather [hbm4b:s0+s3], $0x400, $0x38;
	[tilespmem:$0x11000] =	vst v63  }
0x125: {  	s1 =	sadd.s32 s30, s20  }
0x126: {  	s0 =	sshrl.u32 s1, $0x3  }
0x127: {  	s1 =	sor.u32 $0x7000, s31;
	s0 =	sadd.s32 s2, s0  }
0x128: {  	[tilespmem:s1], [sflag:$0x1] =	stream.linear.gather [hbm4b:s0+s3], $0x400, $0x38;
	[tilespmem:$0x11000] =	vst v63  }
0x129: {  	s1 =	sadd.s32 s30, s21  }
0x12a: {  	s0 =	sshrl.u32 s1, $0x3  }
0x12b: {  	s1 =	sor.u32 $0x7400, s31;
	s0 =	sadd.s32 s2, s0  }
0x12c: {  	[tilespmem:s1], [sflag:$0x1] =	stream.linear.gather [hbm4b:s0+s3], $0x400, $0x38;
	[tilespmem:$0x11000] =	vst v63  }
0x12d: {  	s1 =	sadd.s32 s30, s23  }
0x12e: {  	s30 =	sadd.s32 s30, s24;
	s0 =	sshrl.u32 s1, $0x3  }
.Ltmp5:
0x12f: {  	s1 =	sor.u32 $0x7800, s31;
	s0 =	sadd.s32 s2, s0;
	(pc) =	sbr.rel .LBB2_4-.Ltmp5, $4  }
0x130: {  	[tilespmem:s1], [sflag:$0x1] =	stream.linear.gather [hbm4b:s0+s3], $0x400, $0x38;
	[tilespmem:$0x11000] =	vst v63  }
0x131: {  	s0 =	sshrl.u32 s30, $0x3  }
0x132: {  	s31 =	sor.u32 $0x7C00, s31;
	s0 =	sadd.s32 s2, s0  }
0x133: {  	[tilespmem:s31], [sflag:$0x1] =	stream.linear.gather [hbm4b:s0+s3], $0x400, $0x38;
	[tilespmem:$0x11000] =	vst v63  }
.LBB2_6:
0x134: {  	_ =	sfence.sel $0x180000  }
0x135: {  	[bflag:$0x0] =	sbarrier.arrive $0xFFFF  }
0x136: {  	_ =	strace $0x90000047  }
0x137: {  	s0 =	stileid.u32;
	[bflag:$0x2] =	sbarrier.arrive $0xFFFF  }
0x138: {  	p0 =	sne.s32 s0, $0x0;
	s0 =	rddreg [dreg:$0x2]  }
0x139: {  	s0 =	sadd.s32 @!p0 $0x100000, s0  }
0x13a: {  	[sflag:s0] =	ssyncadd.tile.s32 @!p0 $0x1;
	_ =	shalt  }
.Lfunc_end2:
_tile_overlayer_lowered:
.L_overlay_start_2:
0x13b: {  	(tag) =	ssettag $0x2  }
0x13c: {  	s0 =	rddreg [dreg:$0x0];
	s2 =	stileid.u32  }
0x13d: {  	s1 =	rddreg [dreg:$0x1];
	p0 =	sne.s32 s2, $0x0  }
0x13e: {  	s3 =	rddreg [dreg:$0x2];
	[bflag:$0x3] =	sbarrier.arrive $0xFFFF;
	s2 =	simm.s32 @!p0 $0x1C03  }
0x13f: {  	[timem:s3], [sflag:s2] =	dma.local @!p0 [hbm:s0], s1  }
0x140: {  	s0 =	simm.s32 @!p0 $0x3  }
0x141: {  	_ =	swait.ge @!p0 [sflag:s0], s1  }
0x142: {  	s1 =	ssub.s32 @!p0 $0x0, s1;
	[sflag:s0] =	ssyncset.done @!p0 $0x0  }
0x143: {  	[sflag:s0] =	ssyncadd.s32 @!p0 s1  }
0x144: {  	[bflag:$0x3] =	sbarrier.arrive $0xFFFF  }
0x145: {  	_ =	shalt  }

// kernel: kernel.7.cloned.1.call-start
scs
__scs_entry_jumppad:
0x0: {  	(pc) =	sbr.rel $0x88, $3  }
0x1: {  	(tag) =	ssettag $0x0;
	lr =	simm.s32 $0x1  }
0x2: {  	[smem:$0x3F9E] =	sst lr;
	_ =	strace $0xD0000000  }
0x3: {  	_ = 	snop  }
0x4: {  	_ = 	snop  }
0x5: {  	_ = 	snop  }
0x6: {  	_ = 	snop  }
0x7: {  	_ = 	snop  }
__scs_overlays_trampoline_lowered:
0x8: {  	[smem:$0x3FAD] =	sst s0  }
0x9: {  	[smem:$0x3FAE] =	sst s1  }
0xa: {  	[smem:$0x3FAF] =	sst s2  }
0xb: {  	[smem:$0x3FB0] =	sst s3  }
0xc: {  	[smem:$0x3FB1] =	sst s4  }
0xd: {  	[smem:$0x3FB2] =	sst s5  }
0xe: {  	[smem:$0x3FB3] =	sst s6  }
0xf: {  	[smem:$0x3FB4] =	sst s7  }
0x10: {  	[smem:$0x3FB5] =	sst s8  }
0x11: {  	[smem:$0x3FB6] =	sst s9;
	s0 =	simm.s32 @!p0 $0x0  }
0x12: {  	s1 =	sld [smem:$0x3F9C];
	s0 =	simm.s32 @p0 $0x1  }
0x13: {  	[smem:$0x3FB7] =	sst s0;
	s0 =	simm.s32 @!p1 $0x0  }
0x14: {  	s2 =	sld [smem:$0x3F9B];
	s0 =	simm.s32 @p1 $0x1  }
0x15: {  	[smem:$0x3FB8] =	sst s0;
	s0 =	simm.s32 @!p2 $0x0  }
0x16: {  	s3 =	sld [smem:$0x3FDB];
	s0 =	simm.s32 @p2 $0x1  }
0x17: {  	s4 =	simm.s32 $0x1BF5;
	[smem:$0x3FBA] =	sst s0  }
0x18: {  	s0 =	sld [smem:$0x3F9D];
	_ =	swait.ge [sflag:s4], $0x0  }
0x19: {  	s7 =	sld [smem:$0x3F9E]  }
0x1a: {  	s8 =	sadd.s32 $0xFFFFE003, lr  }
0x1b: {  	s9 =	sadd.s32 $0xFFFFFEF7, lr;
	s5 =	simm.s32 $0xFFFFFFFF;
	p2 =	slt.u32 s8, $0xFFFFF086  }
0x1c: {  	p1 =	slt.u32 s9, $0xF7A;
	s5 =	simm.s32 @!p2 $0x0  }
0x1d: {  	s5 =	simm.s32 @p1 $0x1;
	p0 =	seq.s32 s7, s2  }
0x1e: {  	s7 =	smul.u32 @!p0 $0xF7A, s2;
	p2 =	seq.s32 @!p0 s5, $0x0  }
0x1f: {  	s9 =	smul.u32 $0xF7A, s1;
	s8 =	simm.s32 @!p0 $0x1BF5;
	p2 =	por !p2, p0  }
0x20: {  	[sflag:s8] =	ssyncset.s32 @!p0 $0xFFFFF086;
	s6 =	sadd.s32 @!p0 s3, s7;
	s7 =	simm.s32 @!p0 $0x108  }
0x21: {  	s3 =	sadd.s32 s3, s9;
	s6 =	sadd.s32 @!p0 $0x88, s6;
	s7 =	simm.s32 @p2 $0x1082  }
0x22: {  	[simem:s7], [sflag:s8] =	dma.local @!p0 [hbm:s6], $0xF7A  }
0x23: {  	s9 =	sor.u32 $0xD0000000, s2;
	s6 =	simm.s32 $0x108;
	_ =	swait.ge @!p0 [sflag:s8], $0x0  }
0x24: {  	s3 =	sadd.s32 $0x88, s3;
	s6 =	simm.s32 @!p1 $0x1082;
	[sflag:s4] =	ssyncset.s32 $0xFFFFF086  }
0x25: {  	[simem:s6], [sflag:s4] =	dma.local [hbm:s3], $0xF7A  }
0x26: {  	[smem:$0x3F9E] =	sst s1;
	(tag) =	ssettag s2;
	_ =	strace s9  }
0x27: {  	s1 =	sld [smem:$0x3FAE]  }
0x28: {  	s2 =	sld [smem:$0x3FAF]  }
0x29: {  	s4 =	sld [smem:$0x3FB1]  }
0x2a: {  	p0 =	seq.s32 s5, $0x0;
	s5 =	sld [smem:$0x3FB2]  }
0x2b: {  	s6 =	sld [smem:$0x3FB3]  }
0x2c: {  	s7 =	sld [smem:$0x3FB4]  }
0x2d: {  	s3 =	simm.s32 $0x108;
	s8 =	sld [smem:$0x3FB5]  }
0x2e: {  	s3 =	simm.s32 @!p0 $0x1082;
	s9 =	sld [smem:$0x3FB6]  }
0x2f: {  	lr =	sadd.s32 s0, s3;
	s0 =	sld [smem:$0x3FAD]  }
0x30: {  	s3 =	sld [smem:$0x3FB0]  }
0x31: {  	[smem:$0x3FB9] =	sst s10  }
0x32: {  	s10 =	sld [smem:$0x3FB7];
	_ =	sdelay $0x3  }
0x33: {  	p0 =	seq.s32 s10, $0x1;
	s10 =	sld [smem:$0x3FB9];
	_ =	sdelay $0x3  }
0x34: {  	[smem:$0x3FB9] =	sst s10  }
0x35: {  	s10 =	sld [smem:$0x3FB8];
	_ =	sdelay $0x3  }
0x36: {  	p1 =	seq.s32 s10, $0x1;
	s10 =	sld [smem:$0x3FB9];
	_ =	sdelay $0x3  }
0x37: {  	[smem:$0x3FB9] =	sst s10  }
0x38: {  	s10 =	sld [smem:$0x3FBA]  }
0x39: {  	_ = 	snop;
	(pc) =	sbr.ind lr, $3  }
0x3a: {  	_ = 	snop  }
0x3b: {  	_ = 	snop  }
0x3c: {  	p2 =	seq.s32 s10, $0x1;
	s10 =	sld [smem:$0x3FB9]  }
0x3d: {  	_ =	shalt  }
0x3e: {  	_ =	shalt  }
0x3f: {  	_ =	shalt  }
0x40: {  	_ =	shalt  }
0x41: {  	_ =	shalt  }
0x42: {  	_ =	shalt  }
0x43: {  	_ =	shalt  }
0x44: {  	_ =	shalt  }
0x45: {  	_ =	shalt  }
0x46: {  	_ =	shalt  }
0x47: {  	_ =	shalt  }
0x48: {  	_ =	shalt  }
0x49: {  	_ =	shalt  }
0x4a: {  	_ =	shalt  }
0x4b: {  	_ =	shalt  }
0x4c: {  	_ =	shalt  }
0x4d: {  	_ =	shalt  }
0x4e: {  	_ =	shalt  }
0x4f: {  	_ =	shalt  }
0x50: {  	_ =	shalt  }
0x51: {  	_ =	shalt  }
0x52: {  	_ =	shalt  }
0x53: {  	_ =	shalt  }
0x54: {  	_ =	shalt  }
0x55: {  	_ =	shalt  }
0x56: {  	_ =	shalt  }
0x57: {  	_ =	shalt  }
0x58: {  	_ =	shalt  }
0x59: {  	_ =	shalt  }
0x5a: {  	_ =	shalt  }
0x5b: {  	_ =	shalt  }
0x5c: {  	_ =	shalt  }
0x5d: {  	_ =	shalt  }
0x5e: {  	_ =	shalt  }
0x5f: {  	_ =	shalt  }
0x60: {  	_ =	shalt  }
0x61: {  	_ =	shalt  }
0x62: {  	_ =	shalt  }
0x63: {  	_ =	shalt  }
0x64: {  	_ =	shalt  }
0x65: {  	_ =	shalt  }
0x66: {  	_ =	shalt  }
0x67: {  	_ =	shalt  }
0x68: {  	_ =	shalt  }
0x69: {  	_ =	shalt  }
0x6a: {  	_ =	shalt  }
0x6b: {  	_ =	shalt  }
0x6c: {  	_ =	shalt  }
0x6d: {  	_ =	shalt  }
0x6e: {  	_ =	shalt  }
0x6f: {  	_ =	shalt  }
0x70: {  	_ =	shalt  }
0x71: {  	_ =	shalt  }
0x72: {  	_ =	shalt  }
0x73: {  	_ =	shalt  }
0x74: {  	_ =	shalt  }
0x75: {  	_ =	shalt  }
0x76: {  	_ =	shalt  }
0x77: {  	_ =	shalt  }
0x78: {  	_ =	shalt  }
0x79: {  	_ =	shalt  }
0x7a: {  	_ =	shalt  }
0x7b: {  	_ =	shalt  }
0x7c: {  	_ =	shalt  }
0x7d: {  	_ =	shalt  }
0x7e: {  	_ =	shalt  }
0x7f: {  	_ =	shalt  }
0x80: {  	_ =	shalt  }
0x81: {  	_ =	shalt  }
0x82: {  	_ =	shalt  }
0x83: {  	_ =	shalt  }
0x84: {  	_ =	shalt  }
0x85: {  	_ =	shalt  }
0x86: {  	_ =	shalt  }
0x87: {  	_ =	shalt  }
.Lfunc_end0:
.L_simem_size_0:
called_computation.1_lowered:
.L_overlay_start_0:
0x88: {  	s2 =	sld [smem:$0x3FD9]  }
0x89: {  	s3 =	sld [smem:$0x3FFE];
	_ =	sdelay $0x1  }
0x8a: {  	s1 =	srdreg.scid  }
0x8b: {  	s0 =	sand.u32 $0x1, s1  }
0x8c: {  	s16 =	sshll.u32 s0, $0xA;
	s2 =	sadd.s32 s3, s2  }
0x8d: {  	s2 =	sadd.s32 s2, s16  }
0x8e: {  	[smem:$0x3FC5] =	sst s2  }
0x8f: {  	_ = 	snop  }
0x90: {  	(tm) =	ssettm $0x1  }
0x91: {  	s17 =	sld [smem:$0x3FFB];
	_ =	sdelay $0x3  }
0x92: {  	_ =	strace s17  }
0x93: {  	s2 =	sld [smem:$0x3FFC];
	_ =	sdelay $0x3  }
0x94: {  	_ =	strace s2  }
0x95: {  	s2 =	sld [smem:$0x3FFD];
	_ =	sdelay $0x3  }
0x96: {  	_ =	strace s2  }
0x97: {  	_ =	strace $0x8FFFFFFF  }
0x98: {  	s18 =	sld [smem:$0x3FDB];
	_ =	sdelay $0x1  }
0x99: {  	s19 =	simm.s32 $_scs_section_size  }
0x9a: {  	s4 =	simm.s32 $_size__tile_overlayer_lowered;
	s5 =	simm.s32 $_tile_overlayer_lowered  }
0x9b: {  	s22 =	simm.s32 $0x1BFF;
	s21 =	sshll.u32 s5, $0x1;
	s2 =	sadd.s32 s19, s18  }
0x9c: {  	s6 =	simm.s32 $0x0;
	s20 =	sshll.u32 s4, $0x1;
	s4 =	sadd.s32 s21, s2  }
0x9d: {  	[timem:s6], [sflag:s22] =	dma.local [hbm:s4], s20  }
0x9e: {  	_ =	swait.ge [sflag:s22], s20  }
0x9f: {  	s3 =	ssub.s32 $0x0, s20;
	[sflag:s22] =	ssyncset.done $0x0  }
0xa0: {  	[sflag:s22] =	ssyncadd.s32 s3;
	_ =	sdelay $0x1  }
0xa1: {  	s23 =	simm.s32 $0x1B8B  }
0xa2: {  	_ =	swait.ge [sflag:s23], $0x1  }
0xa3: {  	[sflag:s23] =	ssyncset.done $0x0  }
0xa4: {  	s25 =	simm.s32 $0x1B8E;
	s24 =	sld [smem:$0x3FFE];
	[sflag:s23] =	ssyncadd.s32 $0xFFFFFFFF  }
0xa5: {  	s26 =	simm.s32 $execute0_lowered;
	[smem:$0x3FD2] =	sst s25  }
0xa6: {  	s4 =	sshll.u32 s26, $0x1;
	_ =	strace $0x80000049;
	[dreg:$0x1] =	wrdreg $0xFFFFFFFF  }
0xa7: {  	s28 =	simm.s32 $_size_execute0_lowered;
	s2 =	sadd.s32 s2, s4;
	[dreg:$0x0] =	wrdreg $0x0  }
0xa8: {  	s4 =	sshll.u32 s28, $0x1;
	[dreg:$0x2] =	wrdreg s2  }
0xa9: {  	[dreg:$0x3] =	wrdreg s4  }
0xaa: {  	[dreg:$0x4] =	wrdreg $0xC0  }
0xab: {  	_ =	task [dreg:s6], $0x5FFFF  }
0xac: {  	[dreg:$0x1] =	wrdreg $0xFFFFFFFF  }
0xad: {  	[dreg:$0x0] =	wrdreg $0x60  }
0xae: {  	[dreg:$0x2] =	wrdreg s24  }
0xaf: {  	[dreg:$0x3] =	wrdreg $0x9  }
0xb0: {  	_ =	task.clear_ibuf [dreg:s6], $0x4FFFF;
	_ =	strace $0x90000049  }
0xb1: {  	s29 =	simm.s32 $0x9;
	_ =	strace $0x8000004B  }
0xb2: {  	_ =	swait.ge [sflag:s29], $0x1  }
0xb3: {  	[sflag:s29] =	ssyncadd.s32 $0xFFFFFFFF  }
0xb4: {  	_ =	strace $0x9000004B  }
0xb5: {  	_ =	sfence  }
0xb6: {  	s30 =	sld [smem:$0x0];
	_ =	sdelay $0x2  }
0xb7: {  	s31 =	sshll.u32 s1, $0xD;
	s1 =	sshrl.u32 s1, $0x2  }
0xb8: {  	s3 =	sand.u32 $0x4000, s31;
	s1 =	sadd.s32 s1, s30  }
0xb9: {  	s0 =	sor.u32 s3, s0;
	s1 =	sshll.u32 s1, $0x11  }
0xba: {  	s0 =	sor.u32 s1, s0  }
0xbb: {  	s0 =	sadd.s32 $0x8F2B, s0  }
0xbc: {  	[sflag:s0] =	ssyncadd.remote.s32 $0x1  }
0xbd: {  	_ =	sfence.sel $0xFFFF  }
0xbe: {  	[dreg:$0x0] =	wrdreg $0xFFFFFFFF;
	(pc) =	sbr.abs _section_cstart, $3  }
0xbf: {  	[dreg:$0x1] =	wrdreg $0xFFFFFFFF  }
0xc0: {  	_ =	task.clear_ibuf [dreg:s6], $0x2FFFF;
	_ =	strace $0x9FFFFFFF  }
0xc1: {  	(tm) =	ssettm $0x7FFFFFFF  }
tec
execute0_lowered:
.L_overlay_start_1:
0x0: {  	(tag) =	ssettag $0x1  }
0x1: {  	s1 =	srdreg.scid  }
0x2: {  	s0 =	stileid.u32;
	s4 =	rddreg [dreg:$0x0];
	s2 =	simm.s32 $0x0  }
0x3: {  	s10 =	simm.s32 $0x1;
	s11 =	simm.s32 $0x2;
	s12 =	simm.s32 $0xC000  }
0x4: {  	s3 =	sand.u32 $0x1, s1;
	s5 =	sshll.u32 s0, $0x1;
	s1 =	rddreg [dreg:$0x1]  }
0x5: {  	s13 =	simm.s32 $0x0;
	[smem:$0x7FF] =	sst s2;
	s5 =	sor.u32 s3, s5  }
0x6: {  	_ =	strace $0x8000004A;
	s7 =	ssub.s32 $0x2, s3;
	s3 =	sadd.s32 $0xC00, s4  }
0x7: {  	s6 =	sshll.u32 s5, $0xB;
	s5 =	sshll.u32 s5, $0x4;
	s8 =	sshrl.u32 s7, $0x1  }
0x8: {  	s6 =	sadd.s32 s6, s4;
	s9 =	sadd.s32 s5, s4;
	s7 =	ssub.s32 s7, s8  }
0x9: {  	s8 =	simm.s32 $0x3;
	s4 =	sadd.s32 $0x3E1600, s6;
	s5 =	sadd.s32 $0x3D1600, s6  }
0xa: {  	s6 =	sadd.s32 $0xA00, s9;
	s7 =	smax.u32 s7, $0x1;
	s9 =	simm.s32 $0x8000  }
.LBB2_1:
0xb: {  	[tilespmem:s2], [sflag:$0x3] =	stream.linear.gather [hbm4b:s4+s2], $0x4000, $0x38;
	[tilespmem:$0xC080] =	vst v63  }
0xc: {  	_ =	swait.ge [sflag:s8], $0x4000  }
0xd: {  	s14 =	simm.s32 $0x200;
	s16 =	simm.s32 $0x0;
	[sflag:s8] =	ssyncset.done $0x0  }
0xe: {  	s17 =	simm.s32 $0x4000;
	s15 =	simm.s32 $0x80;
	[sflag:s8] =	ssyncadd.s32 $0xFFFFC000  }
0xf: {  	[tilespmem:s9], [sflag:$0x2] =	stream.linear.gather [hbm4b:s5+s2], $0x4000, $0x38;
	[tilespmem:$0xC080] =	vst v63  }
.LBB2_2:
0x10: {  	[tilespmem:s17], [sflag:$0x1] =	stream.indirect.gather [hbm4b:s3+s15], $0x1, s16, s15, $0xb8;
	[tilespmem:$0xC080] =	vst v63  }
0x11: {  	s16 =	smov.u32 s14;
	p0 =	sne.s32 s14, $0xFE00  }
.Ltmp0:
0x12: {  	s14 =	sadd.s32 $0x200, s14;
	(pc) =	sbr.rel @p0 .LBB2_2-.Ltmp0, $3  }
0x13: {  	_ =	sdelay $0x1  }
0x14: {  	s16 =	sshra.s32 s16, $0x2  }
0x15: {  	s17 =	sadd.s32 $0x4000, s16  }
0x16: {  	[tilespmem:s17], [sflag:$0x1] =	stream.indirect.gather [hbm4b:s3+s15], $0x1, s16, s15, $0xb8;
	[tilespmem:$0xC080] =	vst v63  }
0x17: {  	_ =	swait.ge [sflag:s10], $0x80  }
0x18: {  	s14 =	simm.s32 $0x7F;
	[sflag:s10] =	ssyncset.done $0x0  }
.LBB2_4:
0x19: {  	p0 =	sne.s32 s14, $0x1;
	s14 =	sadd.s32 $0xFFFFFFFF, s14;
	[sflag:s10] =	ssyncadd.s32 $0xFFFFFF80  }
.Ltmp1:
0x1a: {  	(pc) =	sbr.rel @p0 .LBB2_4-.Ltmp1, $3  }
0x1b: {  	_ =	sdelay $0x1  }
0x1c: {  	_ =	swait.ge [sflag:s10], $0x80  }
0x1d: {  	[sflag:s10] =	ssyncset.done $0x0  }
0x1e: {  	[sflag:s10] =	ssyncadd.s32 $0xFFFFFF80  }
0x1f: {  	_ =	swait.ge [sflag:s11], $0x4000  }
0x20: {  	[sflag:s11] =	ssyncset.done $0x0  }
0x21: {  	s15 =	simm.s32 $0x0;
	[sflag:s11] =	ssyncadd.s32 $0xFFFFC000  }
0x22: {  	v0 =	vld [tilespmem:s15+$0x4000]  }
0x23: {  	v1 =	vld [tilespmem:s15+$0x8000]  }
0x24: {  	v2 =	vld [tilespmem:s15+$0x4010]  }
0x25: {  	v3 =	vld [tilespmem:s15+$0x8010]  }
0x26: {  	v4 =	vld [tilespmem:s15+$0x4020]  }
0x27: {  	v5 =	vld [tilespmem:s15+$0x8020]  }
0x28: {  	v6 =	vld [tilespmem:s15+$0x8030];
	v0 =	vsub.f32 v1, v0  }
0x29: {  	v1 =	vld [tilespmem:s15+$0x4030]  }
0x2a: {  	v7 =	vld [tilespmem:s15+$0x4040];
	v2 =	vsub.f32 v3, v2;
	v0 =	vmul.f32 v0, v0  }
0x2b: {  	v8 =	vld [tilespmem:s15+$0x8040];
	v3 =	vimm.f32 $0.0e+00  }
0x2c: {  	v9 =	vld [tilespmem:s15+$0x4050];
	v2 =	vmul.f32 v2, v2;
	v0 =	vadd.f32 v0, v3;
	v3 =	vsub.f32 v5, v4  }
0x2d: {  	v10 =	vld [tilespmem:s15+$0x8050]  }
0x2e: {  	v1 =	vsub.f32 v6, v1;
	v2 =	vadd.f32 v2, v0;
	v4 =	vmul.f32 v3, v3;
	v0 =	vld [tilespmem:s15+$0x4060]  }
0x2f: {  	v3 =	vld [tilespmem:s15+$0x8060]  }
0x30: {  	v7 =	vsub.f32 v8, v7;
	v6 =	vmul.f32 v1, v1;
	v1 =	vld [tilespmem:s15+$0x4070];
	v5 =	vadd.f32 v4, v2  }
0x31: {  	s14 =	simm.s32 $0x80;
	v4 =	vld [tilespmem:s15+$0x8070]  }
0x32: {  	v2 =	vld [tilespmem:s14+$0x4000];
	s15 =	simm.s32 $0x400;
	v5 =	vadd.f32 v6, v5;
	v6 =	vmul.f32 v7, v7;
	v7 =	vsub.f32 v10, v9  }
.LBB2_6:
0x33: {  	p0 =	sne.s32 s15, $0xFE00;
	v8 =	vld [tilespmem:s14+$0x8000]  }
0x34: {  	v9 =	vld [tilespmem:s14+$0x4010];
	v5 =	vadd.f32 v6, v5;
	v6 =	vmul.f32 v7, v7;
	v0 =	vsub.f32 v3, v0  }
0x35: {  	v3 =	vld [tilespmem:s14+$0x8010]  }
0x36: {  	v7 =	vld [tilespmem:s14+$0x4020];
	v5 =	vadd.f32 v6, v5;
	v0 =	vmul.f32 v0, v0;
	v1 =	vsub.f32 v4, v1  }
0x37: {  	v4 =	vld [tilespmem:s14+$0x8020]  }
0x38: {  	v2 =	vsub.f32 v8, v2;
	v6 =	vld [tilespmem:s14+$0x4030];
	v0 =	vadd.f32 v0, v5;
	v1 =	vmul.f32 v1, v1  }
0x39: {  	v5 =	vld [tilespmem:s14+$0x8030]  }
0x3a: {  	v2 =	vmul.f32 v2, v2;
	v3 =	vsub.f32 v3, v9;
	v8 =	vld [tilespmem:s14+$0x4040];
	v0 =	vadd.f32 v1, v0  }
0x3b: {  	v1 =	vld [tilespmem:s14+$0x8040]  }
0x3c: {  	v0 =	vadd.f32 v2, v0;
	v2 =	vmul.f32 v3, v3;
	v3 =	vsub.f32 v4, v7;
	v7 =	vld [tilespmem:s14+$0x4050]  }
0x3d: {  	v9 =	vld [tilespmem:s14+$0x8050]  }
.Ltmp2:
0x3e: {  	v2 =	vadd.f32 v2, v0;
	v4 =	vmul.f32 v3, v3;
	v5 =	vsub.f32 v5, v6;
	v0 =	vld [tilespmem:s14+$0x4060];
	(pc) =	sbr.rel @p0 .LBB2_6-.Ltmp2, $4  }
0x3f: {  	v3 =	vld [tilespmem:s14+$0x8060]  }
0x40: {  	v6 =	vadd.f32 v4, v2;
	v5 =	vmul.f32 v5, v5;
	v8 =	vsub.f32 v1, v8;
	v1 =	vld [tilespmem:s14+$0x4070]  }
0x41: {  	v4 =	vld [tilespmem:s14+$0x8070];
	s14 =	sshra.s32 s15, $0x2  }
0x42: {  	s15 =	sadd.s32 $0x200, s15;
	v2 =	vld [tilespmem:s14+$0x4000];
	v5 =	vadd.f32 v5, v6;
	v6 =	vmul.f32 v8, v8;
	v7 =	vsub.f32 v9, v7  }
0x43: {  	v8 =	vld [tilespmem:s14+$0x8000]  }
0x44: {  	v9 =	vld [tilespmem:s14+$0x4010];
	v5 =	vadd.f32 v6, v5;
	v39 =	vmul.f32 v7, v7;
	v0 =	vsub.f32 v3, v0  }
0x45: {  	v40 =	vld [tilespmem:s14+$0x8010]  }
0x46: {  	v41 =	vld [tilespmem:s14+$0x4020];
	v5 =	vadd.f32 v39, v5;
	v0 =	vmul.f32 v0, v0;
	v1 =	vsub.f32 v4, v1  }
0x47: {  	v42 =	vld [tilespmem:s14+$0x8020]  }
0x48: {  	v43 =	vld [tilespmem:s14+$0x4030];
	v2 =	vsub.f32 v8, v2;
	v0 =	vadd.f32 v0, v5;
	v1 =	vmul.f32 v1, v1  }
0x49: {  	v44 =	vld [tilespmem:s14+$0x8030]  }
0x4a: {  	v45 =	vld [tilespmem:s14+$0x4040];
	v3 =	vsub.f32 v40, v9;
	v2 =	vmul.f32 v2, v2;
	v0 =	vadd.f32 v1, v0  }
0x4b: {  	v46 =	vld [tilespmem:s14+$0x8040]  }
0x4c: {  	v49 =	vld [tilespmem:s14+$0x4050];
	v48 =	vsub.f32 v42, v41;
	v47 =	vmul.f32 v3, v3;
	v0 =	vadd.f32 v2, v0  }
0x4d: {  	v50 =	vld [tilespmem:s14+$0x8050]  }
0x4e: {  	v53 =	vld [tilespmem:s14+$0x4060];
	v52 =	vsub.f32 v44, v43;
	v51 =	vmul.f32 v48, v48;
	v0 =	vadd.f32 v47, v0  }
0x4f: {  	v54 =	vld [tilespmem:s14+$0x8060]  }
0x50: {  	v56 =	vld [tilespmem:s14+$0x4070];
	v55 =	vmul.f32 v52, v52;
	v1 =	vsub.f32 v46, v45;
	v0 =	vadd.f32 v51, v0  }
0x51: {  	v57 =	vld [tilespmem:s14+$0x8070]  }
0x52: {  	v58 =	vsub.f32 v50, v49;
	v1 =	vmul.f32 v1, v1;
	v0 =	vadd.f32 v55, v0;
	_ =	sdelay $0x1  }
0x53: {  	v60 =	vsub.f32 v54, v53;
	v59 =	vmul.f32 v58, v58;
	v0 =	vadd.f32 v1, v0;
	_ =	sdelay $0x1  }
0x54: {  	v62 =	vsub.f32 v57, v56;
	v61 =	vmul.f32 v60, v60;
	v0 =	vadd.f32 v59, v0;
	_ =	sdelay $0x1  }
0x55: {  	v63 =	vmul.f32 v62, v62;
	v0 =	vadd.f32 v61, v0;
	_ =	sdelay $0x1  }
0x56: {  	s13 =	sadd.s32 $0x1, s13;
	v0 =	vadd.f32 v63, v0  }
0x57: {  	p0 =	sne.s32 s13, s7  }
.Ltmp3:
0x58: {  	[tilespmem:$0xC000] =	vst v0;
	(pc) =	sbr.rel @p0 .LBB2_1-.Ltmp3, $4  }
0x59: {  	[hbm4b:s6+s2] =	stream.linear.scatter [tilespmem:s12], [sflag:$0x3], $0x80, $0x38;
	[tilespmem:$0xC080] =	vst v63  }
0x5a: {  	_ =	swait.ge [sflag:s8], $0x80  }
0x5b: {  	[sflag:s8] =	ssyncset.done $0x0  }
0x5c: {  	[sflag:s8] =	ssyncadd.s32 $0xFFFFFF80  }
0x5d: {  	_ =	sfence.sel $0x180000  }
0x5e: {  	[bflag:$0x0] =	sbarrier.arrive $0xFFFF  }
0x5f: {  	p0 =	sne.s32 s0, $0x0;
	_ =	strace $0x9000004A  }
0x60: {  	s0 =	sadd.s32 @!p0 $0x100000, s1;
	[bflag:$0x2] =	sbarrier.arrive $0xFFFF  }
0x61: {  	[sflag:s0] =	ssyncadd.tile.s32 @!p0 $0x1;
	_ =	shalt  }
.Lfunc_end2:
_tile_overlayer_lowered:
.L_overlay_start_2:
0x62: {  	(tag) =	ssettag $0x2  }
0x63: {  	s0 =	rddreg [dreg:$0x0];
	s2 =	stileid.u32  }
0x64: {  	s1 =	rddreg [dreg:$0x1];
	p0 =	sne.s32 s2, $0x0  }
0x65: {  	s3 =	rddreg [dreg:$0x2];
	[bflag:$0x3] =	sbarrier.arrive $0xFFFF;
	s2 =	simm.s32 @!p0 $0x1C03  }
0x66: {  	[timem:s3], [sflag:s2] =	dma.local @!p0 [hbm:s0], s1  }
0x67: {  	s0 =	simm.s32 @!p0 $0x3  }
0x68: {  	_ =	swait.ge @!p0 [sflag:s0], s1  }
0x69: {  	s1 =	ssub.s32 @!p0 $0x0, s1;
	[sflag:s0] =	ssyncset.done @!p0 $0x0  }
0x6a: {  	[sflag:s0] =	ssyncadd.s32 @!p0 s1  }
0x6b: {  	[bflag:$0x3] =	sbarrier.arrive $0xFFFF  }
0x6c: {  	_ =	shalt  }

</sc_bundles>
